<compile_context>
chip_gen: v7x
topology: tpu7x:2x2x1
jax: 0.10.2.dev20260603
libtpu: 0.0.44.dev20260713+nightly
codegen_flags: <defaults>
</compile_context>

<pallas_src>
import functools

import jax
import jax.numpy as jnp
from jax import lax
from jax.experimental import pallas as pl
from jax.experimental.pallas import tpu as pltpu
from jax.experimental.pallas import tpu_sc as plsc

VOCAB = 30522
MAX_POS = 512
HIDDEN = 768
EPS = 1e-12

NC = 2
NS = 16
NW = NC * NS
CHUNK = 64


def _sc_word_gather(word_w, idx1, tok0, n_tokens):
    b_per_w = n_tokens // NW
    chunk = max(c for c in range(1, min(CHUNK, b_per_w) + 1)
                if b_per_w % c == 0)
    n_chunks = b_per_w // chunk
    mesh = plsc.VectorSubcoreMesh(core_axis_name="c", subcore_axis_name="s")

    @functools.partial(
        pl.kernel,
        mesh=mesh,
        out_type=jax.ShapeDtypeStruct((n_tokens, HIDDEN), jnp.float32),
        scratch_types=[
            pltpu.VMEM((b_per_w,), jnp.int32),
            pltpu.VMEM((2, chunk, HIDDEN), jnp.float32),
            pltpu.SemaphoreType.DMA,
            pltpu.SemaphoreType.DMA,
            pltpu.SemaphoreType.DMA,
        ],
    )
    def gather_kernel(table_hbm, idx_hbm, out_hbm, idx_v, rows_v, sem_g,
                      sem_w0, sem_w1):
        wid = lax.axis_index("s") * NC + lax.axis_index("c")
        base = wid * b_per_w
        pltpu.sync_copy(idx_hbm.at[pl.ds(tok0 + base, b_per_w)], idx_v)
        sem_w = (sem_w0, sem_w1)

        def gather_to(j, buf):
            return pltpu.make_async_copy(
                table_hbm.at[idx_v.at[pl.ds(j * chunk, chunk)]],
                rows_v.at[buf], sem_g)

        def write_from(j, buf):
            return pltpu.make_async_copy(
                rows_v.at[buf], out_hbm.at[pl.ds(base + j * chunk, chunk)],
                sem_w[buf])

        gather_to(0, 0).start()
        for j in range(n_chunks):
            b = j & 1
            gather_to(j, b).wait()
            if j + 1 < n_chunks:
                if j >= 1:
                    write_from(j - 1, 1 - b).wait()
                gather_to(j + 1, 1 - b).start()
            write_from(j, b).start()
        write_from(n_chunks - 1, (n_chunks - 1) & 1).wait()
        if n_chunks >= 2:
            write_from(n_chunks - 2, (n_chunks - 2) & 1).wait()

    return gather_kernel(word_w, idx1)


def _tc_fuse_kernel(w_ref, pid_ref, tid_ref, posw_ref, typew_ref, lnw_ref,
                    lnb_ref, out_ref):
    pid = pid_ref[0, 0, :]
    tid = tid_ref[0, 0, :]
    onehot = (pid[:, None] == lax.broadcasted_iota(
        jnp.int32, (pid.shape[0], MAX_POS), 1)).astype(jnp.bfloat16)
    p = lax.dot_general(
        onehot, posw_ref[...],
        (((1,), (0,)), ((), ())), preferred_element_type=jnp.float32)
    row0 = typew_ref[0:1, :]
    row1 = typew_ref[1:2, :]
    t = tid.astype(jnp.float32)[:, None]
    x = w_ref[...] + p + row0 + t * (row1 - row0)
    mean = jnp.mean(x, axis=1, keepdims=True)
    xc = x - mean
    var = jnp.mean(xc * xc, axis=1, keepdims=True)
    y = xc * lax.rsqrt(var + EPS)
    out_ref[...] = y * lnw_ref[...] + lnb_ref[...]


def _tc_fuse_alias_kernel(prev_ref, w_ref, pid_ref, tid_ref, posw_ref,
                          typew_ref, lnw_ref, lnb_ref, out_ref):
    del prev_ref
    _tc_fuse_kernel(w_ref, pid_ref, tid_ref, posw_ref, typew_ref, lnw_ref,
                    lnb_ref, out_ref)


SLICE_BLOCKS = (4, 4, 4, 4)
BLOCK_T = 1024


def kernel(input_ids, token_type_ids, position_ids, word_w, pos_w, type_w,
           ln_w, ln_b):
    batch, seq = input_ids.shape
    n_tokens = batch * seq
    n_blocks = n_tokens // BLOCK_T
    assert sum(SLICE_BLOCKS) == n_blocks

    ids1 = input_ids.astype(jnp.int32).reshape(n_tokens)
    w_slices = []
    off = 0
    for bl in SLICE_BLOCKS:
        w_slices.append(_sc_word_gather(word_w, ids1, off * BLOCK_T,
                                        bl * BLOCK_T))
        off += bl

    pid3 = position_ids.astype(jnp.int32).reshape(n_blocks, 1, BLOCK_T)
    tid3 = token_type_ids.astype(jnp.int32).reshape(n_blocks, 1, BLOCK_T)
    lnw2 = ln_w.reshape(1, HIDDEN)
    lnb2 = ln_b.reshape(1, HIDDEN)
    posw_bf16 = pos_w.astype(jnp.bfloat16)

    out = None
    off = 0
    for s, bl in enumerate(SLICE_BLOCKS):
        in_specs = [
            pl.BlockSpec((BLOCK_T, HIDDEN), lambda i: (i, 0)),
            pl.BlockSpec((1, 1, BLOCK_T), lambda i, o=off: (i + o, 0, 0)),
            pl.BlockSpec((1, 1, BLOCK_T), lambda i, o=off: (i + o, 0, 0)),
            pl.BlockSpec((MAX_POS, HIDDEN), lambda i: (0, 0)),
            pl.BlockSpec((2, HIDDEN), lambda i: (0, 0)),
            pl.BlockSpec((1, HIDDEN), lambda i: (0, 0)),
            pl.BlockSpec((1, HIDDEN), lambda i: (0, 0)),
        ]
        out_spec = pl.BlockSpec((BLOCK_T, HIDDEN), lambda i, o=off: (i + o, 0))
        args = (w_slices[s], pid3, tid3, posw_bf16, type_w, lnw2, lnb2)
        if s == 0:
            out = pl.pallas_call(
                _tc_fuse_kernel,
                grid=(bl,),
                in_specs=in_specs,
                out_specs=out_spec,
                out_shape=jax.ShapeDtypeStruct((n_tokens, HIDDEN), jnp.float32),
            )(*args)
        else:
            out = pl.pallas_call(
                _tc_fuse_alias_kernel,
                grid=(bl,),
                in_specs=[pl.BlockSpec(memory_space=pl.ANY)] + in_specs,
                out_specs=out_spec,
                out_shape=jax.ShapeDtypeStruct((n_tokens, HIDDEN), jnp.float32),
                input_output_aliases={0: 0},
            )(out, *args)
        off += bl

    return out.reshape(batch, seq, HIDDEN)

# --- scband reference (transcript-rebuilt; emitter-appended) ---
"""Pipeline reference for scband-bert-embeddings-v1-23089744183833 (READ-ONLY COPY).

The authoritative reference and input builder live on the scoring server;
editing this copy changes nothing except your own understanding.
"""

import jax, jax.numpy as jnp
import numpy as np

VOCAB = 30522
MAX_POS = 512
TYPE_VOCAB = 2
HIDDEN = 768
BATCH = 32
SEQ = 512
EPS = 1e-12


def setup_inputs(seed: int = 0) -> dict:
    key = jax.random.key(seed)
    k1, k2, k3, k4, k5, k6 = jax.random.split(key, 6)
    input_ids = jax.random.randint(k1, (BATCH, SEQ), 0, VOCAB, dtype=jnp.int64 if jax.config.jax_enable_x64 else jnp.int32)
    token_type_ids = jax.random.randint(k2, (BATCH, SEQ), 0, TYPE_VOCAB, dtype=input_ids.dtype)
    position_ids = jax.random.randint(k3, (BATCH, SEQ), 0, MAX_POS, dtype=input_ids.dtype)
    word_w = jax.random.normal(k4, (VOCAB, HIDDEN), dtype=jnp.float32) * 0.02
    # padding_idx=0 -> zero row, matching nn.Embedding(padding_idx=0) init
    word_w = word_w.at[0].set(0.0)
    pos_w = jax.random.normal(k5, (MAX_POS, HIDDEN), dtype=jnp.float32) * 0.02
    type_w = jax.random.normal(k6, (TYPE_VOCAB, HIDDEN), dtype=jnp.float32) * 0.02
    ln_w = jnp.ones((HIDDEN,), dtype=jnp.float32)
    ln_b = jnp.zeros((HIDDEN,), dtype=jnp.float32)
    return {
        "input_ids": input_ids,
        "token_type_ids": token_type_ids,
        "position_ids": position_ids,
        "word_w": word_w,
        "pos_w": pos_w,
        "type_w": type_w,
        "ln_w": ln_w,
        "ln_b": ln_b,
    }


def _layer_norm(x, w, b, eps):
    mean = jnp.mean(x, axis=-1, keepdims=True)
    var = jnp.mean(jnp.square(x - mean), axis=-1, keepdims=True)
    xhat = (x - mean) / jnp.sqrt(var + eps)
    return xhat * w + b


def reference(input_ids, token_type_ids, position_ids, word_w, pos_w, type_w, ln_w, ln_b):
    # DynaEmbedding with hidden_mult=1.0 / width_mult=1.0 uses full tables.
    words_embeddings = jnp.take(word_w, input_ids, axis=0)
    position_embeddings = jnp.take(pos_w, position_ids, axis=0)
    token_type_embeddings = jnp.take(type_w, token_type_ids, axis=0)
    embeddings = words_embeddings + position_embeddings + token_type_embeddings
    embeddings = _layer_norm(embeddings, ln_w, ln_b, EPS)
    # dropout is identity in eval mode / deterministic reference
    return embeddings

if __name__ == "__main__":
    import jax
    _d = setup_inputs()
    print(jax.jit(kernel)(*tuple(_d.values())))

</pallas_src>

<mosaic_0001>
#map = affine_map<(d0, d1) -> (0, 0)>
#map1 = affine_map<(d0, d1) -> (0)>
module attributes {stable_mosaic.version = 14 : i64} {
  func.func @gather_kernel(%arg0: i32, %arg1: i32, %arg2: memref<30522x768xf32, #tpu.memory_space<hbm>>, %arg3: memref<16384xi32, #tpu.memory_space<hbm>>, %arg4: memref<4096x768xf32, #tpu.memory_space<hbm>>, %arg5: memref<128xi32, #tpu.memory_space<vmem>>, %arg6: memref<2x64x768xf32, #tpu.memory_space<vmem>>, %arg7: memref<!tpu.dma_semaphore, #tpu.memory_space<semaphore_mem>>, %arg8: memref<!tpu.dma_semaphore, #tpu.memory_space<semaphore_mem>>, %arg9: memref<!tpu.dma_semaphore, #tpu.memory_space<semaphore_mem>>) attributes {dimension_semantics = [#tpu.dimension_semantics<core_parallel>, #tpu.dimension_semantics<subcore_parallel>], iteration_bounds = array<i64: 2, 16>, scalar_prefetch = 0 : i64, scratch_operands = 5 : i64, tpu.core_type = #tpu.core_type<sc_vector_subcore>, window_params = [{transform_indices = #map}, {transform_indices = #map1}, {transform_indices = #map}]} {
    %mul3A = arith.constant 2 : i32
    %mul3A_0 = arith.muli %arg1, %mul3A : i32
    %add3A = arith.addi %mul3A_0, %arg0 : i32
    %mul3A_1 = arith.constant 128 : i32
    %mul3A_2 = arith.muli %add3A, %mul3A_1 : i32
    %add3A_3 = arith.constant 8192 : i32
    %add3A_4 = arith.addi %add3A_3, %mul3A_2 : i32
    "tpu.region"() ({
      %run_scoped3A = tpu.sem_alloc : memref<!tpu.dma_semaphore, #tpu.memory_space<semaphore_mem>>
      %dma_start3A_103 = tpu.memref_slice %arg3[%add3A_4] : memref<16384xi32, #tpu.memory_space<hbm>> -> memref<128xi32, #tpu.memory_space<hbm>>
      %dma_start3A_104 = tpu.memref_slice %arg3[%add3A_4] : memref<16384xi32, #tpu.memory_space<hbm>> -> memref<128xi32, #tpu.memory_space<hbm>>
      tpu.enqueue_dma source(%dma_start3A_104 : memref<128xi32, #tpu.memory_space<hbm>>) target(%arg5 : memref<128xi32, #tpu.memory_space<vmem>>) target_semaphore(%run_scoped3A : memref<!tpu.dma_semaphore, #tpu.memory_space<semaphore_mem>>)
      %dma_wait3A_105 = tpu.memref_slice %arg3[%add3A_4] : memref<16384xi32, #tpu.memory_space<hbm>> -> memref<128xi32, #tpu.memory_space<hbm>>
      %dma_wait3A_106 = tpu.memref_slice %arg3[%add3A_4] : memref<16384xi32, #tpu.memory_space<hbm>> -> memref<128xi32, #tpu.memory_space<hbm>>
      tpu.wait_dma2 semaphore(%run_scoped3A : memref<!tpu.dma_semaphore, #tpu.memory_space<semaphore_mem>>) src(%dma_wait3A_106 : memref<128xi32, #tpu.memory_space<hbm>>) dst(%arg5 : memref<128xi32, #tpu.memory_space<vmem>>)
      tpu.yield
    }) : () -> ()
    %dma_start3A = arith.constant 0 : i32
    %dma_start3A_5 = arith.constant 0 : i32
    %dma_start3A_6 = arith.constant 0 : i32
    %dma_start3A_7 = tpu.memref_slice %arg6[%dma_start3A, %dma_start3A_5, %dma_start3A_6] : memref<2x64x768xf32, #tpu.memory_space<vmem>> -> memref<1x64x768xf32, #tpu.memory_space<vmem>>
    %dma_start3A_8 = tpu.memref_squeeze %dma_start3A_7 : memref<1x64x768xf32, #tpu.memory_space<vmem>> -> memref<64x768xf32, #tpu.memory_space<vmem>>
    %dma_start3A_9 = arith.constant 0 : i32
    %dma_start3A_10 = tpu.memref_slice %arg5[%dma_start3A_9] : memref<128xi32, #tpu.memory_space<vmem>> -> memref<64xi32, #tpu.memory_space<vmem>>
    %dma_start3A_11 = arith.constant 0 : i32
    %dma_start3A_12 = arith.constant 0 : i32
    %dma_start3A_13 = tpu.memref_slice %arg2[%dma_start3A_11, %dma_start3A_12] : memref<30522x768xf32, #tpu.memory_space<hbm>> -> memref<30522x768xf32, #tpu.memory_space<hbm>>
    tpu.enqueue_indirect_dma source(%dma_start3A_13 : memref<30522x768xf32, #tpu.memory_space<hbm>>) target(%dma_start3A_8 : memref<64x768xf32, #tpu.memory_space<vmem>>) offsets(%dma_start3A_10 : memref<64xi32, #tpu.memory_space<vmem>>) semaphore(%arg7 : memref<!tpu.dma_semaphore, #tpu.memory_space<semaphore_mem>>)
    %dma_wait3A = arith.constant 0 : i32
    %dma_wait3A_14 = arith.constant 0 : i32
    %dma_wait3A_15 = arith.constant 0 : i32
    %dma_wait3A_16 = tpu.memref_slice %arg6[%dma_wait3A, %dma_wait3A_14, %dma_wait3A_15] : memref<2x64x768xf32, #tpu.memory_space<vmem>> -> memref<1x64x768xf32, #tpu.memory_space<vmem>>
    %dma_wait3A_17 = tpu.memref_squeeze %dma_wait3A_16 : memref<1x64x768xf32, #tpu.memory_space<vmem>> -> memref<64x768xf32, #tpu.memory_space<vmem>>
    %dma_wait3A_18 = arith.constant 0 : i32
    %dma_wait3A_19 = tpu.memref_slice %arg5[%dma_wait3A_18] : memref<128xi32, #tpu.memory_space<vmem>> -> memref<64xi32, #tpu.memory_space<vmem>>
    %dma_wait3A_20 = arith.constant 0 : i32
    %dma_wait3A_21 = arith.constant 0 : i32
    %dma_wait3A_22 = tpu.memref_slice %arg2[%dma_wait3A_20, %dma_wait3A_21] : memref<30522x768xf32, #tpu.memory_space<hbm>> -> memref<30522x768xf32, #tpu.memory_space<hbm>>
    tpu.wait_indirect_dma semaphore(%arg7 : memref<!tpu.dma_semaphore, #tpu.memory_space<semaphore_mem>>) src(%dma_wait3A_22 : memref<30522x768xf32, #tpu.memory_space<hbm>>) dst(%dma_wait3A_17 : memref<64x768xf32, #tpu.memory_space<vmem>>)
    %dma_start3A_23 = arith.constant 1 : i32
    %dma_start3A_24 = arith.constant 0 : i32
    %dma_start3A_25 = arith.constant 0 : i32
    %dma_start3A_26 = tpu.memref_slice %arg6[%dma_start3A_23, %dma_start3A_24, %dma_start3A_25] : memref<2x64x768xf32, #tpu.memory_space<vmem>> -> memref<1x64x768xf32, #tpu.memory_space<vmem>>
    %dma_start3A_27 = tpu.memref_squeeze %dma_start3A_26 : memref<1x64x768xf32, #tpu.memory_space<vmem>> -> memref<64x768xf32, #tpu.memory_space<vmem>>
    %dma_start3A_28 = arith.constant 64 : i32
    %dma_start3A_29 = tpu.memref_slice %arg5[%dma_start3A_28] : memref<128xi32, #tpu.memory_space<vmem>> -> memref<64xi32, #tpu.memory_space<vmem>>
    %dma_start3A_30 = arith.constant 0 : i32
    %dma_start3A_31 = arith.constant 0 : i32
    %dma_start3A_32 = tpu.memref_slice %arg2[%dma_start3A_30, %dma_start3A_31] : memref<30522x768xf32, #tpu.memory_space<hbm>> -> memref<30522x768xf32, #tpu.memory_space<hbm>>
    tpu.enqueue_indirect_dma source(%dma_start3A_32 : memref<30522x768xf32, #tpu.memory_space<hbm>>) target(%dma_start3A_27 : memref<64x768xf32, #tpu.memory_space<vmem>>) offsets(%dma_start3A_29 : memref<64xi32, #tpu.memory_space<vmem>>) semaphore(%arg7 : memref<!tpu.dma_semaphore, #tpu.memory_space<semaphore_mem>>)
    %add3A_33 = arith.constant 0 : i32
    %add3A_34 = arith.addi %mul3A_2, %add3A_33 : i32
    %dma_start3A_35 = arith.constant 0 : i32
    %dma_start3A_36 = arith.constant 0 : i32
    %dma_start3A_37 = arith.constant 0 : i32
    %dma_start3A_38 = tpu.memref_slice %arg6[%dma_start3A_35, %dma_start3A_36, %dma_start3A_37] : memref<2x64x768xf32, #tpu.memory_space<vmem>> -> memref<1x64x768xf32, #tpu.memory_space<vmem>>
    %dma_start3A_39 = tpu.memref_squeeze %dma_start3A_38 : memref<1x64x768xf32, #tpu.memory_space<vmem>> -> memref<64x768xf32, #tpu.memory_space<vmem>>
    %dma_start3A_40 = arith.constant 0 : i32
    %dma_start3A_41 = tpu.memref_slice %arg4[%add3A_34, %dma_start3A_40] : memref<4096x768xf32, #tpu.memory_space<hbm>> -> memref<64x768xf32, #tpu.memory_space<hbm>>
    %dma_start3A_42 = arith.constant 0 : i32
    %dma_start3A_43 = tpu.memref_slice %arg4[%add3A_34, %dma_start3A_42] : memref<4096x768xf32, #tpu.memory_space<hbm>> -> memref<64x768xf32, #tpu.memory_space<hbm>>
    %dma_start3A_44 = arith.constant 0 : i32
    %dma_start3A_45 = arith.constant 0 : i32
    %dma_start3A_46 = tpu.memref_slice %arg6[%dma_start3A_35, %dma_start3A_44, %dma_start3A_45] : memref<2x64x768xf32, #tpu.memory_space<vmem>> -> memref<1x64x768xf32, #tpu.memory_space<vmem>>
    %dma_start3A_47 = tpu.memref_squeeze %dma_start3A_46 : memref<1x64x768xf32, #tpu.memory_space<vmem>> -> memref<64x768xf32, #tpu.memory_space<vmem>>
    tpu.enqueue_dma source(%dma_start3A_47 : memref<64x768xf32, #tpu.memory_space<vmem>>) target(%dma_start3A_43 : memref<64x768xf32, #tpu.memory_space<hbm>>) target_semaphore(%arg8 : memref<!tpu.dma_semaphore, #tpu.memory_space<semaphore_mem>>)
    %dma_wait3A_48 = arith.constant 1 : i32
    %dma_wait3A_49 = arith.constant 0 : i32
    %dma_wait3A_50 = arith.constant 0 : i32
    %dma_wait3A_51 = tpu.memref_slice %arg6[%dma_wait3A_48, %dma_wait3A_49, %dma_wait3A_50] : memref<2x64x768xf32, #tpu.memory_space<vmem>> -> memref<1x64x768xf32, #tpu.memory_space<vmem>>
    %dma_wait3A_52 = tpu.memref_squeeze %dma_wait3A_51 : memref<1x64x768xf32, #tpu.memory_space<vmem>> -> memref<64x768xf32, #tpu.memory_space<vmem>>
    %dma_wait3A_53 = arith.constant 64 : i32
    %dma_wait3A_54 = tpu.memref_slice %arg5[%dma_wait3A_53] : memref<128xi32, #tpu.memory_space<vmem>> -> memref<64xi32, #tpu.memory_space<vmem>>
    %dma_wait3A_55 = arith.constant 0 : i32
    %dma_wait3A_56 = arith.constant 0 : i32
    %dma_wait3A_57 = tpu.memref_slice %arg2[%dma_wait3A_55, %dma_wait3A_56] : memref<30522x768xf32, #tpu.memory_space<hbm>> -> memref<30522x768xf32, #tpu.memory_space<hbm>>
    tpu.wait_indirect_dma semaphore(%arg7 : memref<!tpu.dma_semaphore, #tpu.memory_space<semaphore_mem>>) src(%dma_wait3A_57 : memref<30522x768xf32, #tpu.memory_space<hbm>>) dst(%dma_wait3A_52 : memref<64x768xf32, #tpu.memory_space<vmem>>)
    %add3A_58 = arith.constant 64 : i32
    %add3A_59 = arith.addi %mul3A_2, %add3A_58 : i32
    %dma_start3A_60 = arith.constant 1 : i32
    %dma_start3A_61 = arith.constant 0 : i32
    %dma_start3A_62 = arith.constant 0 : i32
    %dma_start3A_63 = tpu.memref_slice %arg6[%dma_start3A_60, %dma_start3A_61, %dma_start3A_62] : memref<2x64x768xf32, #tpu.memory_space<vmem>> -> memref<1x64x768xf32, #tpu.memory_space<vmem>>
    %dma_start3A_64 = tpu.memref_squeeze %dma_start3A_63 : memref<1x64x768xf32, #tpu.memory_space<vmem>> -> memref<64x768xf32, #tpu.memory_space<vmem>>
    %dma_start3A_65 = arith.constant 0 : i32
    %dma_start3A_66 = tpu.memref_slice %arg4[%add3A_59, %dma_start3A_65] : memref<4096x768xf32, #tpu.memory_space<hbm>> -> memref<64x768xf32, #tpu.memory_space<hbm>>
    %dma_start3A_67 = arith.constant 0 : i32
    %dma_start3A_68 = tpu.memref_slice %arg4[%add3A_59, %dma_start3A_67] : memref<4096x768xf32, #tpu.memory_space<hbm>> -> memref<64x768xf32, #tpu.memory_space<hbm>>
    %dma_start3A_69 = arith.constant 0 : i32
    %dma_start3A_70 = arith.constant 0 : i32
    %dma_start3A_71 = tpu.memref_slice %arg6[%dma_start3A_60, %dma_start3A_69, %dma_start3A_70] : memref<2x64x768xf32, #tpu.memory_space<vmem>> -> memref<1x64x768xf32, #tpu.memory_space<vmem>>
    %dma_start3A_72 = tpu.memref_squeeze %dma_start3A_71 : memref<1x64x768xf32, #tpu.memory_space<vmem>> -> memref<64x768xf32, #tpu.memory_space<vmem>>
    tpu.enqueue_dma source(%dma_start3A_72 : memref<64x768xf32, #tpu.memory_space<vmem>>) target(%dma_start3A_68 : memref<64x768xf32, #tpu.memory_space<hbm>>) target_semaphore(%arg9 : memref<!tpu.dma_semaphore, #tpu.memory_space<semaphore_mem>>)
    %add3A_73 = arith.constant 64 : i32
    %add3A_74 = arith.addi %mul3A_2, %add3A_73 : i32
    %dma_wait3A_75 = arith.constant 1 : i32
    %dma_wait3A_76 = arith.constant 0 : i32
    %dma_wait3A_77 = arith.constant 0 : i32
    %dma_wait3A_78 = tpu.memref_slice %arg6[%dma_wait3A_75, %dma_wait3A_76, %dma_wait3A_77] : memref<2x64x768xf32, #tpu.memory_space<vmem>> -> memref<1x64x768xf32, #tpu.memory_space<vmem>>
    %dma_wait3A_79 = tpu.memref_squeeze %dma_wait3A_78 : memref<1x64x768xf32, #tpu.memory_space<vmem>> -> memref<64x768xf32, #tpu.memory_space<vmem>>
    %dma_wait3A_80 = arith.constant 0 : i32
    %dma_wait3A_81 = tpu.memref_slice %arg4[%add3A_74, %dma_wait3A_80] : memref<4096x768xf32, #tpu.memory_space<hbm>> -> memref<64x768xf32, #tpu.memory_space<hbm>>
    %dma_wait3A_82 = arith.constant 0 : i32
    %dma_wait3A_83 = tpu.memref_slice %arg4[%add3A_74, %dma_wait3A_82] : memref<4096x768xf32, #tpu.memory_space<hbm>> -> memref<64x768xf32, #tpu.memory_space<hbm>>
    %dma_wait3A_84 = arith.constant 0 : i32
    %dma_wait3A_85 = arith.constant 0 : i32
    %dma_wait3A_86 = tpu.memref_slice %arg6[%dma_wait3A_75, %dma_wait3A_84, %dma_wait3A_85] : memref<2x64x768xf32, #tpu.memory_space<vmem>> -> memref<1x64x768xf32, #tpu.memory_space<vmem>>
    %dma_wait3A_87 = tpu.memref_squeeze %dma_wait3A_86 : memref<1x64x768xf32, #tpu.memory_space<vmem>> -> memref<64x768xf32, #tpu.memory_space<vmem>>
    tpu.wait_dma2 semaphore(%arg9 : memref<!tpu.dma_semaphore, #tpu.memory_space<semaphore_mem>>) src(%dma_wait3A_87 : memref<64x768xf32, #tpu.memory_space<vmem>>) dst(%dma_wait3A_83 : memref<64x768xf32, #tpu.memory_space<hbm>>)
    %add3A_88 = arith.constant 0 : i32
    %add3A_89 = arith.addi %mul3A_2, %add3A_88 : i32
    %dma_wait3A_90 = arith.constant 0 : i32
    %dma_wait3A_91 = arith.constant 0 : i32
    %dma_wait3A_92 = arith.constant 0 : i32
    %dma_wait3A_93 = tpu.memref_slice %arg6[%dma_wait3A_90, %dma_wait3A_91, %dma_wait3A_92] : memref<2x64x768xf32, #tpu.memory_space<vmem>> -> memref<1x64x768xf32, #tpu.memory_space<vmem>>
    %dma_wait3A_94 = tpu.memref_squeeze %dma_wait3A_93 : memref<1x64x768xf32, #tpu.memory_space<vmem>> -> memref<64x768xf32, #tpu.memory_space<vmem>>
    %dma_wait3A_95 = arith.constant 0 : i32
    %dma_wait3A_96 = tpu.memref_slice %arg4[%add3A_89, %dma_wait3A_95] : memref<4096x768xf32, #tpu.memory_space<hbm>> -> memref<64x768xf32, #tpu.memory_space<hbm>>
    %dma_wait3A_97 = arith.constant 0 : i32
    %dma_wait3A_98 = tpu.memref_slice %arg4[%add3A_89, %dma_wait3A_97] : memref<4096x768xf32, #tpu.memory_space<hbm>> -> memref<64x768xf32, #tpu.memory_space<hbm>>
    %dma_wait3A_99 = arith.constant 0 : i32
    %dma_wait3A_100 = arith.constant 0 : i32
    %dma_wait3A_101 = tpu.memref_slice %arg6[%dma_wait3A_90, %dma_wait3A_99, %dma_wait3A_100] : memref<2x64x768xf32, #tpu.memory_space<vmem>> -> memref<1x64x768xf32, #tpu.memory_space<vmem>>
    %dma_wait3A_102 = tpu.memref_squeeze %dma_wait3A_101 : memref<1x64x768xf32, #tpu.memory_space<vmem>> -> memref<64x768xf32, #tpu.memory_space<vmem>>
    tpu.wait_dma2 semaphore(%arg8 : memref<!tpu.dma_semaphore, #tpu.memory_space<semaphore_mem>>) src(%dma_wait3A_102 : memref<64x768xf32, #tpu.memory_space<vmem>>) dst(%dma_wait3A_98 : memref<64x768xf32, #tpu.memory_space<hbm>>)
    return
  }
}

#map = affine_map<(d0, d1) -> (0, 0)>
#map1 = affine_map<(d0, d1) -> (0)>
module attributes {stable_mosaic.version = 14 : i64} {
  func.func @gather_kernel(%arg0: i32, %arg1: i32, %arg2: memref<30522x768xf32, #tpu.memory_space<hbm>>, %arg3: memref<16384xi32, #tpu.memory_space<hbm>>, %arg4: memref<4096x768xf32, #tpu.memory_space<hbm>>, %arg5: memref<128xi32, #tpu.memory_space<vmem>>, %arg6: memref<2x64x768xf32, #tpu.memory_space<vmem>>, %arg7: memref<!tpu.dma_semaphore, #tpu.memory_space<semaphore_mem>>, %arg8: memref<!tpu.dma_semaphore, #tpu.memory_space<semaphore_mem>>, %arg9: memref<!tpu.dma_semaphore, #tpu.memory_space<semaphore_mem>>) attributes {dimension_semantics = [#tpu.dimension_semantics<core_parallel>, #tpu.dimension_semantics<subcore_parallel>], iteration_bounds = array<i64: 2, 16>, scalar_prefetch = 0 : i64, scratch_operands = 5 : i64, tpu.core_type = #tpu.core_type<sc_vector_subcore>, window_params = [{transform_indices = #map}, {transform_indices = #map1}, {transform_indices = #map}]} {
    %mul3A = arith.constant 2 : i32
    %mul3A_0 = arith.muli %arg1, %mul3A : i32
    %add3A = arith.addi %mul3A_0, %arg0 : i32
    %mul3A_1 = arith.constant 128 : i32
    %mul3A_2 = arith.muli %add3A, %mul3A_1 : i32
    %add3A_3 = arith.constant 4096 : i32
    %add3A_4 = arith.addi %add3A_3, %mul3A_2 : i32
    "tpu.region"() ({
      %run_scoped3A = tpu.sem_alloc : memref<!tpu.dma_semaphore, #tpu.memory_space<semaphore_mem>>
      %dma_start3A_103 = tpu.memref_slice %arg3[%add3A_4] : memref<16384xi32, #tpu.memory_space<hbm>> -> memref<128xi32, #tpu.memory_space<hbm>>
      %dma_start3A_104 = tpu.memref_slice %arg3[%add3A_4] : memref<16384xi32, #tpu.memory_space<hbm>> -> memref<128xi32, #tpu.memory_space<hbm>>
      tpu.enqueue_dma source(%dma_start3A_104 : memref<128xi32, #tpu.memory_space<hbm>>) target(%arg5 : memref<128xi32, #tpu.memory_space<vmem>>) target_semaphore(%run_scoped3A : memref<!tpu.dma_semaphore, #tpu.memory_space<semaphore_mem>>)
      %dma_wait3A_105 = tpu.memref_slice %arg3[%add3A_4] : memref<16384xi32, #tpu.memory_space<hbm>> -> memref<128xi32, #tpu.memory_space<hbm>>
      %dma_wait3A_106 = tpu.memref_slice %arg3[%add3A_4] : memref<16384xi32, #tpu.memory_space<hbm>> -> memref<128xi32, #tpu.memory_space<hbm>>
      tpu.wait_dma2 semaphore(%run_scoped3A : memref<!tpu.dma_semaphore, #tpu.memory_space<semaphore_mem>>) src(%dma_wait3A_106 : memref<128xi32, #tpu.memory_space<hbm>>) dst(%arg5 : memref<128xi32, #tpu.memory_space<vmem>>)
      tpu.yield
    }) : () -> ()
    %dma_start3A = arith.constant 0 : i32
    %dma_start3A_5 = arith.constant 0 : i32
    %dma_start3A_6 = arith.constant 0 : i32
    %dma_start3A_7 = tpu.memref_slice %arg6[%dma_start3A, %dma_start3A_5, %dma_start3A_6] : memref<2x64x768xf32, #tpu.memory_space<vmem>> -> memref<1x64x768xf32, #tpu.memory_space<vmem>>
    %dma_start3A_8 = tpu.memref_squeeze %dma_start3A_7 : memref<1x64x768xf32, #tpu.memory_space<vmem>> -> memref<64x768xf32, #tpu.memory_space<vmem>>
    %dma_start3A_9 = arith.constant 0 : i32
    %dma_start3A_10 = tpu.memref_slice %arg5[%dma_start3A_9] : memref<128xi32, #tpu.memory_space<vmem>> -> memref<64xi32, #tpu.memory_space<vmem>>
    %dma_start3A_11 = arith.constant 0 : i32
    %dma_start3A_12 = arith.constant 0 : i32
    %dma_start3A_13 = tpu.memref_slice %arg2[%dma_start3A_11, %dma_start3A_12] : memref<30522x768xf32, #tpu.memory_space<hbm>> -> memref<30522x768xf32, #tpu.memory_space<hbm>>
    tpu.enqueue_indirect_dma source(%dma_start3A_13 : memref<30522x768xf32, #tpu.memory_space<hbm>>) target(%dma_start3A_8 : memref<64x768xf32, #tpu.memory_space<vmem>>) offsets(%dma_start3A_10 : memref<64xi32, #tpu.memory_space<vmem>>) semaphore(%arg7 : memref<!tpu.dma_semaphore, #tpu.memory_space<semaphore_mem>>)
    %dma_wait3A = arith.constant 0 : i32
    %dma_wait3A_14 = arith.constant 0 : i32
    %dma_wait3A_15 = arith.constant 0 : i32
    %dma_wait3A_16 = tpu.memref_slice %arg6[%dma_wait3A, %dma_wait3A_14, %dma_wait3A_15] : memref<2x64x768xf32, #tpu.memory_space<vmem>> -> memref<1x64x768xf32, #tpu.memory_space<vmem>>
    %dma_wait3A_17 = tpu.memref_squeeze %dma_wait3A_16 : memref<1x64x768xf32, #tpu.memory_space<vmem>> -> memref<64x768xf32, #tpu.memory_space<vmem>>
    %dma_wait3A_18 = arith.constant 0 : i32
    %dma_wait3A_19 = tpu.memref_slice %arg5[%dma_wait3A_18] : memref<128xi32, #tpu.memory_space<vmem>> -> memref<64xi32, #tpu.memory_space<vmem>>
    %dma_wait3A_20 = arith.constant 0 : i32
    %dma_wait3A_21 = arith.constant 0 : i32
    %dma_wait3A_22 = tpu.memref_slice %arg2[%dma_wait3A_20, %dma_wait3A_21] : memref<30522x768xf32, #tpu.memory_space<hbm>> -> memref<30522x768xf32, #tpu.memory_space<hbm>>
    tpu.wait_indirect_dma semaphore(%arg7 : memref<!tpu.dma_semaphore, #tpu.memory_space<semaphore_mem>>) src(%dma_wait3A_22 : memref<30522x768xf32, #tpu.memory_space<hbm>>) dst(%dma_wait3A_17 : memref<64x768xf32, #tpu.memory_space<vmem>>)
    %dma_start3A_23 = arith.constant 1 : i32
    %dma_start3A_24 = arith.constant 0 : i32
    %dma_start3A_25 = arith.constant 0 : i32
    %dma_start3A_26 = tpu.memref_slice %arg6[%dma_start3A_23, %dma_start3A_24, %dma_start3A_25] : memref<2x64x768xf32, #tpu.memory_space<vmem>> -> memref<1x64x768xf32, #tpu.memory_space<vmem>>
    %dma_start3A_27 = tpu.memref_squeeze %dma_start3A_26 : memref<1x64x768xf32, #tpu.memory_space<vmem>> -> memref<64x768xf32, #tpu.memory_space<vmem>>
    %dma_start3A_28 = arith.constant 64 : i32
    %dma_start3A_29 = tpu.memref_slice %arg5[%dma_start3A_28] : memref<128xi32, #tpu.memory_space<vmem>> -> memref<64xi32, #tpu.memory_space<vmem>>
    %dma_start3A_30 = arith.constant 0 : i32
    %dma_start3A_31 = arith.constant 0 : i32
    %dma_start3A_32 = tpu.memref_slice %arg2[%dma_start3A_30, %dma_start3A_31] : memref<30522x768xf32, #tpu.memory_space<hbm>> -> memref<30522x768xf32, #tpu.memory_space<hbm>>
    tpu.enqueue_indirect_dma source(%dma_start3A_32 : memref<30522x768xf32, #tpu.memory_space<hbm>>) target(%dma_start3A_27 : memref<64x768xf32, #tpu.memory_space<vmem>>) offsets(%dma_start3A_29 : memref<64xi32, #tpu.memory_space<vmem>>) semaphore(%arg7 : memref<!tpu.dma_semaphore, #tpu.memory_space<semaphore_mem>>)
    %add3A_33 = arith.constant 0 : i32
    %add3A_34 = arith.addi %mul3A_2, %add3A_33 : i32
    %dma_start3A_35 = arith.constant 0 : i32
    %dma_start3A_36 = arith.constant 0 : i32
    %dma_start3A_37 = arith.constant 0 : i32
    %dma_start3A_38 = tpu.memref_slice %arg6[%dma_start3A_35, %dma_start3A_36, %dma_start3A_37] : memref<2x64x768xf32, #tpu.memory_space<vmem>> -> memref<1x64x768xf32, #tpu.memory_space<vmem>>
    %dma_start3A_39 = tpu.memref_squeeze %dma_start3A_38 : memref<1x64x768xf32, #tpu.memory_space<vmem>> -> memref<64x768xf32, #tpu.memory_space<vmem>>
    %dma_start3A_40 = arith.constant 0 : i32
    %dma_start3A_41 = tpu.memref_slice %arg4[%add3A_34, %dma_start3A_40] : memref<4096x768xf32, #tpu.memory_space<hbm>> -> memref<64x768xf32, #tpu.memory_space<hbm>>
    %dma_start3A_42 = arith.constant 0 : i32
    %dma_start3A_43 = tpu.memref_slice %arg4[%add3A_34, %dma_start3A_42] : memref<4096x768xf32, #tpu.memory_space<hbm>> -> memref<64x768xf32, #tpu.memory_space<hbm>>
    %dma_start3A_44 = arith.constant 0 : i32
    %dma_start3A_45 = arith.constant 0 : i32
    %dma_start3A_46 = tpu.memref_slice %arg6[%dma_start3A_35, %dma_start3A_44, %dma_start3A_45] : memref<2x64x768xf32, #tpu.memory_space<vmem>> -> memref<1x64x768xf32, #tpu.memory_space<vmem>>
    %dma_start3A_47 = tpu.memref_squeeze %dma_start3A_46 : memref<1x64x768xf32, #tpu.memory_space<vmem>> -> memref<64x768xf32, #tpu.memory_space<vmem>>
    tpu.enqueue_dma source(%dma_start3A_47 : memref<64x768xf32, #tpu.memory_space<vmem>>) target(%dma_start3A_43 : memref<64x768xf32, #tpu.memory_space<hbm>>) target_semaphore(%arg8 : memref<!tpu.dma_semaphore, #tpu.memory_space<semaphore_mem>>)
    %dma_wait3A_48 = arith.constant 1 : i32
    %dma_wait3A_49 = arith.constant 0 : i32
    %dma_wait3A_50 = arith.constant 0 : i32
    %dma_wait3A_51 = tpu.memref_slice %arg6[%dma_wait3A_48, %dma_wait3A_49, %dma_wait3A_50] : memref<2x64x768xf32, #tpu.memory_space<vmem>> -> memref<1x64x768xf32, #tpu.memory_space<vmem>>
    %dma_wait3A_52 = tpu.memref_squeeze %dma_wait3A_51 : memref<1x64x768xf32, #tpu.memory_space<vmem>> -> memref<64x768xf32, #tpu.memory_space<vmem>>
    %dma_wait3A_53 = arith.constant 64 : i32
    %dma_wait3A_54 = tpu.memref_slice %arg5[%dma_wait3A_53] : memref<128xi32, #tpu.memory_space<vmem>> -> memref<64xi32, #tpu.memory_space<vmem>>
    %dma_wait3A_55 = arith.constant 0 : i32
    %dma_wait3A_56 = arith.constant 0 : i32
    %dma_wait3A_57 = tpu.memref_slice %arg2[%dma_wait3A_55, %dma_wait3A_56] : memref<30522x768xf32, #tpu.memory_space<hbm>> -> memref<30522x768xf32, #tpu.memory_space<hbm>>
    tpu.wait_indirect_dma semaphore(%arg7 : memref<!tpu.dma_semaphore, #tpu.memory_space<semaphore_mem>>) src(%dma_wait3A_57 : memref<30522x768xf32, #tpu.memory_space<hbm>>) dst(%dma_wait3A_52 : memref<64x768xf32, #tpu.memory_space<vmem>>)
    %add3A_58 = arith.constant 64 : i32
    %add3A_59 = arith.addi %mul3A_2, %add3A_58 : i32
    %dma_start3A_60 = arith.constant 1 : i32
    %dma_start3A_61 = arith.constant 0 : i32
    %dma_start3A_62 = arith.constant 0 : i32
    %dma_start3A_63 = tpu.memref_slice %arg6[%dma_start3A_60, %dma_start3A_61, %dma_start3A_62] : memref<2x64x768xf32, #tpu.memory_space<vmem>> -> memref<1x64x768xf32, #tpu.memory_space<vmem>>
    %dma_start3A_64 = tpu.memref_squeeze %dma_start3A_63 : memref<1x64x768xf32, #tpu.memory_space<vmem>> -> memref<64x768xf32, #tpu.memory_space<vmem>>
    %dma_start3A_65 = arith.constant 0 : i32
    %dma_start3A_66 = tpu.memref_slice %arg4[%add3A_59, %dma_start3A_65] : memref<4096x768xf32, #tpu.memory_space<hbm>> -> memref<64x768xf32, #tpu.memory_space<hbm>>
    %dma_start3A_67 = arith.constant 0 : i32
    %dma_start3A_68 = tpu.memref_slice %arg4[%add3A_59, %dma_start3A_67] : memref<4096x768xf32, #tpu.memory_space<hbm>> -> memref<64x768xf32, #tpu.memory_space<hbm>>
    %dma_start3A_69 = arith.constant 0 : i32
    %dma_start3A_70 = arith.constant 0 : i32
    %dma_start3A_71 = tpu.memref_slice %arg6[%dma_start3A_60, %dma_start3A_69, %dma_start3A_70] : memref<2x64x768xf32, #tpu.memory_space<vmem>> -> memref<1x64x768xf32, #tpu.memory_space<vmem>>
    %dma_start3A_72 = tpu.memref_squeeze %dma_start3A_71 : memref<1x64x768xf32, #tpu.memory_space<vmem>> -> memref<64x768xf32, #tpu.memory_space<vmem>>
    tpu.enqueue_dma source(%dma_start3A_72 : memref<64x768xf32, #tpu.memory_space<vmem>>) target(%dma_start3A_68 : memref<64x768xf32, #tpu.memory_space<hbm>>) target_semaphore(%arg9 : memref<!tpu.dma_semaphore, #tpu.memory_space<semaphore_mem>>)
    %add3A_73 = arith.constant 64 : i32
    %add3A_74 = arith.addi %mul3A_2, %add3A_73 : i32
    %dma_wait3A_75 = arith.constant 1 : i32
    %dma_wait3A_76 = arith.constant 0 : i32
    %dma_wait3A_77 = arith.constant 0 : i32
    %dma_wait3A_78 = tpu.memref_slice %arg6[%dma_wait3A_75, %dma_wait3A_76, %dma_wait3A_77] : memref<2x64x768xf32, #tpu.memory_space<vmem>> -> memref<1x64x768xf32, #tpu.memory_space<vmem>>
    %dma_wait3A_79 = tpu.memref_squeeze %dma_wait3A_78 : memref<1x64x768xf32, #tpu.memory_space<vmem>> -> memref<64x768xf32, #tpu.memory_space<vmem>>
    %dma_wait3A_80 = arith.constant 0 : i32
    %dma_wait3A_81 = tpu.memref_slice %arg4[%add3A_74, %dma_wait3A_80] : memref<4096x768xf32, #tpu.memory_space<hbm>> -> memref<64x768xf32, #tpu.memory_space<hbm>>
    %dma_wait3A_82 = arith.constant 0 : i32
    %dma_wait3A_83 = tpu.memref_slice %arg4[%add3A_74, %dma_wait3A_82] : memref<4096x768xf32, #tpu.memory_space<hbm>> -> memref<64x768xf32, #tpu.memory_space<hbm>>
    %dma_wait3A_84 = arith.constant 0 : i32
    %dma_wait3A_85 = arith.constant 0 : i32
    %dma_wait3A_86 = tpu.memref_slice %arg6[%dma_wait3A_75, %dma_wait3A_84, %dma_wait3A_85] : memref<2x64x768xf32, #tpu.memory_space<vmem>> -> memref<1x64x768xf32, #tpu.memory_space<vmem>>
    %dma_wait3A_87 = tpu.memref_squeeze %dma_wait3A_86 : memref<1x64x768xf32, #tpu.memory_space<vmem>> -> memref<64x768xf32, #tpu.memory_space<vmem>>
    tpu.wait_dma2 semaphore(%arg9 : memref<!tpu.dma_semaphore, #tpu.memory_space<semaphore_mem>>) src(%dma_wait3A_87 : memref<64x768xf32, #tpu.memory_space<vmem>>) dst(%dma_wait3A_83 : memref<64x768xf32, #tpu.memory_space<hbm>>)
    %add3A_88 = arith.constant 0 : i32
    %add3A_89 = arith.addi %mul3A_2, %add3A_88 : i32
    %dma_wait3A_90 = arith.constant 0 : i32
    %dma_wait3A_91 = arith.constant 0 : i32
    %dma_wait3A_92 = arith.constant 0 : i32
    %dma_wait3A_93 = tpu.memref_slice %arg6[%dma_wait3A_90, %dma_wait3A_91, %dma_wait3A_92] : memref<2x64x768xf32, #tpu.memory_space<vmem>> -> memref<1x64x768xf32, #tpu.memory_space<vmem>>
    %dma_wait3A_94 = tpu.memref_squeeze %dma_wait3A_93 : memref<1x64x768xf32, #tpu.memory_space<vmem>> -> memref<64x768xf32, #tpu.memory_space<vmem>>
    %dma_wait3A_95 = arith.constant 0 : i32
    %dma_wait3A_96 = tpu.memref_slice %arg4[%add3A_89, %dma_wait3A_95] : memref<4096x768xf32, #tpu.memory_space<hbm>> -> memref<64x768xf32, #tpu.memory_space<hbm>>
    %dma_wait3A_97 = arith.constant 0 : i32
    %dma_wait3A_98 = tpu.memref_slice %arg4[%add3A_89, %dma_wait3A_97] : memref<4096x768xf32, #tpu.memory_space<hbm>> -> memref<64x768xf32, #tpu.memory_space<hbm>>
    %dma_wait3A_99 = arith.constant 0 : i32
    %dma_wait3A_100 = arith.constant 0 : i32
    %dma_wait3A_101 = tpu.memref_slice %arg6[%dma_wait3A_90, %dma_wait3A_99, %dma_wait3A_100] : memref<2x64x768xf32, #tpu.memory_space<vmem>> -> memref<1x64x768xf32, #tpu.memory_space<vmem>>
    %dma_wait3A_102 = tpu.memref_squeeze %dma_wait3A_101 : memref<1x64x768xf32, #tpu.memory_space<vmem>> -> memref<64x768xf32, #tpu.memory_space<vmem>>
    tpu.wait_dma2 semaphore(%arg8 : memref<!tpu.dma_semaphore, #tpu.memory_space<semaphore_mem>>) src(%dma_wait3A_102 : memref<64x768xf32, #tpu.memory_space<vmem>>) dst(%dma_wait3A_98 : memref<64x768xf32, #tpu.memory_space<hbm>>)
    return
  }
}

#map = affine_map<(d0, d1) -> (0, 0)>
#map1 = affine_map<(d0, d1) -> (0)>
module attributes {stable_mosaic.version = 14 : i64} {
  func.func @gather_kernel(%arg0: i32, %arg1: i32, %arg2: memref<30522x768xf32, #tpu.memory_space<hbm>>, %arg3: memref<16384xi32, #tpu.memory_space<hbm>>, %arg4: memref<4096x768xf32, #tpu.memory_space<hbm>>, %arg5: memref<128xi32, #tpu.memory_space<vmem>>, %arg6: memref<2x64x768xf32, #tpu.memory_space<vmem>>, %arg7: memref<!tpu.dma_semaphore, #tpu.memory_space<semaphore_mem>>, %arg8: memref<!tpu.dma_semaphore, #tpu.memory_space<semaphore_mem>>, %arg9: memref<!tpu.dma_semaphore, #tpu.memory_space<semaphore_mem>>) attributes {dimension_semantics = [#tpu.dimension_semantics<core_parallel>, #tpu.dimension_semantics<subcore_parallel>], iteration_bounds = array<i64: 2, 16>, scalar_prefetch = 0 : i64, scratch_operands = 5 : i64, tpu.core_type = #tpu.core_type<sc_vector_subcore>, window_params = [{transform_indices = #map}, {transform_indices = #map1}, {transform_indices = #map}]} {
    %mul3A = arith.constant 2 : i32
    %mul3A_0 = arith.muli %arg1, %mul3A : i32
    %add3A = arith.addi %mul3A_0, %arg0 : i32
    %mul3A_1 = arith.constant 128 : i32
    %mul3A_2 = arith.muli %add3A, %mul3A_1 : i32
    %add3A_3 = arith.constant 0 : i32
    %add3A_4 = arith.addi %add3A_3, %mul3A_2 : i32
    "tpu.region"() ({
      %run_scoped3A = tpu.sem_alloc : memref<!tpu.dma_semaphore, #tpu.memory_space<semaphore_mem>>
      %dma_start3A_103 = tpu.memref_slice %arg3[%add3A_4] : memref<16384xi32, #tpu.memory_space<hbm>> -> memref<128xi32, #tpu.memory_space<hbm>>
      %dma_start3A_104 = tpu.memref_slice %arg3[%add3A_4] : memref<16384xi32, #tpu.memory_space<hbm>> -> memref<128xi32, #tpu.memory_space<hbm>>
      tpu.enqueue_dma source(%dma_start3A_104 : memref<128xi32, #tpu.memory_space<hbm>>) target(%arg5 : memref<128xi32, #tpu.memory_space<vmem>>) target_semaphore(%run_scoped3A : memref<!tpu.dma_semaphore, #tpu.memory_space<semaphore_mem>>)
      %dma_wait3A_105 = tpu.memref_slice %arg3[%add3A_4] : memref<16384xi32, #tpu.memory_space<hbm>> -> memref<128xi32, #tpu.memory_space<hbm>>
      %dma_wait3A_106 = tpu.memref_slice %arg3[%add3A_4] : memref<16384xi32, #tpu.memory_space<hbm>> -> memref<128xi32, #tpu.memory_space<hbm>>
      tpu.wait_dma2 semaphore(%run_scoped3A : memref<!tpu.dma_semaphore, #tpu.memory_space<semaphore_mem>>) src(%dma_wait3A_106 : memref<128xi32, #tpu.memory_space<hbm>>) dst(%arg5 : memref<128xi32, #tpu.memory_space<vmem>>)
      tpu.yield
    }) : () -> ()
    %dma_start3A = arith.constant 0 : i32
    %dma_start3A_5 = arith.constant 0 : i32
    %dma_start3A_6 = arith.constant 0 : i32
    %dma_start3A_7 = tpu.memref_slice %arg6[%dma_start3A, %dma_start3A_5, %dma_start3A_6] : memref<2x64x768xf32, #tpu.memory_space<vmem>> -> memref<1x64x768xf32, #tpu.memory_space<vmem>>
    %dma_start3A_8 = tpu.memref_squeeze %dma_start3A_7 : memref<1x64x768xf32, #tpu.memory_space<vmem>> -> memref<64x768xf32, #tpu.memory_space<vmem>>
    %dma_start3A_9 = arith.constant 0 : i32
    %dma_start3A_10 = tpu.memref_slice %arg5[%dma_start3A_9] : memref<128xi32, #tpu.memory_space<vmem>> -> memref<64xi32, #tpu.memory_space<vmem>>
    %dma_start3A_11 = arith.constant 0 : i32
    %dma_start3A_12 = arith.constant 0 : i32
    %dma_start3A_13 = tpu.memref_slice %arg2[%dma_start3A_11, %dma_start3A_12] : memref<30522x768xf32, #tpu.memory_space<hbm>> -> memref<30522x768xf32, #tpu.memory_space<hbm>>
    tpu.enqueue_indirect_dma source(%dma_start3A_13 : memref<30522x768xf32, #tpu.memory_space<hbm>>) target(%dma_start3A_8 : memref<64x768xf32, #tpu.memory_space<vmem>>) offsets(%dma_start3A_10 : memref<64xi32, #tpu.memory_space<vmem>>) semaphore(%arg7 : memref<!tpu.dma_semaphore, #tpu.memory_space<semaphore_mem>>)
    %dma_wait3A = arith.constant 0 : i32
    %dma_wait3A_14 = arith.constant 0 : i32
    %dma_wait3A_15 = arith.constant 0 : i32
    %dma_wait3A_16 = tpu.memref_slice %arg6[%dma_wait3A, %dma_wait3A_14, %dma_wait3A_15] : memref<2x64x768xf32, #tpu.memory_space<vmem>> -> memref<1x64x768xf32, #tpu.memory_space<vmem>>
    %dma_wait3A_17 = tpu.memref_squeeze %dma_wait3A_16 : memref<1x64x768xf32, #tpu.memory_space<vmem>> -> memref<64x768xf32, #tpu.memory_space<vmem>>
    %dma_wait3A_18 = arith.constant 0 : i32
    %dma_wait3A_19 = tpu.memref_slice %arg5[%dma_wait3A_18] : memref<128xi32, #tpu.memory_space<vmem>> -> memref<64xi32, #tpu.memory_space<vmem>>
    %dma_wait3A_20 = arith.constant 0 : i32
    %dma_wait3A_21 = arith.constant 0 : i32
    %dma_wait3A_22 = tpu.memref_slice %arg2[%dma_wait3A_20, %dma_wait3A_21] : memref<30522x768xf32, #tpu.memory_space<hbm>> -> memref<30522x768xf32, #tpu.memory_space<hbm>>
    tpu.wait_indirect_dma semaphore(%arg7 : memref<!tpu.dma_semaphore, #tpu.memory_space<semaphore_mem>>) src(%dma_wait3A_22 : memref<30522x768xf32, #tpu.memory_space<hbm>>) dst(%dma_wait3A_17 : memref<64x768xf32, #tpu.memory_space<vmem>>)
    %dma_start3A_23 = arith.constant 1 : i32
    %dma_start3A_24 = arith.constant 0 : i32
    %dma_start3A_25 = arith.constant 0 : i32
    %dma_start3A_26 = tpu.memref_slice %arg6[%dma_start3A_23, %dma_start3A_24, %dma_start3A_25] : memref<2x64x768xf32, #tpu.memory_space<vmem>> -> memref<1x64x768xf32, #tpu.memory_space<vmem>>
    %dma_start3A_27 = tpu.memref_squeeze %dma_start3A_26 : memref<1x64x768xf32, #tpu.memory_space<vmem>> -> memref<64x768xf32, #tpu.memory_space<vmem>>
    %dma_start3A_28 = arith.constant 64 : i32
    %dma_start3A_29 = tpu.memref_slice %arg5[%dma_start3A_28] : memref<128xi32, #tpu.memory_space<vmem>> -> memref<64xi32, #tpu.memory_space<vmem>>
    %dma_start3A_30 = arith.constant 0 : i32
    %dma_start3A_31 = arith.constant 0 : i32
    %dma_start3A_32 = tpu.memref_slice %arg2[%dma_start3A_30, %dma_start3A_31] : memref<30522x768xf32, #tpu.memory_space<hbm>> -> memref<30522x768xf32, #tpu.memory_space<hbm>>
    tpu.enqueue_indirect_dma source(%dma_start3A_32 : memref<30522x768xf32, #tpu.memory_space<hbm>>) target(%dma_start3A_27 : memref<64x768xf32, #tpu.memory_space<vmem>>) offsets(%dma_start3A_29 : memref<64xi32, #tpu.memory_space<vmem>>) semaphore(%arg7 : memref<!tpu.dma_semaphore, #tpu.memory_space<semaphore_mem>>)
    %add3A_33 = arith.constant 0 : i32
    %add3A_34 = arith.addi %mul3A_2, %add3A_33 : i32
    %dma_start3A_35 = arith.constant 0 : i32
    %dma_start3A_36 = arith.constant 0 : i32
    %dma_start3A_37 = arith.constant 0 : i32
    %dma_start3A_38 = tpu.memref_slice %arg6[%dma_start3A_35, %dma_start3A_36, %dma_start3A_37] : memref<2x64x768xf32, #tpu.memory_space<vmem>> -> memref<1x64x768xf32, #tpu.memory_space<vmem>>
    %dma_start3A_39 = tpu.memref_squeeze %dma_start3A_38 : memref<1x64x768xf32, #tpu.memory_space<vmem>> -> memref<64x768xf32, #tpu.memory_space<vmem>>
    %dma_start3A_40 = arith.constant 0 : i32
    %dma_start3A_41 = tpu.memref_slice %arg4[%add3A_34, %dma_start3A_40] : memref<4096x768xf32, #tpu.memory_space<hbm>> -> memref<64x768xf32, #tpu.memory_space<hbm>>
    %dma_start3A_42 = arith.constant 0 : i32
    %dma_start3A_43 = tpu.memref_slice %arg4[%add3A_34, %dma_start3A_42] : memref<4096x768xf32, #tpu.memory_space<hbm>> -> memref<64x768xf32, #tpu.memory_space<hbm>>
    %dma_start3A_44 = arith.constant 0 : i32
    %dma_start3A_45 = arith.constant 0 : i32
    %dma_start3A_46 = tpu.memref_slice %arg6[%dma_start3A_35, %dma_start3A_44, %dma_start3A_45] : memref<2x64x768xf32, #tpu.memory_space<vmem>> -> memref<1x64x768xf32, #tpu.memory_space<vmem>>
    %dma_start3A_47 = tpu.memref_squeeze %dma_start3A_46 : memref<1x64x768xf32, #tpu.memory_space<vmem>> -> memref<64x768xf32, #tpu.memory_space<vmem>>
    tpu.enqueue_dma source(%dma_start3A_47 : memref<64x768xf32, #tpu.memory_space<vmem>>) target(%dma_start3A_43 : memref<64x768xf32, #tpu.memory_space<hbm>>) target_semaphore(%arg8 : memref<!tpu.dma_semaphore, #tpu.memory_space<semaphore_mem>>)
    %dma_wait3A_48 = arith.constant 1 : i32
    %dma_wait3A_49 = arith.constant 0 : i32
    %dma_wait3A_50 = arith.constant 0 : i32
    %dma_wait3A_51 = tpu.memref_slice %arg6[%dma_wait3A_48, %dma_wait3A_49, %dma_wait3A_50] : memref<2x64x768xf32, #tpu.memory_space<vmem>> -> memref<1x64x768xf32, #tpu.memory_space<vmem>>
    %dma_wait3A_52 = tpu.memref_squeeze %dma_wait3A_51 : memref<1x64x768xf32, #tpu.memory_space<vmem>> -> memref<64x768xf32, #tpu.memory_space<vmem>>
    %dma_wait3A_53 = arith.constant 64 : i32
    %dma_wait3A_54 = tpu.memref_slice %arg5[%dma_wait3A_53] : memref<128xi32, #tpu.memory_space<vmem>> -> memref<64xi32, #tpu.memory_space<vmem>>
    %dma_wait3A_55 = arith.constant 0 : i32
    %dma_wait3A_56 = arith.constant 0 : i32
    %dma_wait3A_57 = tpu.memref_slice %arg2[%dma_wait3A_55, %dma_wait3A_56] : memref<30522x768xf32, #tpu.memory_space<hbm>> -> memref<30522x768xf32, #tpu.memory_space<hbm>>
    tpu.wait_indirect_dma semaphore(%arg7 : memref<!tpu.dma_semaphore, #tpu.memory_space<semaphore_mem>>) src(%dma_wait3A_57 : memref<30522x768xf32, #tpu.memory_space<hbm>>) dst(%dma_wait3A_52 : memref<64x768xf32, #tpu.memory_space<vmem>>)
    %add3A_58 = arith.constant 64 : i32
    %add3A_59 = arith.addi %mul3A_2, %add3A_58 : i32
    %dma_start3A_60 = arith.constant 1 : i32
    %dma_start3A_61 = arith.constant 0 : i32
    %dma_start3A_62 = arith.constant 0 : i32
    %dma_start3A_63 = tpu.memref_slice %arg6[%dma_start3A_60, %dma_start3A_61, %dma_start3A_62] : memref<2x64x768xf32, #tpu.memory_space<vmem>> -> memref<1x64x768xf32, #tpu.memory_space<vmem>>
    %dma_start3A_64 = tpu.memref_squeeze %dma_start3A_63 : memref<1x64x768xf32, #tpu.memory_space<vmem>> -> memref<64x768xf32, #tpu.memory_space<vmem>>
    %dma_start3A_65 = arith.constant 0 : i32
    %dma_start3A_66 = tpu.memref_slice %arg4[%add3A_59, %dma_start3A_65] : memref<4096x768xf32, #tpu.memory_space<hbm>> -> memref<64x768xf32, #tpu.memory_space<hbm>>
    %dma_start3A_67 = arith.constant 0 : i32
    %dma_start3A_68 = tpu.memref_slice %arg4[%add3A_59, %dma_start3A_67] : memref<4096x768xf32, #tpu.memory_space<hbm>> -> memref<64x768xf32, #tpu.memory_space<hbm>>
    %dma_start3A_69 = arith.constant 0 : i32
    %dma_start3A_70 = arith.constant 0 : i32
    %dma_start3A_71 = tpu.memref_slice %arg6[%dma_start3A_60, %dma_start3A_69, %dma_start3A_70] : memref<2x64x768xf32, #tpu.memory_space<vmem>> -> memref<1x64x768xf32, #tpu.memory_space<vmem>>
    %dma_start3A_72 = tpu.memref_squeeze %dma_start3A_71 : memref<1x64x768xf32, #tpu.memory_space<vmem>> -> memref<64x768xf32, #tpu.memory_space<vmem>>
    tpu.enqueue_dma source(%dma_start3A_72 : memref<64x768xf32, #tpu.memory_space<vmem>>) target(%dma_start3A_68 : memref<64x768xf32, #tpu.memory_space<hbm>>) target_semaphore(%arg9 : memref<!tpu.dma_semaphore, #tpu.memory_space<semaphore_mem>>)
    %add3A_73 = arith.constant 64 : i32
    %add3A_74 = arith.addi %mul3A_2, %add3A_73 : i32
    %dma_wait3A_75 = arith.constant 1 : i32
    %dma_wait3A_76 = arith.constant 0 : i32
    %dma_wait3A_77 = arith.constant 0 : i32
    %dma_wait3A_78 = tpu.memref_slice %arg6[%dma_wait3A_75, %dma_wait3A_76, %dma_wait3A_77] : memref<2x64x768xf32, #tpu.memory_space<vmem>> -> memref<1x64x768xf32, #tpu.memory_space<vmem>>
    %dma_wait3A_79 = tpu.memref_squeeze %dma_wait3A_78 : memref<1x64x768xf32, #tpu.memory_space<vmem>> -> memref<64x768xf32, #tpu.memory_space<vmem>>
    %dma_wait3A_80 = arith.constant 0 : i32
    %dma_wait3A_81 = tpu.memref_slice %arg4[%add3A_74, %dma_wait3A_80] : memref<4096x768xf32, #tpu.memory_space<hbm>> -> memref<64x768xf32, #tpu.memory_space<hbm>>
    %dma_wait3A_82 = arith.constant 0 : i32
    %dma_wait3A_83 = tpu.memref_slice %arg4[%add3A_74, %dma_wait3A_82] : memref<4096x768xf32, #tpu.memory_space<hbm>> -> memref<64x768xf32, #tpu.memory_space<hbm>>
    %dma_wait3A_84 = arith.constant 0 : i32
    %dma_wait3A_85 = arith.constant 0 : i32
    %dma_wait3A_86 = tpu.memref_slice %arg6[%dma_wait3A_75, %dma_wait3A_84, %dma_wait3A_85] : memref<2x64x768xf32, #tpu.memory_space<vmem>> -> memref<1x64x768xf32, #tpu.memory_space<vmem>>
    %dma_wait3A_87 = tpu.memref_squeeze %dma_wait3A_86 : memref<1x64x768xf32, #tpu.memory_space<vmem>> -> memref<64x768xf32, #tpu.memory_space<vmem>>
    tpu.wait_dma2 semaphore(%arg9 : memref<!tpu.dma_semaphore, #tpu.memory_space<semaphore_mem>>) src(%dma_wait3A_87 : memref<64x768xf32, #tpu.memory_space<vmem>>) dst(%dma_wait3A_83 : memref<64x768xf32, #tpu.memory_space<hbm>>)
    %add3A_88 = arith.constant 0 : i32
    %add3A_89 = arith.addi %mul3A_2, %add3A_88 : i32
    %dma_wait3A_90 = arith.constant 0 : i32
    %dma_wait3A_91 = arith.constant 0 : i32
    %dma_wait3A_92 = arith.constant 0 : i32
    %dma_wait3A_93 = tpu.memref_slice %arg6[%dma_wait3A_90, %dma_wait3A_91, %dma_wait3A_92] : memref<2x64x768xf32, #tpu.memory_space<vmem>> -> memref<1x64x768xf32, #tpu.memory_space<vmem>>
    %dma_wait3A_94 = tpu.memref_squeeze %dma_wait3A_93 : memref<1x64x768xf32, #tpu.memory_space<vmem>> -> memref<64x768xf32, #tpu.memory_space<vmem>>
    %dma_wait3A_95 = arith.constant 0 : i32
    %dma_wait3A_96 = tpu.memref_slice %arg4[%add3A_89, %dma_wait3A_95] : memref<4096x768xf32, #tpu.memory_space<hbm>> -> memref<64x768xf32, #tpu.memory_space<hbm>>
    %dma_wait3A_97 = arith.constant 0 : i32
    %dma_wait3A_98 = tpu.memref_slice %arg4[%add3A_89, %dma_wait3A_97] : memref<4096x768xf32, #tpu.memory_space<hbm>> -> memref<64x768xf32, #tpu.memory_space<hbm>>
    %dma_wait3A_99 = arith.constant 0 : i32
    %dma_wait3A_100 = arith.constant 0 : i32
    %dma_wait3A_101 = tpu.memref_slice %arg6[%dma_wait3A_90, %dma_wait3A_99, %dma_wait3A_100] : memref<2x64x768xf32, #tpu.memory_space<vmem>> -> memref<1x64x768xf32, #tpu.memory_space<vmem>>
    %dma_wait3A_102 = tpu.memref_squeeze %dma_wait3A_101 : memref<1x64x768xf32, #tpu.memory_space<vmem>> -> memref<64x768xf32, #tpu.memory_space<vmem>>
    tpu.wait_dma2 semaphore(%arg8 : memref<!tpu.dma_semaphore, #tpu.memory_space<semaphore_mem>>) src(%dma_wait3A_102 : memref<64x768xf32, #tpu.memory_space<vmem>>) dst(%dma_wait3A_98 : memref<64x768xf32, #tpu.memory_space<hbm>>)
    return
  }
}

#map = affine_map<(d0, d1) -> (0, 0)>
#map1 = affine_map<(d0, d1) -> (0)>
module attributes {stable_mosaic.version = 14 : i64} {
  func.func @gather_kernel(%arg0: i32, %arg1: i32, %arg2: memref<30522x768xf32, #tpu.memory_space<hbm>>, %arg3: memref<16384xi32, #tpu.memory_space<hbm>>, %arg4: memref<4096x768xf32, #tpu.memory_space<hbm>>, %arg5: memref<128xi32, #tpu.memory_space<vmem>>, %arg6: memref<2x64x768xf32, #tpu.memory_space<vmem>>, %arg7: memref<!tpu.dma_semaphore, #tpu.memory_space<semaphore_mem>>, %arg8: memref<!tpu.dma_semaphore, #tpu.memory_space<semaphore_mem>>, %arg9: memref<!tpu.dma_semaphore, #tpu.memory_space<semaphore_mem>>) attributes {dimension_semantics = [#tpu.dimension_semantics<core_parallel>, #tpu.dimension_semantics<subcore_parallel>], iteration_bounds = array<i64: 2, 16>, scalar_prefetch = 0 : i64, scratch_operands = 5 : i64, tpu.core_type = #tpu.core_type<sc_vector_subcore>, window_params = [{transform_indices = #map}, {transform_indices = #map1}, {transform_indices = #map}]} {
    %mul3A = arith.constant 2 : i32
    %mul3A_0 = arith.muli %arg1, %mul3A : i32
    %add3A = arith.addi %mul3A_0, %arg0 : i32
    %mul3A_1 = arith.constant 128 : i32
    %mul3A_2 = arith.muli %add3A, %mul3A_1 : i32
    %add3A_3 = arith.constant 12288 : i32
    %add3A_4 = arith.addi %add3A_3, %mul3A_2 : i32
    "tpu.region"() ({
      %run_scoped3A = tpu.sem_alloc : memref<!tpu.dma_semaphore, #tpu.memory_space<semaphore_mem>>
      %dma_start3A_103 = tpu.memref_slice %arg3[%add3A_4] : memref<16384xi32, #tpu.memory_space<hbm>> -> memref<128xi32, #tpu.memory_space<hbm>>
      %dma_start3A_104 = tpu.memref_slice %arg3[%add3A_4] : memref<16384xi32, #tpu.memory_space<hbm>> -> memref<128xi32, #tpu.memory_space<hbm>>
      tpu.enqueue_dma source(%dma_start3A_104 : memref<128xi32, #tpu.memory_space<hbm>>) target(%arg5 : memref<128xi32, #tpu.memory_space<vmem>>) target_semaphore(%run_scoped3A : memref<!tpu.dma_semaphore, #tpu.memory_space<semaphore_mem>>)
      %dma_wait3A_105 = tpu.memref_slice %arg3[%add3A_4] : memref<16384xi32, #tpu.memory_space<hbm>> -> memref<128xi32, #tpu.memory_space<hbm>>
      %dma_wait3A_106 = tpu.memref_slice %arg3[%add3A_4] : memref<16384xi32, #tpu.memory_space<hbm>> -> memref<128xi32, #tpu.memory_space<hbm>>
      tpu.wait_dma2 semaphore(%run_scoped3A : memref<!tpu.dma_semaphore, #tpu.memory_space<semaphore_mem>>) src(%dma_wait3A_106 : memref<128xi32, #tpu.memory_space<hbm>>) dst(%arg5 : memref<128xi32, #tpu.memory_space<vmem>>)
      tpu.yield
    }) : () -> ()
    %dma_start3A = arith.constant 0 : i32
    %dma_start3A_5 = arith.constant 0 : i32
    %dma_start3A_6 = arith.constant 0 : i32
    %dma_start3A_7 = tpu.memref_slice %arg6[%dma_start3A, %dma_start3A_5, %dma_start3A_6] : memref<2x64x768xf32, #tpu.memory_space<vmem>> -> memref<1x64x768xf32, #tpu.memory_space<vmem>>
    %dma_start3A_8 = tpu.memref_squeeze %dma_start3A_7 : memref<1x64x768xf32, #tpu.memory_space<vmem>> -> memref<64x768xf32, #tpu.memory_space<vmem>>
    %dma_start3A_9 = arith.constant 0 : i32
    %dma_start3A_10 = tpu.memref_slice %arg5[%dma_start3A_9] : memref<128xi32, #tpu.memory_space<vmem>> -> memref<64xi32, #tpu.memory_space<vmem>>
    %dma_start3A_11 = arith.constant 0 : i32
    %dma_start3A_12 = arith.constant 0 : i32
    %dma_start3A_13 = tpu.memref_slice %arg2[%dma_start3A_11, %dma_start3A_12] : memref<30522x768xf32, #tpu.memory_space<hbm>> -> memref<30522x768xf32, #tpu.memory_space<hbm>>
    tpu.enqueue_indirect_dma source(%dma_start3A_13 : memref<30522x768xf32, #tpu.memory_space<hbm>>) target(%dma_start3A_8 : memref<64x768xf32, #tpu.memory_space<vmem>>) offsets(%dma_start3A_10 : memref<64xi32, #tpu.memory_space<vmem>>) semaphore(%arg7 : memref<!tpu.dma_semaphore, #tpu.memory_space<semaphore_mem>>)
    %dma_wait3A = arith.constant 0 : i32
    %dma_wait3A_14 = arith.constant 0 : i32
    %dma_wait3A_15 = arith.constant 0 : i32
    %dma_wait3A_16 = tpu.memref_slice %arg6[%dma_wait3A, %dma_wait3A_14, %dma_wait3A_15] : memref<2x64x768xf32, #tpu.memory_space<vmem>> -> memref<1x64x768xf32, #tpu.memory_space<vmem>>
    %dma_wait3A_17 = tpu.memref_squeeze %dma_wait3A_16 : memref<1x64x768xf32, #tpu.memory_space<vmem>> -> memref<64x768xf32, #tpu.memory_space<vmem>>
    %dma_wait3A_18 = arith.constant 0 : i32
    %dma_wait3A_19 = tpu.memref_slice %arg5[%dma_wait3A_18] : memref<128xi32, #tpu.memory_space<vmem>> -> memref<64xi32, #tpu.memory_space<vmem>>
    %dma_wait3A_20 = arith.constant 0 : i32
    %dma_wait3A_21 = arith.constant 0 : i32
    %dma_wait3A_22 = tpu.memref_slice %arg2[%dma_wait3A_20, %dma_wait3A_21] : memref<30522x768xf32, #tpu.memory_space<hbm>> -> memref<30522x768xf32, #tpu.memory_space<hbm>>
    tpu.wait_indirect_dma semaphore(%arg7 : memref<!tpu.dma_semaphore, #tpu.memory_space<semaphore_mem>>) src(%dma_wait3A_22 : memref<30522x768xf32, #tpu.memory_space<hbm>>) dst(%dma_wait3A_17 : memref<64x768xf32, #tpu.memory_space<vmem>>)
    %dma_start3A_23 = arith.constant 1 : i32
    %dma_start3A_24 = arith.constant 0 : i32
    %dma_start3A_25 = arith.constant 0 : i32
    %dma_start3A_26 = tpu.memref_slice %arg6[%dma_start3A_23, %dma_start3A_24, %dma_start3A_25] : memref<2x64x768xf32, #tpu.memory_space<vmem>> -> memref<1x64x768xf32, #tpu.memory_space<vmem>>
    %dma_start3A_27 = tpu.memref_squeeze %dma_start3A_26 : memref<1x64x768xf32, #tpu.memory_space<vmem>> -> memref<64x768xf32, #tpu.memory_space<vmem>>
    %dma_start3A_28 = arith.constant 64 : i32
    %dma_start3A_29 = tpu.memref_slice %arg5[%dma_start3A_28] : memref<128xi32, #tpu.memory_space<vmem>> -> memref<64xi32, #tpu.memory_space<vmem>>
    %dma_start3A_30 = arith.constant 0 : i32
    %dma_start3A_31 = arith.constant 0 : i32
    %dma_start3A_32 = tpu.memref_slice %arg2[%dma_start3A_30, %dma_start3A_31] : memref<30522x768xf32, #tpu.memory_space<hbm>> -> memref<30522x768xf32, #tpu.memory_space<hbm>>
    tpu.enqueue_indirect_dma source(%dma_start3A_32 : memref<30522x768xf32, #tpu.memory_space<hbm>>) target(%dma_start3A_27 : memref<64x768xf32, #tpu.memory_space<vmem>>) offsets(%dma_start3A_29 : memref<64xi32, #tpu.memory_space<vmem>>) semaphore(%arg7 : memref<!tpu.dma_semaphore, #tpu.memory_space<semaphore_mem>>)
    %add3A_33 = arith.constant 0 : i32
    %add3A_34 = arith.addi %mul3A_2, %add3A_33 : i32
    %dma_start3A_35 = arith.constant 0 : i32
    %dma_start3A_36 = arith.constant 0 : i32
    %dma_start3A_37 = arith.constant 0 : i32
    %dma_start3A_38 = tpu.memref_slice %arg6[%dma_start3A_35, %dma_start3A_36, %dma_start3A_37] : memref<2x64x768xf32, #tpu.memory_space<vmem>> -> memref<1x64x768xf32, #tpu.memory_space<vmem>>
    %dma_start3A_39 = tpu.memref_squeeze %dma_start3A_38 : memref<1x64x768xf32, #tpu.memory_space<vmem>> -> memref<64x768xf32, #tpu.memory_space<vmem>>
    %dma_start3A_40 = arith.constant 0 : i32
    %dma_start3A_41 = tpu.memref_slice %arg4[%add3A_34, %dma_start3A_40] : memref<4096x768xf32, #tpu.memory_space<hbm>> -> memref<64x768xf32, #tpu.memory_space<hbm>>
    %dma_start3A_42 = arith.constant 0 : i32
    %dma_start3A_43 = tpu.memref_slice %arg4[%add3A_34, %dma_start3A_42] : memref<4096x768xf32, #tpu.memory_space<hbm>> -> memref<64x768xf32, #tpu.memory_space<hbm>>
    %dma_start3A_44 = arith.constant 0 : i32
    %dma_start3A_45 = arith.constant 0 : i32
    %dma_start3A_46 = tpu.memref_slice %arg6[%dma_start3A_35, %dma_start3A_44, %dma_start3A_45] : memref<2x64x768xf32, #tpu.memory_space<vmem>> -> memref<1x64x768xf32, #tpu.memory_space<vmem>>
    %dma_start3A_47 = tpu.memref_squeeze %dma_start3A_46 : memref<1x64x768xf32, #tpu.memory_space<vmem>> -> memref<64x768xf32, #tpu.memory_space<vmem>>
    tpu.enqueue_dma source(%dma_start3A_47 : memref<64x768xf32, #tpu.memory_space<vmem>>) target(%dma_start3A_43 : memref<64x768xf32, #tpu.memory_space<hbm>>) target_semaphore(%arg8 : memref<!tpu.dma_semaphore, #tpu.memory_space<semaphore_mem>>)
    %dma_wait3A_48 = arith.constant 1 : i32
    %dma_wait3A_49 = arith.constant 0 : i32
    %dma_wait3A_50 = arith.constant 0 : i32
    %dma_wait3A_51 = tpu.memref_slice %arg6[%dma_wait3A_48, %dma_wait3A_49, %dma_wait3A_50] : memref<2x64x768xf32, #tpu.memory_space<vmem>> -> memref<1x64x768xf32, #tpu.memory_space<vmem>>
    %dma_wait3A_52 = tpu.memref_squeeze %dma_wait3A_51 : memref<1x64x768xf32, #tpu.memory_space<vmem>> -> memref<64x768xf32, #tpu.memory_space<vmem>>
    %dma_wait3A_53 = arith.constant 64 : i32
    %dma_wait3A_54 = tpu.memref_slice %arg5[%dma_wait3A_53] : memref<128xi32, #tpu.memory_space<vmem>> -> memref<64xi32, #tpu.memory_space<vmem>>
    %dma_wait3A_55 = arith.constant 0 : i32
    %dma_wait3A_56 = arith.constant 0 : i32
    %dma_wait3A_57 = tpu.memref_slice %arg2[%dma_wait3A_55, %dma_wait3A_56] : memref<30522x768xf32, #tpu.memory_space<hbm>> -> memref<30522x768xf32, #tpu.memory_space<hbm>>
    tpu.wait_indirect_dma semaphore(%arg7 : memref<!tpu.dma_semaphore, #tpu.memory_space<semaphore_mem>>) src(%dma_wait3A_57 : memref<30522x768xf32, #tpu.memory_space<hbm>>) dst(%dma_wait3A_52 : memref<64x768xf32, #tpu.memory_space<vmem>>)
    %add3A_58 = arith.constant 64 : i32
    %add3A_59 = arith.addi %mul3A_2, %add3A_58 : i32
    %dma_start3A_60 = arith.constant 1 : i32
    %dma_start3A_61 = arith.constant 0 : i32
    %dma_start3A_62 = arith.constant 0 : i32
    %dma_start3A_63 = tpu.memref_slice %arg6[%dma_start3A_60, %dma_start3A_61, %dma_start3A_62] : memref<2x64x768xf32, #tpu.memory_space<vmem>> -> memref<1x64x768xf32, #tpu.memory_space<vmem>>
    %dma_start3A_64 = tpu.memref_squeeze %dma_start3A_63 : memref<1x64x768xf32, #tpu.memory_space<vmem>> -> memref<64x768xf32, #tpu.memory_space<vmem>>
    %dma_start3A_65 = arith.constant 0 : i32
    %dma_start3A_66 = tpu.memref_slice %arg4[%add3A_59, %dma_start3A_65] : memref<4096x768xf32, #tpu.memory_space<hbm>> -> memref<64x768xf32, #tpu.memory_space<hbm>>
    %dma_start3A_67 = arith.constant 0 : i32
    %dma_start3A_68 = tpu.memref_slice %arg4[%add3A_59, %dma_start3A_67] : memref<4096x768xf32, #tpu.memory_space<hbm>> -> memref<64x768xf32, #tpu.memory_space<hbm>>
    %dma_start3A_69 = arith.constant 0 : i32
    %dma_start3A_70 = arith.constant 0 : i32
    %dma_start3A_71 = tpu.memref_slice %arg6[%dma_start3A_60, %dma_start3A_69, %dma_start3A_70] : memref<2x64x768xf32, #tpu.memory_space<vmem>> -> memref<1x64x768xf32, #tpu.memory_space<vmem>>
    %dma_start3A_72 = tpu.memref_squeeze %dma_start3A_71 : memref<1x64x768xf32, #tpu.memory_space<vmem>> -> memref<64x768xf32, #tpu.memory_space<vmem>>
    tpu.enqueue_dma source(%dma_start3A_72 : memref<64x768xf32, #tpu.memory_space<vmem>>) target(%dma_start3A_68 : memref<64x768xf32, #tpu.memory_space<hbm>>) target_semaphore(%arg9 : memref<!tpu.dma_semaphore, #tpu.memory_space<semaphore_mem>>)
    %add3A_73 = arith.constant 64 : i32
    %add3A_74 = arith.addi %mul3A_2, %add3A_73 : i32
    %dma_wait3A_75 = arith.constant 1 : i32
    %dma_wait3A_76 = arith.constant 0 : i32
    %dma_wait3A_77 = arith.constant 0 : i32
    %dma_wait3A_78 = tpu.memref_slice %arg6[%dma_wait3A_75, %dma_wait3A_76, %dma_wait3A_77] : memref<2x64x768xf32, #tpu.memory_space<vmem>> -> memref<1x64x768xf32, #tpu.memory_space<vmem>>
    %dma_wait3A_79 = tpu.memref_squeeze %dma_wait3A_78 : memref<1x64x768xf32, #tpu.memory_space<vmem>> -> memref<64x768xf32, #tpu.memory_space<vmem>>
    %dma_wait3A_80 = arith.constant 0 : i32
    %dma_wait3A_81 = tpu.memref_slice %arg4[%add3A_74, %dma_wait3A_80] : memref<4096x768xf32, #tpu.memory_space<hbm>> -> memref<64x768xf32, #tpu.memory_space<hbm>>
    %dma_wait3A_82 = arith.constant 0 : i32
    %dma_wait3A_83 = tpu.memref_slice %arg4[%add3A_74, %dma_wait3A_82] : memref<4096x768xf32, #tpu.memory_space<hbm>> -> memref<64x768xf32, #tpu.memory_space<hbm>>
    %dma_wait3A_84 = arith.constant 0 : i32
    %dma_wait3A_85 = arith.constant 0 : i32
    %dma_wait3A_86 = tpu.memref_slice %arg6[%dma_wait3A_75, %dma_wait3A_84, %dma_wait3A_85] : memref<2x64x768xf32, #tpu.memory_space<vmem>> -> memref<1x64x768xf32, #tpu.memory_space<vmem>>
    %dma_wait3A_87 = tpu.memref_squeeze %dma_wait3A_86 : memref<1x64x768xf32, #tpu.memory_space<vmem>> -> memref<64x768xf32, #tpu.memory_space<vmem>>
    tpu.wait_dma2 semaphore(%arg9 : memref<!tpu.dma_semaphore, #tpu.memory_space<semaphore_mem>>) src(%dma_wait3A_87 : memref<64x768xf32, #tpu.memory_space<vmem>>) dst(%dma_wait3A_83 : memref<64x768xf32, #tpu.memory_space<hbm>>)
    %add3A_88 = arith.constant 0 : i32
    %add3A_89 = arith.addi %mul3A_2, %add3A_88 : i32
    %dma_wait3A_90 = arith.constant 0 : i32
    %dma_wait3A_91 = arith.constant 0 : i32
    %dma_wait3A_92 = arith.constant 0 : i32
    %dma_wait3A_93 = tpu.memref_slice %arg6[%dma_wait3A_90, %dma_wait3A_91, %dma_wait3A_92] : memref<2x64x768xf32, #tpu.memory_space<vmem>> -> memref<1x64x768xf32, #tpu.memory_space<vmem>>
    %dma_wait3A_94 = tpu.memref_squeeze %dma_wait3A_93 : memref<1x64x768xf32, #tpu.memory_space<vmem>> -> memref<64x768xf32, #tpu.memory_space<vmem>>
    %dma_wait3A_95 = arith.constant 0 : i32
    %dma_wait3A_96 = tpu.memref_slice %arg4[%add3A_89, %dma_wait3A_95] : memref<4096x768xf32, #tpu.memory_space<hbm>> -> memref<64x768xf32, #tpu.memory_space<hbm>>
    %dma_wait3A_97 = arith.constant 0 : i32
    %dma_wait3A_98 = tpu.memref_slice %arg4[%add3A_89, %dma_wait3A_97] : memref<4096x768xf32, #tpu.memory_space<hbm>> -> memref<64x768xf32, #tpu.memory_space<hbm>>
    %dma_wait3A_99 = arith.constant 0 : i32
    %dma_wait3A_100 = arith.constant 0 : i32
    %dma_wait3A_101 = tpu.memref_slice %arg6[%dma_wait3A_90, %dma_wait3A_99, %dma_wait3A_100] : memref<2x64x768xf32, #tpu.memory_space<vmem>> -> memref<1x64x768xf32, #tpu.memory_space<vmem>>
    %dma_wait3A_102 = tpu.memref_squeeze %dma_wait3A_101 : memref<1x64x768xf32, #tpu.memory_space<vmem>> -> memref<64x768xf32, #tpu.memory_space<vmem>>
    tpu.wait_dma2 semaphore(%arg8 : memref<!tpu.dma_semaphore, #tpu.memory_space<semaphore_mem>>) src(%dma_wait3A_102 : memref<64x768xf32, #tpu.memory_space<vmem>>) dst(%dma_wait3A_98 : memref<64x768xf32, #tpu.memory_space<hbm>>)
    return
  }
}

module attributes {stable_mosaic.version = 14 : i64} {
  func.func @_tc_fuse_kernel(%arg0: i32, %arg1: memref<1024x768xf32, #tpu.memory_space<vmem>>, %arg2: memref<1x1x1024xi32, #tpu.memory_space<vmem>>, %arg3: memref<1x1x1024xi32, #tpu.memory_space<vmem>>, %arg4: memref<512x768xbf16, #tpu.memory_space<vmem>>, %arg5: memref<2x768xf32, #tpu.memory_space<vmem>>, %arg6: memref<1x768xf32, #tpu.memory_space<vmem>>, %arg7: memref<1x768xf32, #tpu.memory_space<vmem>>, %arg8: memref<1024x768xf32, #tpu.memory_space<vmem>>) attributes {dimension_semantics = [#tpu.dimension_semantics<arbitrary>], iteration_bounds = array<i64: 4>, scalar_prefetch = 0 : i64, scratch_operands = 0 : i64, tpu.core_type = #tpu.core_type<tc>, window_params = [{transform_indices = @transform_0, window_bounds = array<i64: 1024, 768>}, {transform_indices = @transform_1, window_bounds = array<i64: 1, 1, 1024>}, {transform_indices = @transform_2, window_bounds = array<i64: 1, 1, 1024>}, {pipeline_mode = #tpu.pipeline_mode<synchronous>, transform_indices = @transform_3, window_bounds = array<i64: 512, 768>}, {pipeline_mode = #tpu.pipeline_mode<synchronous>, transform_indices = @transform_4, window_bounds = array<i64: 2, 768>}, {pipeline_mode = #tpu.pipeline_mode<synchronous>, transform_indices = @transform_5, window_bounds = array<i64: 1, 768>}, {pipeline_mode = #tpu.pipeline_mode<synchronous>, transform_indices = @transform_6, window_bounds = array<i64: 1, 768>}, {transform_indices = @transform_7, window_bounds = array<i64: 1024, 768>}]} {
    %get3A = arith.constant 0 : index
    %get3A_0 = arith.constant 0 : index
    %get3A_1 = arith.constant 0 : index
    %get3A_2 = vector.load %arg2[%get3A, %get3A_0, %get3A_1] : memref<1x1x1024xi32, #tpu.memory_space<vmem>>, vector<1x1x1024xi32>
    %get3A_3 = vector.shape_cast %get3A_2 : vector<1x1x1024xi32> to vector<1024xi32>
    %get3A_4 = arith.constant 0 : index
    %get3A_5 = arith.constant 0 : index
    %get3A_6 = arith.constant 0 : index
    %get3A_7 = vector.load %arg3[%get3A_4, %get3A_5, %get3A_6] : memref<1x1x1024xi32, #tpu.memory_space<vmem>>, vector<1x1x1024xi32>
    %get3A_8 = vector.shape_cast %get3A_7 : vector<1x1x1024xi32> to vector<1024xi32>
    %broadcast_in_dim3A = vector.shape_cast %get3A_3 : vector<1024xi32> to vector<1024x1xi32>
    %iota3A = tpu.iota {dimensions = array<i32: 1>} : vector<1024x512xi32>
    %eq3A = vector.broadcast %broadcast_in_dim3A : vector<1024x1xi32> to vector<1024x512xi32>
    %eq3A_9 = arith.cmpi eq, %eq3A, %iota3A : vector<1024x512xi32>
    %convert_element_type3A = arith.extui %eq3A_9 : vector<1024x512xi1> to vector<1024x512xi32>
    %convert_element_type3A_10 = arith.sitofp %convert_element_type3A : vector<1024x512xi32> to vector<1024x512xf32>
    %convert_element_type3A_11 = arith.truncf %convert_element_type3A_10 : vector<1024x512xf32> to vector<1024x512xbf16>
    %get3A_12 = arith.constant 0 : index
    %get3A_13 = arith.constant 0 : index
    %get3A_14 = vector.load %arg4[%get3A_12, %get3A_13] : memref<512x768xbf16, #tpu.memory_space<vmem>>, vector<512x768xbf16>
    %dot_general3A = arith.constant dense<0.000000e+00> : vector<1024x768xf32>
    %dot_general3A_15 = tpu.matmul %convert_element_type3A_11, %get3A_14, %dot_general3A {dimension_numbers = #tpu.dot_dimension_numbers<[1], [0], [0], [1], [0, 0, 1, 1], [], []>, transpose_lhs_hint = false} : vector<1024x512xbf16>, vector<512x768xbf16>, vector<1024x768xf32> -> vector<1024x768xf32>
    %get3A_16 = arith.constant 0 : index
    %get3A_17 = arith.constant 0 : index
    %get3A_18 = vector.load %arg5[%get3A_16, %get3A_17] : memref<2x768xf32, #tpu.memory_space<vmem>>, vector<1x768xf32>
    %get3A_19 = arith.constant 1 : index
    %get3A_20 = arith.constant 0 : index
    %get3A_21 = vector.load %arg5[%get3A_19, %get3A_20] : memref<2x768xf32, #tpu.memory_space<vmem>>, vector<1x768xf32>
    %convert_element_type3A_22 = arith.sitofp %get3A_8 : vector<1024xi32> to vector<1024xf32>
    %broadcast_in_dim3A_23 = vector.shape_cast %convert_element_type3A_22 : vector<1024xf32> to vector<1024x1xf32>
    %get3A_24 = arith.constant 0 : index
    %get3A_25 = arith.constant 0 : index
    %get3A_26 = vector.load %arg1[%get3A_24, %get3A_25] : memref<1024x768xf32, #tpu.memory_space<vmem>>, vector<1024x768xf32>
    %add3A = arith.addf %get3A_26, %dot_general3A_15 : vector<1024x768xf32>
    %add3A_27 = vector.broadcast %get3A_18 : vector<1x768xf32> to vector<1024x768xf32>
    %add3A_28 = arith.addf %add3A, %add3A_27 : vector<1024x768xf32>
    %sub3A = arith.subf %get3A_21, %get3A_18 : vector<1x768xf32>
    %mul3A = vector.broadcast %broadcast_in_dim3A_23 : vector<1024x1xf32> to vector<1024x768xf32>
    %mul3A_29 = vector.broadcast %sub3A : vector<1x768xf32> to vector<1024x768xf32>
    %mul3A_30 = arith.mulf %mul3A, %mul3A_29 : vector<1024x768xf32>
    %add3A_31 = arith.addf %add3A_28, %mul3A_30 : vector<1024x768xf32>
    %reduce_sum3A = arith.constant dense<0.000000e+00> : vector<1024xf32>
    %reduce_sum3A_32 = vector.multi_reduction <add>, %add3A_31, %reduce_sum3A [1] : vector<1024x768xf32> to vector<1024xf32>
    %broadcast_in_dim3A_33 = vector.shape_cast %reduce_sum3A_32 : vector<1024xf32> to vector<1024x1xf32>
    %div3A = arith.constant 7.680000e+02 : f32
    %div3A_34 = vector.broadcast %div3A : f32 to vector<1024x1xf32>
    %div3A_35 = arith.divf %broadcast_in_dim3A_33, %div3A_34 : vector<1024x1xf32>
    %sub3A_36 = vector.broadcast %div3A_35 : vector<1024x1xf32> to vector<1024x768xf32>
    %sub3A_37 = arith.subf %add3A_31, %sub3A_36 : vector<1024x768xf32>
    %mul3A_38 = arith.mulf %sub3A_37, %sub3A_37 : vector<1024x768xf32>
    %reduce_sum3A_39 = arith.constant dense<0.000000e+00> : vector<1024xf32>
    %reduce_sum3A_40 = vector.multi_reduction <add>, %mul3A_38, %reduce_sum3A_39 [1] : vector<1024x768xf32> to vector<1024xf32>
    %broadcast_in_dim3A_41 = vector.shape_cast %reduce_sum3A_40 : vector<1024xf32> to vector<1024x1xf32>
    %div3A_42 = arith.constant 7.680000e+02 : f32
    %div3A_43 = vector.broadcast %div3A_42 : f32 to vector<1024x1xf32>
    %div3A_44 = arith.divf %broadcast_in_dim3A_41, %div3A_43 : vector<1024x1xf32>
    %add3A_45 = arith.constant 9.99999996E-13 : f32
    %add3A_46 = vector.broadcast %add3A_45 : f32 to vector<1024x1xf32>
    %add3A_47 = arith.addf %div3A_44, %add3A_46 : vector<1024x1xf32>
    %rsqrt3A = math.rsqrt %add3A_47 : vector<1024x1xf32>
    %mul3A_48 = vector.broadcast %rsqrt3A : vector<1024x1xf32> to vector<1024x768xf32>
    %mul3A_49 = arith.mulf %sub3A_37, %mul3A_48 : vector<1024x768xf32>
    %get3A_50 = arith.constant 0 : index
    %get3A_51 = arith.constant 0 : index
    %get3A_52 = vector.load %arg6[%get3A_50, %get3A_51] : memref<1x768xf32, #tpu.memory_space<vmem>>, vector<1x768xf32>
    %mul3A_53 = vector.broadcast %get3A_52 : vector<1x768xf32> to vector<1024x768xf32>
    %mul3A_54 = arith.mulf %mul3A_49, %mul3A_53 : vector<1024x768xf32>
    %get3A_55 = arith.constant 0 : index
    %get3A_56 = arith.constant 0 : index
    %get3A_57 = vector.load %arg7[%get3A_55, %get3A_56] : memref<1x768xf32, #tpu.memory_space<vmem>>, vector<1x768xf32>
    %add3A_58 = vector.broadcast %get3A_57 : vector<1x768xf32> to vector<1024x768xf32>
    %add3A_59 = arith.addf %mul3A_54, %add3A_58 : vector<1024x768xf32>
    %swap3A = arith.constant 0 : index
    %swap3A_60 = arith.constant 0 : index
    %swap3A_61 = vector.load %arg8[%swap3A, %swap3A_60] : memref<1024x768xf32, #tpu.memory_space<vmem>>, vector<1024x768xf32>
    tpu.vector_store %arg8[%swap3A, %swap3A_60], %add3A_59 {strides = array<i32>} : memref<1024x768xf32, #tpu.memory_space<vmem>>, vector<1024x768xf32>,
    return
  }
  func.func @transform_0(%arg0: i32) -> (i32, i32) {
    %c0_i32 = arith.constant 0 : i32
    %c0_i32_0 = arith.constant 0 : i32
    return %arg0, %c0_i32 : i32, i32
  }
  func.func @transform_1(%arg0: i32) -> (i32, i32, i32) {
    %add3A = arith.constant 0 : i32
    %add3A_0 = arith.addi %arg0, %add3A : i32
    %c0_i32 = arith.constant 0 : i32
    %c0_i32_1 = arith.constant 0 : i32
    %c0_i32_2 = arith.constant 0 : i32
    return %add3A_0, %c0_i32, %c0_i32_1 : i32, i32, i32
  }
  func.func @transform_2(%arg0: i32) -> (i32, i32, i32) {
    %add3A = arith.constant 0 : i32
    %add3A_0 = arith.addi %arg0, %add3A : i32
    %c0_i32 = arith.constant 0 : i32
    %c0_i32_1 = arith.constant 0 : i32
    %c0_i32_2 = arith.constant 0 : i32
    return %add3A_0, %c0_i32, %c0_i32_1 : i32, i32, i32
  }
  func.func @transform_3(%arg0: i32) -> (i32, i32) {
    %c0_i32 = arith.constant 0 : i32
    %c0_i32_0 = arith.constant 0 : i32
    %c0_i32_1 = arith.constant 0 : i32
    return %c0_i32, %c0_i32_0 : i32, i32
  }
  func.func @transform_4(%arg0: i32) -> (i32, i32) {
    %c0_i32 = arith.constant 0 : i32
    %c0_i32_0 = arith.constant 0 : i32
    %c0_i32_1 = arith.constant 0 : i32
    return %c0_i32, %c0_i32_0 : i32, i32
  }
  func.func @transform_5(%arg0: i32) -> (i32, i32) {
    %c0_i32 = arith.constant 0 : i32
    %c0_i32_0 = arith.constant 0 : i32
    %c0_i32_1 = arith.constant 0 : i32
    return %c0_i32, %c0_i32_0 : i32, i32
  }
  func.func @transform_6(%arg0: i32) -> (i32, i32) {
    %c0_i32 = arith.constant 0 : i32
    %c0_i32_0 = arith.constant 0 : i32
    %c0_i32_1 = arith.constant 0 : i32
    return %c0_i32, %c0_i32_0 : i32, i32
  }
  func.func @transform_7(%arg0: i32) -> (i32, i32) {
    %add3A = arith.constant 0 : i32
    %add3A_0 = arith.addi %arg0, %add3A : i32
    %c0_i32 = arith.constant 0 : i32
    %c0_i32_1 = arith.constant 0 : i32
    return %add3A_0, %c0_i32 : i32, i32
  }
}

module attributes {stable_mosaic.version = 14 : i64} {
  func.func @_tc_fuse_alias_kernel(%arg0: i32, %arg1: memref<16384x768xf32, #tpu.memory_space<any>>, %arg2: memref<1024x768xf32, #tpu.memory_space<vmem>>, %arg3: memref<1x1x1024xi32, #tpu.memory_space<vmem>>, %arg4: memref<1x1x1024xi32, #tpu.memory_space<vmem>>, %arg5: memref<512x768xbf16, #tpu.memory_space<vmem>>, %arg6: memref<2x768xf32, #tpu.memory_space<vmem>>, %arg7: memref<1x768xf32, #tpu.memory_space<vmem>>, %arg8: memref<1x768xf32, #tpu.memory_space<vmem>>, %arg9: memref<1024x768xf32, #tpu.memory_space<vmem>>) attributes {dimension_semantics = [#tpu.dimension_semantics<arbitrary>], iteration_bounds = array<i64: 4>, scalar_prefetch = 0 : i64, scratch_operands = 0 : i64, tpu.core_type = #tpu.core_type<tc>, window_params = [{}, {transform_indices = @transform_1, window_bounds = array<i64: 1024, 768>}, {transform_indices = @transform_2, window_bounds = array<i64: 1, 1, 1024>}, {transform_indices = @transform_3, window_bounds = array<i64: 1, 1, 1024>}, {pipeline_mode = #tpu.pipeline_mode<synchronous>, transform_indices = @transform_4, window_bounds = array<i64: 512, 768>}, {pipeline_mode = #tpu.pipeline_mode<synchronous>, transform_indices = @transform_5, window_bounds = array<i64: 2, 768>}, {pipeline_mode = #tpu.pipeline_mode<synchronous>, transform_indices = @transform_6, window_bounds = array<i64: 1, 768>}, {pipeline_mode = #tpu.pipeline_mode<synchronous>, transform_indices = @transform_7, window_bounds = array<i64: 1, 768>}, {transform_indices = @transform_8, window_bounds = array<i64: 1024, 768>}]} {
    %get3A = arith.constant 0 : index
    %get3A_0 = arith.constant 0 : index
    %get3A_1 = arith.constant 0 : index
    %get3A_2 = vector.load %arg3[%get3A, %get3A_0, %get3A_1] : memref<1x1x1024xi32, #tpu.memory_space<vmem>>, vector<1x1x1024xi32>
    %get3A_3 = vector.shape_cast %get3A_2 : vector<1x1x1024xi32> to vector<1024xi32>
    %get3A_4 = arith.constant 0 : index
    %get3A_5 = arith.constant 0 : index
    %get3A_6 = arith.constant 0 : index
    %get3A_7 = vector.load %arg4[%get3A_4, %get3A_5, %get3A_6] : memref<1x1x1024xi32, #tpu.memory_space<vmem>>, vector<1x1x1024xi32>
    %get3A_8 = vector.shape_cast %get3A_7 : vector<1x1x1024xi32> to vector<1024xi32>
    %broadcast_in_dim3A = vector.shape_cast %get3A_3 : vector<1024xi32> to vector<1024x1xi32>
    %iota3A = tpu.iota {dimensions = array<i32: 1>} : vector<1024x512xi32>
    %eq3A = vector.broadcast %broadcast_in_dim3A : vector<1024x1xi32> to vector<1024x512xi32>
    %eq3A_9 = arith.cmpi eq, %eq3A, %iota3A : vector<1024x512xi32>
    %convert_element_type3A = arith.extui %eq3A_9 : vector<1024x512xi1> to vector<1024x512xi32>
    %convert_element_type3A_10 = arith.sitofp %convert_element_type3A : vector<1024x512xi32> to vector<1024x512xf32>
    %convert_element_type3A_11 = arith.truncf %convert_element_type3A_10 : vector<1024x512xf32> to vector<1024x512xbf16>
    %get3A_12 = arith.constant 0 : index
    %get3A_13 = arith.constant 0 : index
    %get3A_14 = vector.load %arg5[%get3A_12, %get3A_13] : memref<512x768xbf16, #tpu.memory_space<vmem>>, vector<512x768xbf16>
    %dot_general3A = arith.constant dense<0.000000e+00> : vector<1024x768xf32>
    %dot_general3A_15 = tpu.matmul %convert_element_type3A_11, %get3A_14, %dot_general3A {dimension_numbers = #tpu.dot_dimension_numbers<[1], [0], [0], [1], [0, 0, 1, 1], [], []>, transpose_lhs_hint = false} : vector<1024x512xbf16>, vector<512x768xbf16>, vector<1024x768xf32> -> vector<1024x768xf32>
    %get3A_16 = arith.constant 0 : index
    %get3A_17 = arith.constant 0 : index
    %get3A_18 = vector.load %arg6[%get3A_16, %get3A_17] : memref<2x768xf32, #tpu.memory_space<vmem>>, vector<1x768xf32>
    %get3A_19 = arith.constant 1 : index
    %get3A_20 = arith.constant 0 : index
    %get3A_21 = vector.load %arg6[%get3A_19, %get3A_20] : memref<2x768xf32, #tpu.memory_space<vmem>>, vector<1x768xf32>
    %convert_element_type3A_22 = arith.sitofp %get3A_8 : vector<1024xi32> to vector<1024xf32>
    %broadcast_in_dim3A_23 = vector.shape_cast %convert_element_type3A_22 : vector<1024xf32> to vector<1024x1xf32>
    %get3A_24 = arith.constant 0 : index
    %get3A_25 = arith.constant 0 : index
    %get3A_26 = vector.load %arg2[%get3A_24, %get3A_25] : memref<1024x768xf32, #tpu.memory_space<vmem>>, vector<1024x768xf32>
    %add3A = arith.addf %get3A_26, %dot_general3A_15 : vector<1024x768xf32>
    %add3A_27 = vector.broadcast %get3A_18 : vector<1x768xf32> to vector<1024x768xf32>
    %add3A_28 = arith.addf %add3A, %add3A_27 : vector<1024x768xf32>
    %sub3A = arith.subf %get3A_21, %get3A_18 : vector<1x768xf32>
    %mul3A = vector.broadcast %broadcast_in_dim3A_23 : vector<1024x1xf32> to vector<1024x768xf32>
    %mul3A_29 = vector.broadcast %sub3A : vector<1x768xf32> to vector<1024x768xf32>
    %mul3A_30 = arith.mulf %mul3A, %mul3A_29 : vector<1024x768xf32>
    %add3A_31 = arith.addf %add3A_28, %mul3A_30 : vector<1024x768xf32>
    %reduce_sum3A = arith.constant dense<0.000000e+00> : vector<1024xf32>
    %reduce_sum3A_32 = vector.multi_reduction <add>, %add3A_31, %reduce_sum3A [1] : vector<1024x768xf32> to vector<1024xf32>
    %broadcast_in_dim3A_33 = vector.shape_cast %reduce_sum3A_32 : vector<1024xf32> to vector<1024x1xf32>
    %div3A = arith.constant 7.680000e+02 : f32
    %div3A_34 = vector.broadcast %div3A : f32 to vector<1024x1xf32>
    %div3A_35 = arith.divf %broadcast_in_dim3A_33, %div3A_34 : vector<1024x1xf32>
    %sub3A_36 = vector.broadcast %div3A_35 : vector<1024x1xf32> to vector<1024x768xf32>
    %sub3A_37 = arith.subf %add3A_31, %sub3A_36 : vector<1024x768xf32>
    %mul3A_38 = arith.mulf %sub3A_37, %sub3A_37 : vector<1024x768xf32>
    %reduce_sum3A_39 = arith.constant dense<0.000000e+00> : vector<1024xf32>
    %reduce_sum3A_40 = vector.multi_reduction <add>, %mul3A_38, %reduce_sum3A_39 [1] : vector<1024x768xf32> to vector<1024xf32>
    %broadcast_in_dim3A_41 = vector.shape_cast %reduce_sum3A_40 : vector<1024xf32> to vector<1024x1xf32>
    %div3A_42 = arith.constant 7.680000e+02 : f32
    %div3A_43 = vector.broadcast %div3A_42 : f32 to vector<1024x1xf32>
    %div3A_44 = arith.divf %broadcast_in_dim3A_41, %div3A_43 : vector<1024x1xf32>
    %add3A_45 = arith.constant 9.99999996E-13 : f32
    %add3A_46 = vector.broadcast %add3A_45 : f32 to vector<1024x1xf32>
    %add3A_47 = arith.addf %div3A_44, %add3A_46 : vector<1024x1xf32>
    %rsqrt3A = math.rsqrt %add3A_47 : vector<1024x1xf32>
    %mul3A_48 = vector.broadcast %rsqrt3A : vector<1024x1xf32> to vector<1024x768xf32>
    %mul3A_49 = arith.mulf %sub3A_37, %mul3A_48 : vector<1024x768xf32>
    %get3A_50 = arith.constant 0 : index
    %get3A_51 = arith.constant 0 : index
    %get3A_52 = vector.load %arg7[%get3A_50, %get3A_51] : memref<1x768xf32, #tpu.memory_space<vmem>>, vector<1x768xf32>
    %mul3A_53 = vector.broadcast %get3A_52 : vector<1x768xf32> to vector<1024x768xf32>
    %mul3A_54 = arith.mulf %mul3A_49, %mul3A_53 : vector<1024x768xf32>
    %get3A_55 = arith.constant 0 : index
    %get3A_56 = arith.constant 0 : index
    %get3A_57 = vector.load %arg8[%get3A_55, %get3A_56] : memref<1x768xf32, #tpu.memory_space<vmem>>, vector<1x768xf32>
    %add3A_58 = vector.broadcast %get3A_57 : vector<1x768xf32> to vector<1024x768xf32>
    %add3A_59 = arith.addf %mul3A_54, %add3A_58 : vector<1024x768xf32>
    %swap3A = arith.constant 0 : index
    %swap3A_60 = arith.constant 0 : index
    %swap3A_61 = vector.load %arg9[%swap3A, %swap3A_60] : memref<1024x768xf32, #tpu.memory_space<vmem>>, vector<1024x768xf32>
    tpu.vector_store %arg9[%swap3A, %swap3A_60], %add3A_59 {strides = array<i32>} : memref<1024x768xf32, #tpu.memory_space<vmem>>, vector<1024x768xf32>,
    return
  }
  func.func @transform_1(%arg0: i32) -> (i32, i32) {
    %c0_i32 = arith.constant 0 : i32
    %c0_i32_0 = arith.constant 0 : i32
    return %arg0, %c0_i32 : i32, i32
  }
  func.func @transform_2(%arg0: i32) -> (i32, i32, i32) {
    %add3A = arith.constant 4 : i32
    %add3A_0 = arith.addi %arg0, %add3A : i32
    %c0_i32 = arith.constant 0 : i32
    %c0_i32_1 = arith.constant 0 : i32
    %c0_i32_2 = arith.constant 0 : i32
    return %add3A_0, %c0_i32, %c0_i32_1 : i32, i32, i32
  }
  func.func @transform_3(%arg0: i32) -> (i32, i32, i32) {
    %add3A = arith.constant 4 : i32
    %add3A_0 = arith.addi %arg0, %add3A : i32
    %c0_i32 = arith.constant 0 : i32
    %c0_i32_1 = arith.constant 0 : i32
    %c0_i32_2 = arith.constant 0 : i32
    return %add3A_0, %c0_i32, %c0_i32_1 : i32, i32, i32
  }
  func.func @transform_4(%arg0: i32) -> (i32, i32) {
    %c0_i32 = arith.constant 0 : i32
    %c0_i32_0 = arith.constant 0 : i32
    %c0_i32_1 = arith.constant 0 : i32
    return %c0_i32, %c0_i32_0 : i32, i32
  }
  func.func @transform_5(%arg0: i32) -> (i32, i32) {
    %c0_i32 = arith.constant 0 : i32
    %c0_i32_0 = arith.constant 0 : i32
    %c0_i32_1 = arith.constant 0 : i32
    return %c0_i32, %c0_i32_0 : i32, i32
  }
  func.func @transform_6(%arg0: i32) -> (i32, i32) {
    %c0_i32 = arith.constant 0 : i32
    %c0_i32_0 = arith.constant 0 : i32
    %c0_i32_1 = arith.constant 0 : i32
    return %c0_i32, %c0_i32_0 : i32, i32
  }
  func.func @transform_7(%arg0: i32) -> (i32, i32) {
    %c0_i32 = arith.constant 0 : i32
    %c0_i32_0 = arith.constant 0 : i32
    %c0_i32_1 = arith.constant 0 : i32
    return %c0_i32, %c0_i32_0 : i32, i32
  }
  func.func @transform_8(%arg0: i32) -> (i32, i32) {
    %add3A = arith.constant 4 : i32
    %add3A_0 = arith.addi %arg0, %add3A : i32
    %c0_i32 = arith.constant 0 : i32
    %c0_i32_1 = arith.constant 0 : i32
    return %add3A_0, %c0_i32 : i32, i32
  }
}

module attributes {stable_mosaic.version = 14 : i64} {
  func.func @_tc_fuse_alias_kernel(%arg0: i32, %arg1: memref<16384x768xf32, #tpu.memory_space<any>>, %arg2: memref<1024x768xf32, #tpu.memory_space<vmem>>, %arg3: memref<1x1x1024xi32, #tpu.memory_space<vmem>>, %arg4: memref<1x1x1024xi32, #tpu.memory_space<vmem>>, %arg5: memref<512x768xbf16, #tpu.memory_space<vmem>>, %arg6: memref<2x768xf32, #tpu.memory_space<vmem>>, %arg7: memref<1x768xf32, #tpu.memory_space<vmem>>, %arg8: memref<1x768xf32, #tpu.memory_space<vmem>>, %arg9: memref<1024x768xf32, #tpu.memory_space<vmem>>) attributes {dimension_semantics = [#tpu.dimension_semantics<arbitrary>], iteration_bounds = array<i64: 4>, scalar_prefetch = 0 : i64, scratch_operands = 0 : i64, tpu.core_type = #tpu.core_type<tc>, window_params = [{}, {transform_indices = @transform_1, window_bounds = array<i64: 1024, 768>}, {transform_indices = @transform_2, window_bounds = array<i64: 1, 1, 1024>}, {transform_indices = @transform_3, window_bounds = array<i64: 1, 1, 1024>}, {pipeline_mode = #tpu.pipeline_mode<synchronous>, transform_indices = @transform_4, window_bounds = array<i64: 512, 768>}, {pipeline_mode = #tpu.pipeline_mode<synchronous>, transform_indices = @transform_5, window_bounds = array<i64: 2, 768>}, {pipeline_mode = #tpu.pipeline_mode<synchronous>, transform_indices = @transform_6, window_bounds = array<i64: 1, 768>}, {pipeline_mode = #tpu.pipeline_mode<synchronous>, transform_indices = @transform_7, window_bounds = array<i64: 1, 768>}, {transform_indices = @transform_8, window_bounds = array<i64: 1024, 768>}]} {
    %get3A = arith.constant 0 : index
    %get3A_0 = arith.constant 0 : index
    %get3A_1 = arith.constant 0 : index
    %get3A_2 = vector.load %arg3[%get3A, %get3A_0, %get3A_1] : memref<1x1x1024xi32, #tpu.memory_space<vmem>>, vector<1x1x1024xi32>
    %get3A_3 = vector.shape_cast %get3A_2 : vector<1x1x1024xi32> to vector<1024xi32>
    %get3A_4 = arith.constant 0 : index
    %get3A_5 = arith.constant 0 : index
    %get3A_6 = arith.constant 0 : index
    %get3A_7 = vector.load %arg4[%get3A_4, %get3A_5, %get3A_6] : memref<1x1x1024xi32, #tpu.memory_space<vmem>>, vector<1x1x1024xi32>
    %get3A_8 = vector.shape_cast %get3A_7 : vector<1x1x1024xi32> to vector<1024xi32>
    %broadcast_in_dim3A = vector.shape_cast %get3A_3 : vector<1024xi32> to vector<1024x1xi32>
    %iota3A = tpu.iota {dimensions = array<i32: 1>} : vector<1024x512xi32>
    %eq3A = vector.broadcast %broadcast_in_dim3A : vector<1024x1xi32> to vector<1024x512xi32>
    %eq3A_9 = arith.cmpi eq, %eq3A, %iota3A : vector<1024x512xi32>
    %convert_element_type3A = arith.extui %eq3A_9 : vector<1024x512xi1> to vector<1024x512xi32>
    %convert_element_type3A_10 = arith.sitofp %convert_element_type3A : vector<1024x512xi32> to vector<1024x512xf32>
    %convert_element_type3A_11 = arith.truncf %convert_element_type3A_10 : vector<1024x512xf32> to vector<1024x512xbf16>
    %get3A_12 = arith.constant 0 : index
    %get3A_13 = arith.constant 0 : index
    %get3A_14 = vector.load %arg5[%get3A_12, %get3A_13] : memref<512x768xbf16, #tpu.memory_space<vmem>>, vector<512x768xbf16>
    %dot_general3A = arith.constant dense<0.000000e+00> : vector<1024x768xf32>
    %dot_general3A_15 = tpu.matmul %convert_element_type3A_11, %get3A_14, %dot_general3A {dimension_numbers = #tpu.dot_dimension_numbers<[1], [0], [0], [1], [0, 0, 1, 1], [], []>, transpose_lhs_hint = false} : vector<1024x512xbf16>, vector<512x768xbf16>, vector<1024x768xf32> -> vector<1024x768xf32>
    %get3A_16 = arith.constant 0 : index
    %get3A_17 = arith.constant 0 : index
    %get3A_18 = vector.load %arg6[%get3A_16, %get3A_17] : memref<2x768xf32, #tpu.memory_space<vmem>>, vector<1x768xf32>
    %get3A_19 = arith.constant 1 : index
    %get3A_20 = arith.constant 0 : index
    %get3A_21 = vector.load %arg6[%get3A_19, %get3A_20] : memref<2x768xf32, #tpu.memory_space<vmem>>, vector<1x768xf32>
    %convert_element_type3A_22 = arith.sitofp %get3A_8 : vector<1024xi32> to vector<1024xf32>
    %broadcast_in_dim3A_23 = vector.shape_cast %convert_element_type3A_22 : vector<1024xf32> to vector<1024x1xf32>
    %get3A_24 = arith.constant 0 : index
    %get3A_25 = arith.constant 0 : index
    %get3A_26 = vector.load %arg2[%get3A_24, %get3A_25] : memref<1024x768xf32, #tpu.memory_space<vmem>>, vector<1024x768xf32>
    %add3A = arith.addf %get3A_26, %dot_general3A_15 : vector<1024x768xf32>
    %add3A_27 = vector.broadcast %get3A_18 : vector<1x768xf32> to vector<1024x768xf32>
    %add3A_28 = arith.addf %add3A, %add3A_27 : vector<1024x768xf32>
    %sub3A = arith.subf %get3A_21, %get3A_18 : vector<1x768xf32>
    %mul3A = vector.broadcast %broadcast_in_dim3A_23 : vector<1024x1xf32> to vector<1024x768xf32>
    %mul3A_29 = vector.broadcast %sub3A : vector<1x768xf32> to vector<1024x768xf32>
    %mul3A_30 = arith.mulf %mul3A, %mul3A_29 : vector<1024x768xf32>
    %add3A_31 = arith.addf %add3A_28, %mul3A_30 : vector<1024x768xf32>
    %reduce_sum3A = arith.constant dense<0.000000e+00> : vector<1024xf32>
    %reduce_sum3A_32 = vector.multi_reduction <add>, %add3A_31, %reduce_sum3A [1] : vector<1024x768xf32> to vector<1024xf32>
    %broadcast_in_dim3A_33 = vector.shape_cast %reduce_sum3A_32 : vector<1024xf32> to vector<1024x1xf32>
    %div3A = arith.constant 7.680000e+02 : f32
    %div3A_34 = vector.broadcast %div3A : f32 to vector<1024x1xf32>
    %div3A_35 = arith.divf %broadcast_in_dim3A_33, %div3A_34 : vector<1024x1xf32>
    %sub3A_36 = vector.broadcast %div3A_35 : vector<1024x1xf32> to vector<1024x768xf32>
    %sub3A_37 = arith.subf %add3A_31, %sub3A_36 : vector<1024x768xf32>
    %mul3A_38 = arith.mulf %sub3A_37, %sub3A_37 : vector<1024x768xf32>
    %reduce_sum3A_39 = arith.constant dense<0.000000e+00> : vector<1024xf32>
    %reduce_sum3A_40 = vector.multi_reduction <add>, %mul3A_38, %reduce_sum3A_39 [1] : vector<1024x768xf32> to vector<1024xf32>
    %broadcast_in_dim3A_41 = vector.shape_cast %reduce_sum3A_40 : vector<1024xf32> to vector<1024x1xf32>
    %div3A_42 = arith.constant 7.680000e+02 : f32
    %div3A_43 = vector.broadcast %div3A_42 : f32 to vector<1024x1xf32>
    %div3A_44 = arith.divf %broadcast_in_dim3A_41, %div3A_43 : vector<1024x1xf32>
    %add3A_45 = arith.constant 9.99999996E-13 : f32
    %add3A_46 = vector.broadcast %add3A_45 : f32 to vector<1024x1xf32>
    %add3A_47 = arith.addf %div3A_44, %add3A_46 : vector<1024x1xf32>
    %rsqrt3A = math.rsqrt %add3A_47 : vector<1024x1xf32>
    %mul3A_48 = vector.broadcast %rsqrt3A : vector<1024x1xf32> to vector<1024x768xf32>
    %mul3A_49 = arith.mulf %sub3A_37, %mul3A_48 : vector<1024x768xf32>
    %get3A_50 = arith.constant 0 : index
    %get3A_51 = arith.constant 0 : index
    %get3A_52 = vector.load %arg7[%get3A_50, %get3A_51] : memref<1x768xf32, #tpu.memory_space<vmem>>, vector<1x768xf32>
    %mul3A_53 = vector.broadcast %get3A_52 : vector<1x768xf32> to vector<1024x768xf32>
    %mul3A_54 = arith.mulf %mul3A_49, %mul3A_53 : vector<1024x768xf32>
    %get3A_55 = arith.constant 0 : index
    %get3A_56 = arith.constant 0 : index
    %get3A_57 = vector.load %arg8[%get3A_55, %get3A_56] : memref<1x768xf32, #tpu.memory_space<vmem>>, vector<1x768xf32>
    %add3A_58 = vector.broadcast %get3A_57 : vector<1x768xf32> to vector<1024x768xf32>
    %add3A_59 = arith.addf %mul3A_54, %add3A_58 : vector<1024x768xf32>
    %swap3A = arith.constant 0 : index
    %swap3A_60 = arith.constant 0 : index
    %swap3A_61 = vector.load %arg9[%swap3A, %swap3A_60] : memref<1024x768xf32, #tpu.memory_space<vmem>>, vector<1024x768xf32>
    tpu.vector_store %arg9[%swap3A, %swap3A_60], %add3A_59 {strides = array<i32>} : memref<1024x768xf32, #tpu.memory_space<vmem>>, vector<1024x768xf32>,
    return
  }
  func.func @transform_1(%arg0: i32) -> (i32, i32) {
    %c0_i32 = arith.constant 0 : i32
    %c0_i32_0 = arith.constant 0 : i32
    return %arg0, %c0_i32 : i32, i32
  }
  func.func @transform_2(%arg0: i32) -> (i32, i32, i32) {
    %add3A = arith.constant 8 : i32
    %add3A_0 = arith.addi %arg0, %add3A : i32
    %c0_i32 = arith.constant 0 : i32
    %c0_i32_1 = arith.constant 0 : i32
    %c0_i32_2 = arith.constant 0 : i32
    return %add3A_0, %c0_i32, %c0_i32_1 : i32, i32, i32
  }
  func.func @transform_3(%arg0: i32) -> (i32, i32, i32) {
    %add3A = arith.constant 8 : i32
    %add3A_0 = arith.addi %arg0, %add3A : i32
    %c0_i32 = arith.constant 0 : i32
    %c0_i32_1 = arith.constant 0 : i32
    %c0_i32_2 = arith.constant 0 : i32
    return %add3A_0, %c0_i32, %c0_i32_1 : i32, i32, i32
  }
  func.func @transform_4(%arg0: i32) -> (i32, i32) {
    %c0_i32 = arith.constant 0 : i32
    %c0_i32_0 = arith.constant 0 : i32
    %c0_i32_1 = arith.constant 0 : i32
    return %c0_i32, %c0_i32_0 : i32, i32
  }
  func.func @transform_5(%arg0: i32) -> (i32, i32) {
    %c0_i32 = arith.constant 0 : i32
    %c0_i32_0 = arith.constant 0 : i32
    %c0_i32_1 = arith.constant 0 : i32
    return %c0_i32, %c0_i32_0 : i32, i32
  }
  func.func @transform_6(%arg0: i32) -> (i32, i32) {
    %c0_i32 = arith.constant 0 : i32
    %c0_i32_0 = arith.constant 0 : i32
    %c0_i32_1 = arith.constant 0 : i32
    return %c0_i32, %c0_i32_0 : i32, i32
  }
  func.func @transform_7(%arg0: i32) -> (i32, i32) {
    %c0_i32 = arith.constant 0 : i32
    %c0_i32_0 = arith.constant 0 : i32
    %c0_i32_1 = arith.constant 0 : i32
    return %c0_i32, %c0_i32_0 : i32, i32
  }
  func.func @transform_8(%arg0: i32) -> (i32, i32) {
    %add3A = arith.constant 8 : i32
    %add3A_0 = arith.addi %arg0, %add3A : i32
    %c0_i32 = arith.constant 0 : i32
    %c0_i32_1 = arith.constant 0 : i32
    return %add3A_0, %c0_i32 : i32, i32
  }
}

module attributes {stable_mosaic.version = 14 : i64} {
  func.func @_tc_fuse_alias_kernel(%arg0: i32, %arg1: memref<16384x768xf32, #tpu.memory_space<any>>, %arg2: memref<1024x768xf32, #tpu.memory_space<vmem>>, %arg3: memref<1x1x1024xi32, #tpu.memory_space<vmem>>, %arg4: memref<1x1x1024xi32, #tpu.memory_space<vmem>>, %arg5: memref<512x768xbf16, #tpu.memory_space<vmem>>, %arg6: memref<2x768xf32, #tpu.memory_space<vmem>>, %arg7: memref<1x768xf32, #tpu.memory_space<vmem>>, %arg8: memref<1x768xf32, #tpu.memory_space<vmem>>, %arg9: memref<1024x768xf32, #tpu.memory_space<vmem>>) attributes {dimension_semantics = [#tpu.dimension_semantics<arbitrary>], iteration_bounds = array<i64: 4>, scalar_prefetch = 0 : i64, scratch_operands = 0 : i64, tpu.core_type = #tpu.core_type<tc>, window_params = [{}, {transform_indices = @transform_1, window_bounds = array<i64: 1024, 768>}, {transform_indices = @transform_2, window_bounds = array<i64: 1, 1, 1024>}, {transform_indices = @transform_3, window_bounds = array<i64: 1, 1, 1024>}, {pipeline_mode = #tpu.pipeline_mode<synchronous>, transform_indices = @transform_4, window_bounds = array<i64: 512, 768>}, {pipeline_mode = #tpu.pipeline_mode<synchronous>, transform_indices = @transform_5, window_bounds = array<i64: 2, 768>}, {pipeline_mode = #tpu.pipeline_mode<synchronous>, transform_indices = @transform_6, window_bounds = array<i64: 1, 768>}, {pipeline_mode = #tpu.pipeline_mode<synchronous>, transform_indices = @transform_7, window_bounds = array<i64: 1, 768>}, {transform_indices = @transform_8, window_bounds = array<i64: 1024, 768>}]} {
    %get3A = arith.constant 0 : index
    %get3A_0 = arith.constant 0 : index
    %get3A_1 = arith.constant 0 : index
    %get3A_2 = vector.load %arg3[%get3A, %get3A_0, %get3A_1] : memref<1x1x1024xi32, #tpu.memory_space<vmem>>, vector<1x1x1024xi32>
    %get3A_3 = vector.shape_cast %get3A_2 : vector<1x1x1024xi32> to vector<1024xi32>
    %get3A_4 = arith.constant 0 : index
    %get3A_5 = arith.constant 0 : index
    %get3A_6 = arith.constant 0 : index
    %get3A_7 = vector.load %arg4[%get3A_4, %get3A_5, %get3A_6] : memref<1x1x1024xi32, #tpu.memory_space<vmem>>, vector<1x1x1024xi32>
    %get3A_8 = vector.shape_cast %get3A_7 : vector<1x1x1024xi32> to vector<1024xi32>
    %broadcast_in_dim3A = vector.shape_cast %get3A_3 : vector<1024xi32> to vector<1024x1xi32>
    %iota3A = tpu.iota {dimensions = array<i32: 1>} : vector<1024x512xi32>
    %eq3A = vector.broadcast %broadcast_in_dim3A : vector<1024x1xi32> to vector<1024x512xi32>
    %eq3A_9 = arith.cmpi eq, %eq3A, %iota3A : vector<1024x512xi32>
    %convert_element_type3A = arith.extui %eq3A_9 : vector<1024x512xi1> to vector<1024x512xi32>
    %convert_element_type3A_10 = arith.sitofp %convert_element_type3A : vector<1024x512xi32> to vector<1024x512xf32>
    %convert_element_type3A_11 = arith.truncf %convert_element_type3A_10 : vector<1024x512xf32> to vector<1024x512xbf16>
    %get3A_12 = arith.constant 0 : index
    %get3A_13 = arith.constant 0 : index
    %get3A_14 = vector.load %arg5[%get3A_12, %get3A_13] : memref<512x768xbf16, #tpu.memory_space<vmem>>, vector<512x768xbf16>
    %dot_general3A = arith.constant dense<0.000000e+00> : vector<1024x768xf32>
    %dot_general3A_15 = tpu.matmul %convert_element_type3A_11, %get3A_14, %dot_general3A {dimension_numbers = #tpu.dot_dimension_numbers<[1], [0], [0], [1], [0, 0, 1, 1], [], []>, transpose_lhs_hint = false} : vector<1024x512xbf16>, vector<512x768xbf16>, vector<1024x768xf32> -> vector<1024x768xf32>
    %get3A_16 = arith.constant 0 : index
    %get3A_17 = arith.constant 0 : index
    %get3A_18 = vector.load %arg6[%get3A_16, %get3A_17] : memref<2x768xf32, #tpu.memory_space<vmem>>, vector<1x768xf32>
    %get3A_19 = arith.constant 1 : index
    %get3A_20 = arith.constant 0 : index
    %get3A_21 = vector.load %arg6[%get3A_19, %get3A_20] : memref<2x768xf32, #tpu.memory_space<vmem>>, vector<1x768xf32>
    %convert_element_type3A_22 = arith.sitofp %get3A_8 : vector<1024xi32> to vector<1024xf32>
    %broadcast_in_dim3A_23 = vector.shape_cast %convert_element_type3A_22 : vector<1024xf32> to vector<1024x1xf32>
    %get3A_24 = arith.constant 0 : index
    %get3A_25 = arith.constant 0 : index
    %get3A_26 = vector.load %arg2[%get3A_24, %get3A_25] : memref<1024x768xf32, #tpu.memory_space<vmem>>, vector<1024x768xf32>
    %add3A = arith.addf %get3A_26, %dot_general3A_15 : vector<1024x768xf32>
    %add3A_27 = vector.broadcast %get3A_18 : vector<1x768xf32> to vector<1024x768xf32>
    %add3A_28 = arith.addf %add3A, %add3A_27 : vector<1024x768xf32>
    %sub3A = arith.subf %get3A_21, %get3A_18 : vector<1x768xf32>
    %mul3A = vector.broadcast %broadcast_in_dim3A_23 : vector<1024x1xf32> to vector<1024x768xf32>
    %mul3A_29 = vector.broadcast %sub3A : vector<1x768xf32> to vector<1024x768xf32>
    %mul3A_30 = arith.mulf %mul3A, %mul3A_29 : vector<1024x768xf32>
    %add3A_31 = arith.addf %add3A_28, %mul3A_30 : vector<1024x768xf32>
    %reduce_sum3A = arith.constant dense<0.000000e+00> : vector<1024xf32>
    %reduce_sum3A_32 = vector.multi_reduction <add>, %add3A_31, %reduce_sum3A [1] : vector<1024x768xf32> to vector<1024xf32>
    %broadcast_in_dim3A_33 = vector.shape_cast %reduce_sum3A_32 : vector<1024xf32> to vector<1024x1xf32>
    %div3A = arith.constant 7.680000e+02 : f32
    %div3A_34 = vector.broadcast %div3A : f32 to vector<1024x1xf32>
    %div3A_35 = arith.divf %broadcast_in_dim3A_33, %div3A_34 : vector<1024x1xf32>
    %sub3A_36 = vector.broadcast %div3A_35 : vector<1024x1xf32> to vector<1024x768xf32>
    %sub3A_37 = arith.subf %add3A_31, %sub3A_36 : vector<1024x768xf32>
    %mul3A_38 = arith.mulf %sub3A_37, %sub3A_37 : vector<1024x768xf32>
    %reduce_sum3A_39 = arith.constant dense<0.000000e+00> : vector<1024xf32>
    %reduce_sum3A_40 = vector.multi_reduction <add>, %mul3A_38, %reduce_sum3A_39 [1] : vector<1024x768xf32> to vector<1024xf32>
    %broadcast_in_dim3A_41 = vector.shape_cast %reduce_sum3A_40 : vector<1024xf32> to vector<1024x1xf32>
    %div3A_42 = arith.constant 7.680000e+02 : f32
    %div3A_43 = vector.broadcast %div3A_42 : f32 to vector<1024x1xf32>
    %div3A_44 = arith.divf %broadcast_in_dim3A_41, %div3A_43 : vector<1024x1xf32>
    %add3A_45 = arith.constant 9.99999996E-13 : f32
    %add3A_46 = vector.broadcast %add3A_45 : f32 to vector<1024x1xf32>
    %add3A_47 = arith.addf %div3A_44, %add3A_46 : vector<1024x1xf32>
    %rsqrt3A = math.rsqrt %add3A_47 : vector<1024x1xf32>
    %mul3A_48 = vector.broadcast %rsqrt3A : vector<1024x1xf32> to vector<1024x768xf32>
    %mul3A_49 = arith.mulf %sub3A_37, %mul3A_48 : vector<1024x768xf32>
    %get3A_50 = arith.constant 0 : index
    %get3A_51 = arith.constant 0 : index
    %get3A_52 = vector.load %arg7[%get3A_50, %get3A_51] : memref<1x768xf32, #tpu.memory_space<vmem>>, vector<1x768xf32>
    %mul3A_53 = vector.broadcast %get3A_52 : vector<1x768xf32> to vector<1024x768xf32>
    %mul3A_54 = arith.mulf %mul3A_49, %mul3A_53 : vector<1024x768xf32>
    %get3A_55 = arith.constant 0 : index
    %get3A_56 = arith.constant 0 : index
    %get3A_57 = vector.load %arg8[%get3A_55, %get3A_56] : memref<1x768xf32, #tpu.memory_space<vmem>>, vector<1x768xf32>
    %add3A_58 = vector.broadcast %get3A_57 : vector<1x768xf32> to vector<1024x768xf32>
    %add3A_59 = arith.addf %mul3A_54, %add3A_58 : vector<1024x768xf32>
    %swap3A = arith.constant 0 : index
    %swap3A_60 = arith.constant 0 : index
    %swap3A_61 = vector.load %arg9[%swap3A, %swap3A_60] : memref<1024x768xf32, #tpu.memory_space<vmem>>, vector<1024x768xf32>
    tpu.vector_store %arg9[%swap3A, %swap3A_60], %add3A_59 {strides = array<i32>} : memref<1024x768xf32, #tpu.memory_space<vmem>>, vector<1024x768xf32>,
    return
  }
  func.func @transform_1(%arg0: i32) -> (i32, i32) {
    %c0_i32 = arith.constant 0 : i32
    %c0_i32_0 = arith.constant 0 : i32
    return %arg0, %c0_i32 : i32, i32
  }
  func.func @transform_2(%arg0: i32) -> (i32, i32, i32) {
    %add3A = arith.constant 12 : i32
    %add3A_0 = arith.addi %arg0, %add3A : i32
    %c0_i32 = arith.constant 0 : i32
    %c0_i32_1 = arith.constant 0 : i32
    %c0_i32_2 = arith.constant 0 : i32
    return %add3A_0, %c0_i32, %c0_i32_1 : i32, i32, i32
  }
  func.func @transform_3(%arg0: i32) -> (i32, i32, i32) {
    %add3A = arith.constant 12 : i32
    %add3A_0 = arith.addi %arg0, %add3A : i32
    %c0_i32 = arith.constant 0 : i32
    %c0_i32_1 = arith.constant 0 : i32
    %c0_i32_2 = arith.constant 0 : i32
    return %add3A_0, %c0_i32, %c0_i32_1 : i32, i32, i32
  }
  func.func @transform_4(%arg0: i32) -> (i32, i32) {
    %c0_i32 = arith.constant 0 : i32
    %c0_i32_0 = arith.constant 0 : i32
    %c0_i32_1 = arith.constant 0 : i32
    return %c0_i32, %c0_i32_0 : i32, i32
  }
  func.func @transform_5(%arg0: i32) -> (i32, i32) {
    %c0_i32 = arith.constant 0 : i32
    %c0_i32_0 = arith.constant 0 : i32
    %c0_i32_1 = arith.constant 0 : i32
    return %c0_i32, %c0_i32_0 : i32, i32
  }
  func.func @transform_6(%arg0: i32) -> (i32, i32) {
    %c0_i32 = arith.constant 0 : i32
    %c0_i32_0 = arith.constant 0 : i32
    %c0_i32_1 = arith.constant 0 : i32
    return %c0_i32, %c0_i32_0 : i32, i32
  }
  func.func @transform_7(%arg0: i32) -> (i32, i32) {
    %c0_i32 = arith.constant 0 : i32
    %c0_i32_0 = arith.constant 0 : i32
    %c0_i32_1 = arith.constant 0 : i32
    return %c0_i32, %c0_i32_0 : i32, i32
  }
  func.func @transform_8(%arg0: i32) -> (i32, i32) {
    %add3A = arith.constant 12 : i32
    %add3A_0 = arith.addi %arg0, %add3A : i32
    %c0_i32 = arith.constant 0 : i32
    %c0_i32_1 = arith.constant 0 : i32
    return %add3A_0, %c0_i32 : i32, i32
  }
}

</mosaic_0001>

<sc_bundles>
// kernel: kernel.10.cloned.1.call-start
scs
__scs_entry_jumppad:
0x0: {  	(pc) =	sbr.rel $0x88, $3  }
0x1: {  	(tag) =	ssettag $0x0;
	lr =	simm.s32 $0x1  }
0x2: {  	[smem:$0x3F99] =	sst lr;
	_ =	strace $0xD0000000  }
0x3: {  	_ = 	snop  }
0x4: {  	_ = 	snop  }
0x5: {  	_ = 	snop  }
0x6: {  	_ = 	snop  }
0x7: {  	_ = 	snop  }
__scs_overlays_trampoline_lowered:
0x8: {  	[smem:$0x3FA8] =	sst s0  }
0x9: {  	[smem:$0x3FA9] =	sst s1  }
0xa: {  	[smem:$0x3FAA] =	sst s2  }
0xb: {  	[smem:$0x3FAB] =	sst s3  }
0xc: {  	[smem:$0x3FAC] =	sst s4  }
0xd: {  	[smem:$0x3FAD] =	sst s5  }
0xe: {  	[smem:$0x3FAE] =	sst s6  }
0xf: {  	[smem:$0x3FAF] =	sst s7  }
0x10: {  	[smem:$0x3FB0] =	sst s8  }
0x11: {  	[smem:$0x3FB1] =	sst s9;
	s0 =	simm.s32 @!p0 $0x0  }
0x12: {  	s1 =	sld [smem:$0x3F97];
	s0 =	simm.s32 @p0 $0x1  }
0x13: {  	[smem:$0x3FB2] =	sst s0;
	s0 =	simm.s32 @!p1 $0x0  }
0x14: {  	s2 =	sld [smem:$0x3F96];
	s0 =	simm.s32 @p1 $0x1  }
0x15: {  	[smem:$0x3FB3] =	sst s0;
	s0 =	simm.s32 @!p2 $0x0  }
0x16: {  	s3 =	sld [smem:$0x3FDB];
	s0 =	simm.s32 @p2 $0x1  }
0x17: {  	s4 =	simm.s32 $0x1BF5;
	[smem:$0x3FB5] =	sst s0  }
0x18: {  	s0 =	sld [smem:$0x3F98];
	_ =	swait.ge [sflag:s4], $0x0  }
0x19: {  	s7 =	sld [smem:$0x3F99]  }
0x1a: {  	s8 =	sadd.s32 $0xFFFFE003, lr  }
0x1b: {  	s9 =	sadd.s32 $0xFFFFFEF7, lr;
	s5 =	simm.s32 $0xFFFFFFFF;
	p2 =	slt.u32 s8, $0xFFFFF086  }
0x1c: {  	p1 =	slt.u32 s9, $0xF7A;
	s5 =	simm.s32 @!p2 $0x0  }
0x1d: {  	s5 =	simm.s32 @p1 $0x1;
	p0 =	seq.s32 s7, s2  }
0x1e: {  	s7 =	smul.u32 @!p0 $0xF7A, s2;
	p2 =	seq.s32 @!p0 s5, $0x0  }
0x1f: {  	s9 =	smul.u32 $0xF7A, s1;
	s8 =	simm.s32 @!p0 $0x1BF5;
	p2 =	por !p2, p0  }
0x20: {  	[sflag:s8] =	ssyncset.s32 @!p0 $0xFFFFF086;
	s6 =	sadd.s32 @!p0 s3, s7;
	s7 =	simm.s32 @!p0 $0x108  }
0x21: {  	s3 =	sadd.s32 s3, s9;
	s6 =	sadd.s32 @!p0 $0x88, s6;
	s7 =	simm.s32 @p2 $0x1082  }
0x22: {  	[simem:s7], [sflag:s8] =	dma.local @!p0 [hbm:s6], $0xF7A  }
0x23: {  	s9 =	sor.u32 $0xD0000000, s2;
	s6 =	simm.s32 $0x108;
	_ =	swait.ge @!p0 [sflag:s8], $0x0  }
0x24: {  	s3 =	sadd.s32 $0x88, s3;
	s6 =	simm.s32 @!p1 $0x1082;
	[sflag:s4] =	ssyncset.s32 $0xFFFFF086  }
0x25: {  	[simem:s6], [sflag:s4] =	dma.local [hbm:s3], $0xF7A  }
0x26: {  	[smem:$0x3F99] =	sst s1;
	(tag) =	ssettag s2;
	_ =	strace s9  }
0x27: {  	s1 =	sld [smem:$0x3FA9]  }
0x28: {  	s2 =	sld [smem:$0x3FAA]  }
0x29: {  	s4 =	sld [smem:$0x3FAC]  }
0x2a: {  	p0 =	seq.s32 s5, $0x0;
	s5 =	sld [smem:$0x3FAD]  }
0x2b: {  	s6 =	sld [smem:$0x3FAE]  }
0x2c: {  	s7 =	sld [smem:$0x3FAF]  }
0x2d: {  	s3 =	simm.s32 $0x108;
	s8 =	sld [smem:$0x3FB0]  }
0x2e: {  	s3 =	simm.s32 @!p0 $0x1082;
	s9 =	sld [smem:$0x3FB1]  }
0x2f: {  	lr =	sadd.s32 s0, s3;
	s0 =	sld [smem:$0x3FA8]  }
0x30: {  	s3 =	sld [smem:$0x3FAB]  }
0x31: {  	[smem:$0x3FB4] =	sst s10  }
0x32: {  	s10 =	sld [smem:$0x3FB2];
	_ =	sdelay $0x3  }
0x33: {  	p0 =	seq.s32 s10, $0x1;
	s10 =	sld [smem:$0x3FB4];
	_ =	sdelay $0x3  }
0x34: {  	[smem:$0x3FB4] =	sst s10  }
0x35: {  	s10 =	sld [smem:$0x3FB3];
	_ =	sdelay $0x3  }
0x36: {  	p1 =	seq.s32 s10, $0x1;
	s10 =	sld [smem:$0x3FB4];
	_ =	sdelay $0x3  }
0x37: {  	[smem:$0x3FB4] =	sst s10  }
0x38: {  	s10 =	sld [smem:$0x3FB5]  }
0x39: {  	_ = 	snop;
	(pc) =	sbr.ind lr, $3  }
0x3a: {  	_ = 	snop  }
0x3b: {  	_ = 	snop  }
0x3c: {  	p2 =	seq.s32 s10, $0x1;
	s10 =	sld [smem:$0x3FB4]  }
0x3d: {  	_ =	shalt  }
0x3e: {  	_ =	shalt  }
0x3f: {  	_ =	shalt  }
0x40: {  	_ =	shalt  }
0x41: {  	_ =	shalt  }
0x42: {  	_ =	shalt  }
0x43: {  	_ =	shalt  }
0x44: {  	_ =	shalt  }
0x45: {  	_ =	shalt  }
0x46: {  	_ =	shalt  }
0x47: {  	_ =	shalt  }
0x48: {  	_ =	shalt  }
0x49: {  	_ =	shalt  }
0x4a: {  	_ =	shalt  }
0x4b: {  	_ =	shalt  }
0x4c: {  	_ =	shalt  }
0x4d: {  	_ =	shalt  }
0x4e: {  	_ =	shalt  }
0x4f: {  	_ =	shalt  }
0x50: {  	_ =	shalt  }
0x51: {  	_ =	shalt  }
0x52: {  	_ =	shalt  }
0x53: {  	_ =	shalt  }
0x54: {  	_ =	shalt  }
0x55: {  	_ =	shalt  }
0x56: {  	_ =	shalt  }
0x57: {  	_ =	shalt  }
0x58: {  	_ =	shalt  }
0x59: {  	_ =	shalt  }
0x5a: {  	_ =	shalt  }
0x5b: {  	_ =	shalt  }
0x5c: {  	_ =	shalt  }
0x5d: {  	_ =	shalt  }
0x5e: {  	_ =	shalt  }
0x5f: {  	_ =	shalt  }
0x60: {  	_ =	shalt  }
0x61: {  	_ =	shalt  }
0x62: {  	_ =	shalt  }
0x63: {  	_ =	shalt  }
0x64: {  	_ =	shalt  }
0x65: {  	_ =	shalt  }
0x66: {  	_ =	shalt  }
0x67: {  	_ =	shalt  }
0x68: {  	_ =	shalt  }
0x69: {  	_ =	shalt  }
0x6a: {  	_ =	shalt  }
0x6b: {  	_ =	shalt  }
0x6c: {  	_ =	shalt  }
0x6d: {  	_ =	shalt  }
0x6e: {  	_ =	shalt  }
0x6f: {  	_ =	shalt  }
0x70: {  	_ =	shalt  }
0x71: {  	_ =	shalt  }
0x72: {  	_ =	shalt  }
0x73: {  	_ =	shalt  }
0x74: {  	_ =	shalt  }
0x75: {  	_ =	shalt  }
0x76: {  	_ =	shalt  }
0x77: {  	_ =	shalt  }
0x78: {  	_ =	shalt  }
0x79: {  	_ =	shalt  }
0x7a: {  	_ =	shalt  }
0x7b: {  	_ =	shalt  }
0x7c: {  	_ =	shalt  }
0x7d: {  	_ =	shalt  }
0x7e: {  	_ =	shalt  }
0x7f: {  	_ =	shalt  }
0x80: {  	_ =	shalt  }
0x81: {  	_ =	shalt  }
0x82: {  	_ =	shalt  }
0x83: {  	_ =	shalt  }
0x84: {  	_ =	shalt  }
0x85: {  	_ =	shalt  }
0x86: {  	_ =	shalt  }
0x87: {  	_ =	shalt  }
.Lfunc_end0:
.L_simem_size_0:
called_computation_lowered:
.L_overlay_start_0:
0x88: {  	s2 =	sld [smem:$0x3FD9]  }
0x89: {  	s3 =	sld [smem:$0x3FFE];
	_ =	sdelay $0x1  }
0x8a: {  	s1 =	srdreg.scid  }
0x8b: {  	s0 =	sand.u32 $0x1, s1  }
0x8c: {  	s17 =	sshll.u32 s0, $0xA;
	s2 =	sadd.s32 s3, s2  }
0x8d: {  	s2 =	sadd.s32 s2, s17  }
0x8e: {  	[smem:$0x3FC0] =	sst s2  }
0x8f: {  	_ = 	snop  }
0x90: {  	s2 =	sld [smem:$0x3FC6]  }
0x91: {  	s18 =	sld [smem:$0x3FD0];
	(tm) =	ssettm $0x1  }
0x92: {  	s4 =	sld [smem:$0x3FFB];
	_ =	sdelay $0x3  }
0x93: {  	_ =	strace s4  }
0x94: {  	s4 =	sld [smem:$0x3FFC];
	_ =	sdelay $0x3  }
0x95: {  	_ =	strace s4  }
0x96: {  	s4 =	sld [smem:$0x3FFD];
	_ =	sdelay $0x3  }
0x97: {  	_ =	strace s4  }
0x98: {  	_ =	strace $0x8FFFFFFF  }
0x99: {  	s19 =	sld [smem:$0x3FDB];
	_ =	sdelay $0x1  }
0x9a: {  	s5 =	simm.s32 $_scs_section_size  }
0x9b: {  	s6 =	simm.s32 $_size__tile_overlayer_lowered;
	s7 =	simm.s32 $_tile_overlayer_lowered  }
0x9c: {  	s22 =	simm.s32 $0x1BFF;
	s21 =	sshll.u32 s7, $0x1;
	s4 =	sadd.s32 s5, s19  }
0x9d: {  	s8 =	simm.s32 $0x0;
	s20 =	sshll.u32 s6, $0x1;
	s6 =	sadd.s32 s21, s4  }
0x9e: {  	[timem:s8], [sflag:s22] =	dma.local [hbm:s6], s20  }
0x9f: {  	_ =	swait.ge [sflag:s22], s20  }
0xa0: {  	s5 =	ssub.s32 $0x0, s20;
	[sflag:s22] =	ssyncset.done $0x0  }
0xa1: {  	[sflag:s22] =	ssyncadd.s32 s5;
	_ =	sdelay $0x1  }
0xa2: {  	s23 =	simm.s32 $0x1B8B  }
0xa3: {  	_ =	swait.ge [sflag:s23], $0x1  }
0xa4: {  	[sflag:s23] =	ssyncset.done $0x0  }
0xa5: {  	s25 =	simm.s32 $0x1B8E;
	s24 =	sld [smem:$0x3FFE];
	[sflag:s23] =	ssyncadd.s32 $0xFFFFFFFF  }
0xa6: {  	s26 =	simm.s32 $execute0_lowered;
	[smem:$0x3FD2] =	sst s25  }
0xa7: {  	s6 =	sshll.u32 s26, $0x1;
	_ =	strace $0x80000046;
	[dreg:$0x1] =	wrdreg $0xFFFFFFFF  }
0xa8: {  	s28 =	simm.s32 $_size_execute0_lowered;
	s4 =	sadd.s32 s4, s6;
	[dreg:$0x0] =	wrdreg $0x0  }
0xa9: {  	s6 =	sshll.u32 s28, $0x1;
	[dreg:$0x2] =	wrdreg s4  }
0xaa: {  	[dreg:$0x3] =	wrdreg s6  }
0xab: {  	[dreg:$0x4] =	wrdreg $0xC0  }
0xac: {  	_ =	task [dreg:s8], $0x5FFFF  }
0xad: {  	[dreg:$0x1] =	wrdreg $0xFFFFFFFF  }
0xae: {  	[dreg:$0x0] =	wrdreg $0x60  }
0xaf: {  	[dreg:$0x2] =	wrdreg s2  }
0xb0: {  	[dreg:$0x3] =	wrdreg s24  }
0xb1: {  	[dreg:$0x4] =	wrdreg s18  }
0xb2: {  	[dreg:$0x5] =	wrdreg $0x9  }
0xb3: {  	_ =	task.clear_ibuf [dreg:s8], $0x6FFFF;
	_ =	strace $0x90000046  }
0xb4: {  	s29 =	simm.s32 $0x9;
	_ =	strace $0x80000048  }
0xb5: {  	_ =	swait.ge [sflag:s29], $0x1  }
0xb6: {  	[sflag:s29] =	ssyncadd.s32 $0xFFFFFFFF  }
0xb7: {  	_ =	strace $0x90000048  }
0xb8: {  	_ =	sfence  }
0xb9: {  	s30 =	sld [smem:$0x0];
	_ =	sdelay $0x2  }
0xba: {  	s31 =	sshll.u32 s1, $0xD;
	s1 =	sshrl.u32 s1, $0x2  }
0xbb: {  	s3 =	sand.u32 $0x4000, s31;
	s1 =	sadd.s32 s1, s30  }
0xbc: {  	s0 =	sor.u32 s3, s0;
	s1 =	sshll.u32 s1, $0x11  }
0xbd: {  	s0 =	sor.u32 s1, s0  }
0xbe: {  	s0 =	sadd.s32 $0x8F2B, s0  }
0xbf: {  	[sflag:s0] =	ssyncadd.remote.s32 $0x1  }
0xc0: {  	_ =	sfence.sel $0xFFFF  }
0xc1: {  	[dreg:$0x0] =	wrdreg $0xFFFFFFFF;
	(pc) =	sbr.abs _section_cstart, $3  }
0xc2: {  	[dreg:$0x1] =	wrdreg $0xFFFFFFFF  }
0xc3: {  	_ =	task.clear_ibuf [dreg:s8], $0x2FFFF;
	_ =	strace $0x9FFFFFFF  }
0xc4: {  	(tm) =	ssettm $0x7FFFFFFF  }
0xc5: {  	_ =	shalt  }
tec
execute0_lowered:
.L_overlay_start_1:
0x0: {  	(tag) =	ssettag $0x1  }
0x1: {  	s2 =	srdreg.scid  }
0x2: {  	s1 =	rddreg [dreg:$0x0];
	s0 =	stileid.u32;
	s2 =	sand.u32 $0x1, s2  }
0x3: {  	s4 =	rddreg [dreg:$0x1];
	s3 =	sshll.u32 s0, $0x5;
	s5 =	sshll.u32 s2, $0x4  }
0x4: {  	s6 =	rddreg [dreg:$0x2];
	s5 =	sor.u32 s5, s3;
	s3 =	simm.s32 $0x0  }
0x5: {  	s22 =	simm.s32 $0x880;
	[smem:$0x7FF] =	sst s3  }
0x6: {  	s23 =	simm.s32 $0x1080;
	_ =	strace $0x80000047;
	[dreg:$0x7] =	wrdreg s22  }
0x7: {  	s24 =	simm.s32 $0x1880;
	[dreg:$0x8] =	wrdreg s23  }
0x8: {  	s25 =	simm.s32 $0x2080;
	[dreg:$0x9] =	wrdreg s24  }
0x9: {  	s26 =	simm.s32 $0x2880;
	[dreg:$0xa] =	wrdreg s25  }
0xa: {  	s0 =	simm.s32 $0x3080;
	[dreg:$0xb] =	wrdreg s26  }
0xb: {  	s8 =	simm.s32 $0x5080;
	[dreg:$0xc] =	wrdreg s0  }
0xc: {  	s9 =	simm.s32 $0x5880;
	[dreg:$0x10] =	wrdreg s8  }
0xd: {  	s10 =	simm.s32 $0x6080;
	[dreg:$0x11] =	wrdreg s9  }
0xe: {  	s11 =	simm.s32 $0x6880;
	s12 =	simm.s32 $0x7080;
	[dreg:$0x12] =	wrdreg s10  }
0xf: {  	s13 =	simm.s32 $0x7880;
	s14 =	simm.s32 $0x8080;
	[dreg:$0x13] =	wrdreg s11  }
0x10: {  	s15 =	simm.s32 $0x8880;
	s16 =	simm.s32 $0x9080;
	[dreg:$0x14] =	wrdreg s12  }
0x11: {  	s17 =	simm.s32 $0x9880;
	s18 =	simm.s32 $0xA080;
	[dreg:$0x15] =	wrdreg s13  }
0x12: {  	s28 =	simm.s32 $0x16880;
	s29 =	simm.s32 $0x17080;
	[dreg:$0x16] =	wrdreg s14  }
0x13: {  	s30 =	simm.s32 $0x17880;
	s31 =	simm.s32 $0x3;
	[dreg:$0x17] =	wrdreg s15  }
0x14: {  	s2 =	ssub.s32 $0x2, s2;
	s7 =	smul.u32 $0x1800, s5;
	[dreg:$0x18] =	wrdreg s16  }
0x15: {  	s4 =	sadd.s32 s5, s4;
	s5 =	smul.u32 $0x300, s5;
	[dreg:$0x19] =	wrdreg s17  }
0x16: {  	s4 =	sadd.s32 $0x2400, s4;
	[dreg:$0x1a] =	wrdreg s18;
	s22 =	simm.s32 $0xB880  }
0x17: {  	s23 =	simm.s32 $0xC880;
	s24 =	simm.s32 $0xD080;
	s25 =	simm.s32 $0xD880  }
0x18: {  	s8 =	simm.s32 $0x80;
	s26 =	simm.s32 $0xE080;
	s9 =	simm.s32 $0x1  }
0x19: {  	s10 =	simm.s32 $0xC080;
	s12 =	simm.s32 $0xF080;
	[dreg:$0x4] =	wrdreg s4  }
0x1a: {  	s13 =	simm.s32 $0xF880;
	s14 =	simm.s32 $0x10080;
	[dreg:$0x1d] =	wrdreg s22  }
0x1b: {  	s15 =	simm.s32 $0x10880;
	s16 =	simm.s32 $0x11080;
	[dreg:$0x1e] =	wrdreg s23  }
0x1c: {  	s17 =	simm.s32 $0x11880;
	s18 =	simm.s32 $0x12080;
	[dreg:$0x1f] =	wrdreg s24  }
0x1d: {  	s7 =	sshrl.u32 s7, $0x3;
	s19 =	sadd.s32 s6, s5;
	[smem:$0x7FC] =	sst s25  }
0x1e: {  	s5 =	simm.s32 $0x3880;
	s4 =	sadd.s32 $0x100, s1;
	[smem:$0x7FD] =	sst s26  }
0x1f: {  	s22 =	simm.s32 $0x14080;
	s23 =	simm.s32 $0x14880;
	s24 =	simm.s32 $0x15080  }
0x20: {  	s25 =	simm.s32 $0x15880;
	s26 =	simm.s32 $0x16080;
	[dreg:$0x5] =	wrdreg s19  }
0x21: {  	s20 =	sadd.s32 s6, s7;
	[dreg:$0xd] =	wrdreg s5;
	s6 =	simm.s32 $0x4080  }
0x22: {  	s7 =	simm.s32 $0x4880;
	s19 =	sshrl.u32 s2, $0x1;
	[dreg:$0xe] =	wrdreg s6  }
0x23: {  	s5 =	sadd.s32 $0x200, s1;
	s21 =	sadd.s32 $0x1800, s20;
	[dreg:$0xf] =	wrdreg s7  }
0x24: {  	s20 =	simm.s32 $0xA880;
	s2 =	ssub.s32 s2, s19;
	[dreg:$0x6] =	wrdreg s21  }
0x25: {  	v2 =	vlaneseq.u32;
	s7 =	simm.s32 $0x4;
	s19 =	simm.s32 $0x12880;
	[dreg:$0x1b] =	wrdreg s20  }
0x26: {  	vm0 =	vmmov $0xffff;
	v1 =	vshrl.u32 v2, $0x3;
	s21 =	simm.s32 $0xB080;
	s6 =	smax.u32 s2, $0x1;
	s20 =	simm.s32 $0x13080  }
0x27: {  	v0 =	vand.u32 $0x7, v2;
	v2 =	vor.u32 $0x8, v2;
	v1 =	vmul.u32 $0x8, v1;
	s2 =	simm.s32 $0x2;
	[dreg:$0x1c] =	wrdreg s21;
	s21 =	simm.s32 $0x13880  }
.LBB2_1:
0x28: {  	s0 =	rddreg [dreg:$0x4]  }
0x29: {  	[tilespmem:s3], [sflag:$0x4] =	stream.linear.gather [hbm4b:s0+s3], $0x80, $0x38;
	[tilespmem:$0x18080] =	vst v63  }
0x2a: {  	_ =	swait.ge [sflag:s7], $0x80  }
0x2b: {  	[sflag:s7] =	ssyncset.done $0x0  }
0x2c: {  	[sflag:s7] =	ssyncadd.s32 $0xFFFFFF80  }
0x2d: {  	v3 =	vld [tilespmem:$0x0];
	_ =	sdelay $0x4  }
0x2e: {  	v4 =	vshrl.u32 v3, $0x3  }
0x2f: {  	v4 =	vmul.u32 $0x30, v4  }
0x30: {  	v3 =	vand.u32 $0x7, v3  }
0x31: {  	v3 =	vor.u32 v3, v4  }
0x32: {  	v4 =	vperm.xlane v3, v0;
	_ =	sdelay $0x1  }
0x33: {  	v4 =	vadd.s32 v1, v4;
	_ =	sdelay $0x3  }
0x34: {  	v3 =	vperm.xlane v3, v2  }
0x35: {  	[tilespmem:s8], [sflag:$0x1] =	stream.indirect_vreg.gather [hbm4b:s1+s3], $0x80, v4, vm0, $0xb8;
	[tilespmem:$0x18080] =	vst v63  }
0x36: {  	s0 =	rddreg [dreg:$0x7];
	v3 =	vadd.s32 v1, v3  }
0x37: {  	[tilespmem:s0], [sflag:$0x1] =	stream.indirect_vreg.gather [hbm4b:s4+s3], $0x80, v4, vm0, $0xb8;
	[tilespmem:$0x18080] =	vst v63  }
0x38: {  	s11 =	rddreg [dreg:$0x8]  }
0x39: {  	[tilespmem:s11], [sflag:$0x1] =	stream.indirect_vreg.gather [hbm4b:s5+s3], $0x80, v4, vm0, $0xb8;
	[tilespmem:$0x18080] =	vst v63  }
0x3a: {  	s0 =	rddreg [dreg:$0x9]  }
0x3b: {  	[tilespmem:s0], [sflag:$0x1] =	stream.indirect_vreg.gather [hbm4b:s1+s3], $0x80, v3, vm0, $0xb8;
	[tilespmem:$0x18080] =	vst v63  }
0x3c: {  	s11 =	rddreg [dreg:$0xa]  }
0x3d: {  	[tilespmem:s11], [sflag:$0x1] =	stream.indirect_vreg.gather [hbm4b:s4+s3], $0x80, v3, vm0, $0xb8;
	[tilespmem:$0x18080] =	vst v63  }
0x3e: {  	s0 =	rddreg [dreg:$0xb]  }
0x3f: {  	[tilespmem:s0], [sflag:$0x1] =	stream.indirect_vreg.gather [hbm4b:s5+s3], $0x80, v3, vm0, $0xb8;
	[tilespmem:$0x18080] =	vst v63  }
0x40: {  	v3 =	vld [tilespmem:$0x10];
	_ =	sdelay $0x4  }
0x41: {  	v57 =	vshrl.u32 v3, $0x3  }
0x42: {  	v4 =	vmul.u32 $0x30, v57  }
0x43: {  	v3 =	vand.u32 $0x7, v3  }
0x44: {  	v3 =	vor.u32 v3, v4  }
0x45: {  	v4 =	vperm.xlane v3, v0;
	_ =	sdelay $0x1  }
0x46: {  	v4 =	vadd.s32 v1, v4;
	_ =	sdelay $0x3  }
0x47: {  	s0 =	rddreg [dreg:$0xc];
	v3 =	vperm.xlane v3, v2  }
0x48: {  	[tilespmem:s0], [sflag:$0x1] =	stream.indirect_vreg.gather [hbm4b:s1+s3], $0x80, v4, vm0, $0xb8;
	[tilespmem:$0x18080] =	vst v63  }
0x49: {  	s11 =	rddreg [dreg:$0xd];
	v3 =	vadd.s32 v1, v3  }
0x4a: {  	[tilespmem:s11], [sflag:$0x1] =	stream.indirect_vreg.gather [hbm4b:s4+s3], $0x80, v4, vm0, $0xb8;
	[tilespmem:$0x18080] =	vst v63  }
0x4b: {  	s0 =	rddreg [dreg:$0xe]  }
0x4c: {  	[tilespmem:s0], [sflag:$0x1] =	stream.indirect_vreg.gather [hbm4b:s5+s3], $0x80, v4, vm0, $0xb8;
	[tilespmem:$0x18080] =	vst v63  }
0x4d: {  	s11 =	rddreg [dreg:$0xf]  }
0x4e: {  	[tilespmem:s11], [sflag:$0x1] =	stream.indirect_vreg.gather [hbm4b:s1+s3], $0x80, v3, vm0, $0xb8;
	[tilespmem:$0x18080] =	vst v63  }
0x4f: {  	s0 =	rddreg [dreg:$0x10]  }
0x50: {  	[tilespmem:s0], [sflag:$0x1] =	stream.indirect_vreg.gather [hbm4b:s4+s3], $0x80, v3, vm0, $0xb8;
	[tilespmem:$0x18080] =	vst v63  }
0x51: {  	s11 =	rddreg [dreg:$0x11]  }
0x52: {  	[tilespmem:s11], [sflag:$0x1] =	stream.indirect_vreg.gather [hbm4b:s5+s3], $0x80, v3, vm0, $0xb8;
	[tilespmem:$0x18080] =	vst v63  }
0x53: {  	v3 =	vld [tilespmem:$0x20];
	_ =	sdelay $0x4  }
0x54: {  	v58 =	vshrl.u32 v3, $0x3  }
0x55: {  	v4 =	vmul.u32 $0x30, v58  }
0x56: {  	v3 =	vand.u32 $0x7, v3  }
0x57: {  	v3 =	vor.u32 v3, v4  }
0x58: {  	v4 =	vperm.xlane v3, v0;
	_ =	sdelay $0x1  }
0x59: {  	v4 =	vadd.s32 v1, v4;
	_ =	sdelay $0x3  }
0x5a: {  	s0 =	rddreg [dreg:$0x12];
	v3 =	vperm.xlane v3, v2  }
0x5b: {  	[tilespmem:s0], [sflag:$0x1] =	stream.indirect_vreg.gather [hbm4b:s1+s3], $0x80, v4, vm0, $0xb8;
	[tilespmem:$0x18080] =	vst v63  }
0x5c: {  	s11 =	rddreg [dreg:$0x13];
	v3 =	vadd.s32 v1, v3  }
0x5d: {  	[tilespmem:s11], [sflag:$0x1] =	stream.indirect_vreg.gather [hbm4b:s4+s3], $0x80, v4, vm0, $0xb8;
	[tilespmem:$0x18080] =	vst v63  }
0x5e: {  	s0 =	rddreg [dreg:$0x14]  }
0x5f: {  	[tilespmem:s0], [sflag:$0x1] =	stream.indirect_vreg.gather [hbm4b:s5+s3], $0x80, v4, vm0, $0xb8;
	[tilespmem:$0x18080] =	vst v63  }
0x60: {  	s11 =	rddreg [dreg:$0x15]  }
0x61: {  	[tilespmem:s11], [sflag:$0x1] =	stream.indirect_vreg.gather [hbm4b:s1+s3], $0x80, v3, vm0, $0xb8;
	[tilespmem:$0x18080] =	vst v63  }
0x62: {  	s0 =	rddreg [dreg:$0x16]  }
0x63: {  	[tilespmem:s0], [sflag:$0x1] =	stream.indirect_vreg.gather [hbm4b:s4+s3], $0x80, v3, vm0, $0xb8;
	[tilespmem:$0x18080] =	vst v63  }
0x64: {  	s11 =	rddreg [dreg:$0x17]  }
0x65: {  	[tilespmem:s11], [sflag:$0x1] =	stream.indirect_vreg.gather [hbm4b:s5+s3], $0x80, v3, vm0, $0xb8;
	[tilespmem:$0x18080] =	vst v63  }
0x66: {  	v3 =	vld [tilespmem:$0x30];
	_ =	sdelay $0x4  }
0x67: {  	v59 =	vshrl.u32 v3, $0x3  }
0x68: {  	v4 =	vmul.u32 $0x30, v59  }
0x69: {  	v3 =	vand.u32 $0x7, v3  }
0x6a: {  	v3 =	vor.u32 v3, v4  }
0x6b: {  	v4 =	vperm.xlane v3, v0;
	_ =	sdelay $0x1  }
0x6c: {  	v4 =	vadd.s32 v1, v4;
	_ =	sdelay $0x3  }
0x6d: {  	s0 =	rddreg [dreg:$0x18];
	v3 =	vperm.xlane v3, v2  }
0x6e: {  	[tilespmem:s0], [sflag:$0x1] =	stream.indirect_vreg.gather [hbm4b:s1+s3], $0x80, v4, vm0, $0xb8;
	[tilespmem:$0x18080] =	vst v63  }
0x6f: {  	s11 =	rddreg [dreg:$0x19];
	v3 =	vadd.s32 v1, v3  }
0x70: {  	[tilespmem:s11], [sflag:$0x1] =	stream.indirect_vreg.gather [hbm4b:s4+s3], $0x80, v4, vm0, $0xb8;
	[tilespmem:$0x18080] =	vst v63  }
0x71: {  	s0 =	rddreg [dreg:$0x1a]  }
0x72: {  	[tilespmem:s0], [sflag:$0x1] =	stream.indirect_vreg.gather [hbm4b:s5+s3], $0x80, v4, vm0, $0xb8;
	[tilespmem:$0x18080] =	vst v63  }
0x73: {  	s11 =	rddreg [dreg:$0x1b]  }
0x74: {  	[tilespmem:s11], [sflag:$0x1] =	stream.indirect_vreg.gather [hbm4b:s1+s3], $0x80, v3, vm0, $0xb8;
	[tilespmem:$0x18080] =	vst v63  }
0x75: {  	s0 =	rddreg [dreg:$0x1c]  }
0x76: {  	[tilespmem:s0], [sflag:$0x1] =	stream.indirect_vreg.gather [hbm4b:s4+s3], $0x80, v3, vm0, $0xb8;
	[tilespmem:$0x18080] =	vst v63  }
0x77: {  	s11 =	rddreg [dreg:$0x1d]  }
0x78: {  	[tilespmem:s11], [sflag:$0x1] =	stream.indirect_vreg.gather [hbm4b:s5+s3], $0x80, v3, vm0, $0xb8;
	[tilespmem:$0x18080] =	vst v63  }
0x79: {  	_ =	swait.ge [sflag:s9], $0xC000  }
0x7a: {  	[sflag:s9] =	ssyncset.done $0x0  }
0x7b: {  	[sflag:s9] =	ssyncadd.s32 $0xFFFF4000  }
0x7c: {  	v3 =	vld [tilespmem:$0x40];
	_ =	sdelay $0x4  }
0x7d: {  	v60 =	vshrl.u32 v3, $0x3  }
0x7e: {  	v4 =	vmul.u32 $0x30, v60  }
0x7f: {  	v3 =	vand.u32 $0x7, v3  }
0x80: {  	v3 =	vor.u32 v3, v4  }
0x81: {  	v4 =	vperm.xlane v3, v0;
	_ =	sdelay $0x1  }
0x82: {  	v4 =	vadd.s32 v1, v4;
	_ =	sdelay $0x3  }
0x83: {  	s0 =	rddreg [dreg:$0x1e];
	v3 =	vperm.xlane v3, v2  }
0x84: {  	[tilespmem:s10], [sflag:$0x1] =	stream.indirect_vreg.gather [hbm4b:s1+s3], $0x80, v4, vm0, $0xb8;
	[tilespmem:$0x18080] =	vst v63  }
0x85: {  	s11 =	rddreg [dreg:$0x1f];
	v3 =	vadd.s32 v1, v3  }
0x86: {  	[tilespmem:s0], [sflag:$0x1] =	stream.indirect_vreg.gather [hbm4b:s4+s3], $0x80, v4, vm0, $0xb8;
	[tilespmem:$0x18080] =	vst v63  }
0x87: {  	s0 =	sld [smem:$0x7FC]  }
0x88: {  	[tilespmem:s11], [sflag:$0x1] =	stream.indirect_vreg.gather [hbm4b:s5+s3], $0x80, v4, vm0, $0xb8;
	[tilespmem:$0x18080] =	vst v63  }
0x89: {  	s11 =	sld [smem:$0x7FD]  }
0x8a: {  	[tilespmem:s0], [sflag:$0x1] =	stream.indirect_vreg.gather [hbm4b:s1+s3], $0x80, v3, vm0, $0xb8;
	[tilespmem:$0x18080] =	vst v63  }
0x8b: {  	_ = 	snop  }
0x8c: {  	[tilespmem:s11], [sflag:$0x1] =	stream.indirect_vreg.gather [hbm4b:s4+s3], $0x80, v3, vm0, $0xb8;
	[tilespmem:$0x18080] =	vst v63  }
0x8d: {  	s11 =	simm.s32 $0xE880  }
0x8e: {  	[tilespmem:s11], [sflag:$0x1] =	stream.indirect_vreg.gather [hbm4b:s5+s3], $0x80, v3, vm0, $0xb8;
	[tilespmem:$0x18080] =	vst v63  }
0x8f: {  	v3 =	vld [tilespmem:$0x50];
	_ =	sdelay $0x4  }
0x90: {  	v61 =	vshrl.u32 v3, $0x3  }
0x91: {  	v4 =	vmul.u32 $0x30, v61  }
0x92: {  	v3 =	vand.u32 $0x7, v3  }
0x93: {  	v3 =	vor.u32 v3, v4  }
0x94: {  	v4 =	vperm.xlane v3, v0;
	_ =	sdelay $0x1  }
0x95: {  	v4 =	vadd.s32 v1, v4;
	_ =	sdelay $0x3  }
0x96: {  	v3 =	vperm.xlane v3, v2  }
0x97: {  	[tilespmem:s12], [sflag:$0x1] =	stream.indirect_vreg.gather [hbm4b:s1+s3], $0x80, v4, vm0, $0xb8;
	[tilespmem:$0x18080] =	vst v63  }
0x98: {  	v3 =	vadd.s32 v1, v3  }
0x99: {  	[tilespmem:s13], [sflag:$0x1] =	stream.indirect_vreg.gather [hbm4b:s4+s3], $0x80, v4, vm0, $0xb8;
	[tilespmem:$0x18080] =	vst v63  }
0x9a: {  	_ = 	snop  }
0x9b: {  	[tilespmem:s14], [sflag:$0x1] =	stream.indirect_vreg.gather [hbm4b:s5+s3], $0x80, v4, vm0, $0xb8;
	[tilespmem:$0x18080] =	vst v63  }
0x9c: {  	_ = 	snop  }
0x9d: {  	[tilespmem:s15], [sflag:$0x1] =	stream.indirect_vreg.gather [hbm4b:s1+s3], $0x80, v3, vm0, $0xb8;
	[tilespmem:$0x18080] =	vst v63  }
0x9e: {  	_ = 	snop  }
0x9f: {  	[tilespmem:s16], [sflag:$0x1] =	stream.indirect_vreg.gather [hbm4b:s4+s3], $0x80, v3, vm0, $0xb8;
	[tilespmem:$0x18080] =	vst v63  }
0xa0: {  	_ = 	snop  }
0xa1: {  	[tilespmem:s17], [sflag:$0x1] =	stream.indirect_vreg.gather [hbm4b:s5+s3], $0x80, v3, vm0, $0xb8;
	[tilespmem:$0x18080] =	vst v63  }
0xa2: {  	v3 =	vld [tilespmem:$0x60];
	_ =	sdelay $0x4  }
0xa3: {  	v62 =	vshrl.u32 v3, $0x3  }
0xa4: {  	v4 =	vmul.u32 $0x30, v62  }
0xa5: {  	v3 =	vand.u32 $0x7, v3  }
0xa6: {  	v3 =	vor.u32 v3, v4  }
0xa7: {  	v4 =	vperm.xlane v3, v0;
	_ =	sdelay $0x1  }
0xa8: {  	v4 =	vadd.s32 v1, v4;
	_ =	sdelay $0x3  }
0xa9: {  	v3 =	vperm.xlane v3, v2  }
0xaa: {  	[tilespmem:s18], [sflag:$0x1] =	stream.indirect_vreg.gather [hbm4b:s1+s3], $0x80, v4, vm0, $0xb8;
	[tilespmem:$0x18080] =	vst v63  }
0xab: {  	v3 =	vadd.s32 v1, v3  }
0xac: {  	[tilespmem:s19], [sflag:$0x1] =	stream.indirect_vreg.gather [hbm4b:s4+s3], $0x80, v4, vm0, $0xb8;
	[tilespmem:$0x18080] =	vst v63  }
0xad: {  	_ = 	snop  }
0xae: {  	[tilespmem:s20], [sflag:$0x1] =	stream.indirect_vreg.gather [hbm4b:s5+s3], $0x80, v4, vm0, $0xb8;
	[tilespmem:$0x18080] =	vst v63  }
0xaf: {  	_ = 	snop  }
0xb0: {  	[tilespmem:s21], [sflag:$0x1] =	stream.indirect_vreg.gather [hbm4b:s1+s3], $0x80, v3, vm0, $0xb8;
	[tilespmem:$0x18080] =	vst v63  }
0xb1: {  	_ = 	snop  }
0xb2: {  	[tilespmem:s22], [sflag:$0x1] =	stream.indirect_vreg.gather [hbm4b:s4+s3], $0x80, v3, vm0, $0xb8;
	[tilespmem:$0x18080] =	vst v63  }
0xb3: {  	_ = 	snop  }
0xb4: {  	[tilespmem:s23], [sflag:$0x1] =	stream.indirect_vreg.gather [hbm4b:s5+s3], $0x80, v3, vm0, $0xb8;
	[tilespmem:$0x18080] =	vst v63  }
0xb5: {  	v3 =	vld [tilespmem:$0x70];
	_ =	sdelay $0x4  }
0xb6: {  	v63 =	vshrl.u32 v3, $0x3  }
0xb7: {  	v4 =	vmul.u32 $0x30, v63  }
0xb8: {  	v3 =	vand.u32 $0x7, v3  }
0xb9: {  	v3 =	vor.u32 v3, v4  }
0xba: {  	v4 =	vperm.xlane v3, v0;
	_ =	sdelay $0x1  }
0xbb: {  	v4 =	vadd.s32 v1, v4;
	_ =	sdelay $0x3  }
0xbc: {  	v3 =	vperm.xlane v3, v2  }
0xbd: {  	[tilespmem:s24], [sflag:$0x1] =	stream.indirect_vreg.gather [hbm4b:s1+s3], $0x80, v4, vm0, $0xb8;
	[tilespmem:$0x18080] =	vst v63  }
0xbe: {  	v3 =	vadd.s32 v1, v3  }
0xbf: {  	[tilespmem:s25], [sflag:$0x1] =	stream.indirect_vreg.gather [hbm4b:s4+s3], $0x80, v4, vm0, $0xb8;
	[tilespmem:$0x18080] =	vst v63  }
0xc0: {  	_ = 	snop  }
0xc1: {  	[tilespmem:s26], [sflag:$0x1] =	stream.indirect_vreg.gather [hbm4b:s5+s3], $0x80, v4, vm0, $0xb8;
	[tilespmem:$0x18080] =	vst v63  }
0xc2: {  	_ = 	snop  }
0xc3: {  	[tilespmem:s28], [sflag:$0x1] =	stream.indirect_vreg.gather [hbm4b:s1+s3], $0x80, v3, vm0, $0xb8;
	[tilespmem:$0x18080] =	vst v63  }
0xc4: {  	_ = 	snop  }
0xc5: {  	[tilespmem:s29], [sflag:$0x1] =	stream.indirect_vreg.gather [hbm4b:s4+s3], $0x80, v3, vm0, $0xb8;
	[tilespmem:$0x18080] =	vst v63  }
0xc6: {  	_ = 	snop  }
0xc7: {  	[tilespmem:s30], [sflag:$0x1] =	stream.indirect_vreg.gather [hbm4b:s5+s3], $0x80, v3, vm0, $0xb8;
	[tilespmem:$0x18080] =	vst v63  }
0xc8: {  	s11 =	rddreg [dreg:$0x5]  }
0xc9: {  	[hbm4b:s11+s3] =	stream.linear.scatter [tilespmem:s8], [sflag:$0x2], $0xC000, $0x38;
	[tilespmem:$0x18080] =	vst v63  }
0xca: {  	_ =	swait.ge [sflag:s9], $0xC000  }
0xcb: {  	[sflag:s9] =	ssyncset.done $0x0  }
0xcc: {  	s11 =	rddreg [dreg:$0x6];
	[sflag:s9] =	ssyncadd.s32 $0xFFFF4000  }
0xcd: {  	[hbm4b:s11+s3] =	stream.linear.scatter [tilespmem:s10], [sflag:$0x3], $0xC000, $0x38;
	[tilespmem:$0x18080] =	vst v63  }
0xce: {  	p0 =	sne.s32 s6, $0x1;
	_ =	swait.ge [sflag:s31], $0xC000  }
.Ltmp0:
0xcf: {  	[sflag:s31] =	ssyncset.done $0x0;
	(pc) =	sbr.rel @p0 .LBB2_1-.Ltmp0, $4  }
0xd0: {  	[sflag:s31] =	ssyncadd.s32 $0xFFFF4000  }
0xd1: {  	_ =	swait.ge [sflag:s2], $0xC000  }
0xd2: {  	[sflag:s2] =	ssyncset.done $0x0  }
0xd3: {  	s6 =	sadd.s32 $0xFFFFFFFF, s6;
	[sflag:s2] =	ssyncadd.s32 $0xFFFF4000  }
0xd4: {  	_ =	sfence.sel $0x180000  }
0xd5: {  	[bflag:$0x0] =	sbarrier.arrive $0xFFFF  }
0xd6: {  	_ =	strace $0x90000047  }
0xd7: {  	s0 =	stileid.u32;
	[bflag:$0x2] =	sbarrier.arrive $0xFFFF  }
0xd8: {  	p0 =	sne.s32 s0, $0x0;
	s0 =	rddreg [dreg:$0x3]  }
0xd9: {  	s0 =	sadd.s32 @!p0 $0x100000, s0  }
0xda: {  	[sflag:s0] =	ssyncadd.tile.s32 @!p0 $0x1;
	_ =	shalt  }
.Lfunc_end2:
_tile_overlayer_lowered:
.L_overlay_start_2:
0xdb: {  	(tag) =	ssettag $0x2  }
0xdc: {  	s0 =	rddreg [dreg:$0x0];
	s2 =	stileid.u32  }
0xdd: {  	s1 =	rddreg [dreg:$0x1];
	p0 =	sne.s32 s2, $0x0  }
0xde: {  	s3 =	rddreg [dreg:$0x2];
	[bflag:$0x3] =	sbarrier.arrive $0xFFFF;
	s2 =	simm.s32 @!p0 $0x1C04  }
0xdf: {  	[timem:s3], [sflag:s2] =	dma.local @!p0 [hbm:s0], s1  }
0xe0: {  	s0 =	simm.s32 @!p0 $0x4  }
0xe1: {  	_ =	swait.ge @!p0 [sflag:s0], s1  }
0xe2: {  	s1 =	ssub.s32 @!p0 $0x0, s1;
	[sflag:s0] =	ssyncset.done @!p0 $0x0  }
0xe3: {  	[sflag:s0] =	ssyncadd.s32 @!p0 s1  }
0xe4: {  	[bflag:$0x3] =	sbarrier.arrive $0xFFFF  }
0xe5: {  	_ =	shalt  }

// kernel: kernel.13.cloned.1.call-start
scs
__scs_entry_jumppad:
0x0: {  	(pc) =	sbr.rel $0x88, $3  }
0x1: {  	(tag) =	ssettag $0x0;
	lr =	simm.s32 $0x1  }
0x2: {  	[smem:$0x3F99] =	sst lr;
	_ =	strace $0xD0000000  }
0x3: {  	_ = 	snop  }
0x4: {  	_ = 	snop  }
0x5: {  	_ = 	snop  }
0x6: {  	_ = 	snop  }
0x7: {  	_ = 	snop  }
__scs_overlays_trampoline_lowered:
0x8: {  	[smem:$0x3FA8] =	sst s0  }
0x9: {  	[smem:$0x3FA9] =	sst s1  }
0xa: {  	[smem:$0x3FAA] =	sst s2  }
0xb: {  	[smem:$0x3FAB] =	sst s3  }
0xc: {  	[smem:$0x3FAC] =	sst s4  }
0xd: {  	[smem:$0x3FAD] =	sst s5  }
0xe: {  	[smem:$0x3FAE] =	sst s6  }
0xf: {  	[smem:$0x3FAF] =	sst s7  }
0x10: {  	[smem:$0x3FB0] =	sst s8  }
0x11: {  	[smem:$0x3FB1] =	sst s9;
	s0 =	simm.s32 @!p0 $0x0  }
0x12: {  	s1 =	sld [smem:$0x3F97];
	s0 =	simm.s32 @p0 $0x1  }
0x13: {  	[smem:$0x3FB2] =	sst s0;
	s0 =	simm.s32 @!p1 $0x0  }
0x14: {  	s2 =	sld [smem:$0x3F96];
	s0 =	simm.s32 @p1 $0x1  }
0x15: {  	[smem:$0x3FB3] =	sst s0;
	s0 =	simm.s32 @!p2 $0x0  }
0x16: {  	s3 =	sld [smem:$0x3FDB];
	s0 =	simm.s32 @p2 $0x1  }
0x17: {  	s4 =	simm.s32 $0x1BF5;
	[smem:$0x3FB5] =	sst s0  }
0x18: {  	s0 =	sld [smem:$0x3F98];
	_ =	swait.ge [sflag:s4], $0x0  }
0x19: {  	s7 =	sld [smem:$0x3F99]  }
0x1a: {  	s8 =	sadd.s32 $0xFFFFE003, lr  }
0x1b: {  	s9 =	sadd.s32 $0xFFFFFEF7, lr;
	s5 =	simm.s32 $0xFFFFFFFF;
	p2 =	slt.u32 s8, $0xFFFFF086  }
0x1c: {  	p1 =	slt.u32 s9, $0xF7A;
	s5 =	simm.s32 @!p2 $0x0  }
0x1d: {  	s5 =	simm.s32 @p1 $0x1;
	p0 =	seq.s32 s7, s2  }
0x1e: {  	s7 =	smul.u32 @!p0 $0xF7A, s2;
	p2 =	seq.s32 @!p0 s5, $0x0  }
0x1f: {  	s9 =	smul.u32 $0xF7A, s1;
	s8 =	simm.s32 @!p0 $0x1BF5;
	p2 =	por !p2, p0  }
0x20: {  	[sflag:s8] =	ssyncset.s32 @!p0 $0xFFFFF086;
	s6 =	sadd.s32 @!p0 s3, s7;
	s7 =	simm.s32 @!p0 $0x108  }
0x21: {  	s3 =	sadd.s32 s3, s9;
	s6 =	sadd.s32 @!p0 $0x88, s6;
	s7 =	simm.s32 @p2 $0x1082  }
0x22: {  	[simem:s7], [sflag:s8] =	dma.local @!p0 [hbm:s6], $0xF7A  }
0x23: {  	s9 =	sor.u32 $0xD0000000, s2;
	s6 =	simm.s32 $0x108;
	_ =	swait.ge @!p0 [sflag:s8], $0x0  }
0x24: {  	s3 =	sadd.s32 $0x88, s3;
	s6 =	simm.s32 @!p1 $0x1082;
	[sflag:s4] =	ssyncset.s32 $0xFFFFF086  }
0x25: {  	[simem:s6], [sflag:s4] =	dma.local [hbm:s3], $0xF7A  }
0x26: {  	[smem:$0x3F99] =	sst s1;
	(tag) =	ssettag s2;
	_ =	strace s9  }
0x27: {  	s1 =	sld [smem:$0x3FA9]  }
0x28: {  	s2 =	sld [smem:$0x3FAA]  }
0x29: {  	s4 =	sld [smem:$0x3FAC]  }
0x2a: {  	p0 =	seq.s32 s5, $0x0;
	s5 =	sld [smem:$0x3FAD]  }
0x2b: {  	s6 =	sld [smem:$0x3FAE]  }
0x2c: {  	s7 =	sld [smem:$0x3FAF]  }
0x2d: {  	s3 =	simm.s32 $0x108;
	s8 =	sld [smem:$0x3FB0]  }
0x2e: {  	s3 =	simm.s32 @!p0 $0x1082;
	s9 =	sld [smem:$0x3FB1]  }
0x2f: {  	lr =	sadd.s32 s0, s3;
	s0 =	sld [smem:$0x3FA8]  }
0x30: {  	s3 =	sld [smem:$0x3FAB]  }
0x31: {  	[smem:$0x3FB4] =	sst s10  }
0x32: {  	s10 =	sld [smem:$0x3FB2];
	_ =	sdelay $0x3  }
0x33: {  	p0 =	seq.s32 s10, $0x1;
	s10 =	sld [smem:$0x3FB4];
	_ =	sdelay $0x3  }
0x34: {  	[smem:$0x3FB4] =	sst s10  }
0x35: {  	s10 =	sld [smem:$0x3FB3];
	_ =	sdelay $0x3  }
0x36: {  	p1 =	seq.s32 s10, $0x1;
	s10 =	sld [smem:$0x3FB4];
	_ =	sdelay $0x3  }
0x37: {  	[smem:$0x3FB4] =	sst s10  }
0x38: {  	s10 =	sld [smem:$0x3FB5]  }
0x39: {  	_ = 	snop;
	(pc) =	sbr.ind lr, $3  }
0x3a: {  	_ = 	snop  }
0x3b: {  	_ = 	snop  }
0x3c: {  	p2 =	seq.s32 s10, $0x1;
	s10 =	sld [smem:$0x3FB4]  }
0x3d: {  	_ =	shalt  }
0x3e: {  	_ =	shalt  }
0x3f: {  	_ =	shalt  }
0x40: {  	_ =	shalt  }
0x41: {  	_ =	shalt  }
0x42: {  	_ =	shalt  }
0x43: {  	_ =	shalt  }
0x44: {  	_ =	shalt  }
0x45: {  	_ =	shalt  }
0x46: {  	_ =	shalt  }
0x47: {  	_ =	shalt  }
0x48: {  	_ =	shalt  }
0x49: {  	_ =	shalt  }
0x4a: {  	_ =	shalt  }
0x4b: {  	_ =	shalt  }
0x4c: {  	_ =	shalt  }
0x4d: {  	_ =	shalt  }
0x4e: {  	_ =	shalt  }
0x4f: {  	_ =	shalt  }
0x50: {  	_ =	shalt  }
0x51: {  	_ =	shalt  }
0x52: {  	_ =	shalt  }
0x53: {  	_ =	shalt  }
0x54: {  	_ =	shalt  }
0x55: {  	_ =	shalt  }
0x56: {  	_ =	shalt  }
0x57: {  	_ =	shalt  }
0x58: {  	_ =	shalt  }
0x59: {  	_ =	shalt  }
0x5a: {  	_ =	shalt  }
0x5b: {  	_ =	shalt  }
0x5c: {  	_ =	shalt  }
0x5d: {  	_ =	shalt  }
0x5e: {  	_ =	shalt  }
0x5f: {  	_ =	shalt  }
0x60: {  	_ =	shalt  }
0x61: {  	_ =	shalt  }
0x62: {  	_ =	shalt  }
0x63: {  	_ =	shalt  }
0x64: {  	_ =	shalt  }
0x65: {  	_ =	shalt  }
0x66: {  	_ =	shalt  }
0x67: {  	_ =	shalt  }
0x68: {  	_ =	shalt  }
0x69: {  	_ =	shalt  }
0x6a: {  	_ =	shalt  }
0x6b: {  	_ =	shalt  }
0x6c: {  	_ =	shalt  }
0x6d: {  	_ =	shalt  }
0x6e: {  	_ =	shalt  }
0x6f: {  	_ =	shalt  }
0x70: {  	_ =	shalt  }
0x71: {  	_ =	shalt  }
0x72: {  	_ =	shalt  }
0x73: {  	_ =	shalt  }
0x74: {  	_ =	shalt  }
0x75: {  	_ =	shalt  }
0x76: {  	_ =	shalt  }
0x77: {  	_ =	shalt  }
0x78: {  	_ =	shalt  }
0x79: {  	_ =	shalt  }
0x7a: {  	_ =	shalt  }
0x7b: {  	_ =	shalt  }
0x7c: {  	_ =	shalt  }
0x7d: {  	_ =	shalt  }
0x7e: {  	_ =	shalt  }
0x7f: {  	_ =	shalt  }
0x80: {  	_ =	shalt  }
0x81: {  	_ =	shalt  }
0x82: {  	_ =	shalt  }
0x83: {  	_ =	shalt  }
0x84: {  	_ =	shalt  }
0x85: {  	_ =	shalt  }
0x86: {  	_ =	shalt  }
0x87: {  	_ =	shalt  }
.Lfunc_end0:
.L_simem_size_0:
called_computation.1_lowered:
.L_overlay_start_0:
0x88: {  	s2 =	sld [smem:$0x3FD9]  }
0x89: {  	s3 =	sld [smem:$0x3FFE];
	_ =	sdelay $0x1  }
0x8a: {  	s1 =	srdreg.scid  }
0x8b: {  	s0 =	sand.u32 $0x1, s1  }
0x8c: {  	s17 =	sshll.u32 s0, $0xA;
	s2 =	sadd.s32 s3, s2  }
0x8d: {  	s2 =	sadd.s32 s2, s17  }
0x8e: {  	[smem:$0x3FC0] =	sst s2  }
0x8f: {  	_ = 	snop  }
0x90: {  	s18 =	sld [smem:$0x3FC6];
	(tm) =	ssettm $0x1  }
0x91: {  	s19 =	sld [smem:$0x3FFB];
	_ =	sdelay $0x3  }
0x92: {  	_ =	strace s19  }
0x93: {  	s2 =	sld [smem:$0x3FFC];
	_ =	sdelay $0x3  }
0x94: {  	_ =	strace s2  }
0x95: {  	s2 =	sld [smem:$0x3FFD];
	_ =	sdelay $0x3  }
0x96: {  	_ =	strace s2  }
0x97: {  	_ =	strace $0x8FFFFFFF  }
0x98: {  	s20 =	sld [smem:$0x3FDB];
	_ =	sdelay $0x1  }
0x99: {  	s4 =	simm.s32 $_scs_section_size  }
0x9a: {  	s5 =	simm.s32 $_size__tile_overlayer_lowered;
	s6 =	simm.s32 $_tile_overlayer_lowered  }
0x9b: {  	s7 =	simm.s32 $0x1BFF;
	s21 =	sshll.u32 s6, $0x1;
	s4 =	sadd.s32 s4, s20  }
0x9c: {  	s22 =	simm.s32 $0x0;
	s5 =	sshll.u32 s5, $0x1;
	s6 =	sadd.s32 s21, s4  }
0x9d: {  	[timem:s22], [sflag:s7] =	dma.local [hbm:s6], s5  }
0x9e: {  	_ =	swait.ge [sflag:s7], s5  }
0x9f: {  	s5 =	ssub.s32 $0x0, s5;
	[sflag:s7] =	ssyncset.done $0x0  }
0xa0: {  	[sflag:s7] =	ssyncadd.s32 s5;
	_ =	sdelay $0x1  }
0xa1: {  	s23 =	simm.s32 $0x1B8B  }
0xa2: {  	_ =	swait.ge [sflag:s23], $0x1  }
0xa3: {  	[sflag:s23] =	ssyncset.done $0x0  }
0xa4: {  	[sflag:s23] =	ssyncadd.s32 $0xFFFFFFFF  }
0xa5: {  	s5 =	sld [smem:$0x0]  }
0xa6: {  	s6 =	sand.u32 $0xFFFFFFFE, s1  }
0xa7: {  	p0 =	sne.s32 s1, s6  }
0xa8: {  	s6 =	sshll.u32 @p0 s6, $0xE  }
0xa9: {  	s6 =	sadd.s32 @p0 $0x11B8D, s6;
	s7 =	sshll.u32 @p0 s5, $0x11  }
0xaa: {  	s6 =	sor.u32 @p0 s7, s6  }
0xab: {  	[sflag:s6] =	ssyncadd.remote.s32 @p0 $0x1;
	_ =	sdelay $0x1  }
0xac: {  	s6 =	simm.s32 @p0 $0x1B8D  }
0xad: {  	_ =	swait.eq @p0 [sflag:s6], $0x1  }
0xae: {  	[sflag:s6] =	ssyncadd.s32 @p0 $0xFFFFFFFF  }
0xaf: {  	s7 =	sshll.u32 @!p0 s1, $0xE  }
0xb0: {  	s7 =	sor.u32 @!p0 $0x4000, s7;
	s6 =	simm.s32 @!p0 $0x1B8D  }
0xb1: {  	s5 =	sshll.u32 @!p0 s5, $0x11;
	s7 =	sadd.s32 @!p0 $0x11B8D, s7;
	_ =	swait.eq @!p0 [sflag:s6], $0x1  }
0xb2: {  	s5 =	sor.u32 @!p0 s5, s7;
	[sflag:s6] =	ssyncadd.s32 @!p0 $0xFFFFFFFF  }
0xb3: {  	s25 =	simm.s32 $0x1B8E;
	s24 =	sld [smem:$0x3FFE];
	[sflag:s5] =	ssyncadd.remote.s32 @!p0 $0x1  }
0xb4: {  	s26 =	simm.s32 $execute0_lowered;
	[smem:$0x3FD2] =	sst s25  }
0xb5: {  	s6 =	sshll.u32 s26, $0x1;
	_ =	strace $0x80000049;
	[dreg:$0x1] =	wrdreg $0xFFFFFFFF  }
0xb6: {  	s28 =	simm.s32 $_size_execute0_lowered;
	s4 =	sadd.s32 s4, s6;
	[dreg:$0x0] =	wrdreg $0x0  }
0xb7: {  	s6 =	sshll.u32 s28, $0x1;
	[dreg:$0x2] =	wrdreg s4  }
0xb8: {  	[dreg:$0x3] =	wrdreg s6  }
0xb9: {  	[dreg:$0x4] =	wrdreg $0xC0  }
0xba: {  	_ =	task [dreg:s22], $0x5FFFF  }
0xbb: {  	[dreg:$0x1] =	wrdreg $0xFFFFFFFF  }
0xbc: {  	[dreg:$0x0] =	wrdreg $0x60  }
0xbd: {  	[dreg:$0x2] =	wrdreg s18  }
0xbe: {  	[dreg:$0x3] =	wrdreg s24  }
0xbf: {  	[dreg:$0x4] =	wrdreg $0xA  }
0xc0: {  	_ =	task.clear_ibuf [dreg:s22], $0x5FFFF;
	_ =	strace $0x90000049  }
0xc1: {  	s29 =	simm.s32 $0xA;
	_ =	strace $0x8000004B  }
0xc2: {  	_ =	swait.ge [sflag:s29], $0x1  }
0xc3: {  	[sflag:s29] =	ssyncadd.s32 $0xFFFFFFFF  }
0xc4: {  	_ =	strace $0x9000004B  }
0xc5: {  	_ =	sfence  }
0xc6: {  	s30 =	sld [smem:$0x0];
	_ =	sdelay $0x2  }
0xc7: {  	s31 =	sshll.u32 s1, $0xD;
	s1 =	sshrl.u32 s1, $0x2  }
0xc8: {  	s4 =	sand.u32 $0x4000, s31;
	s1 =	sadd.s32 s1, s30  }
0xc9: {  	s0 =	sor.u32 s4, s0;
	s1 =	sshll.u32 s1, $0x11  }
0xca: {  	s0 =	sor.u32 s1, s0  }
0xcb: {  	s0 =	sadd.s32 $0x8F2B, s0  }
0xcc: {  	[sflag:s0] =	ssyncadd.remote.s32 $0x1  }
0xcd: {  	_ =	sfence.sel $0xFFFF  }
0xce: {  	[dreg:$0x0] =	wrdreg $0xFFFFFFFF;
	(pc) =	sbr.abs _section_cstart, $3  }
0xcf: {  	[dreg:$0x1] =	wrdreg $0xFFFFFFFF  }
0xd0: {  	_ =	task.clear_ibuf [dreg:s22], $0x2FFFF;
	_ =	strace $0x9FFFFFFF  }
0xd1: {  	(tm) =	ssettm $0x7FFFFFFF  }
tec
execute0_lowered:
.L_overlay_start_1:
0x0: {  	(tag) =	ssettag $0x1  }
0x1: {  	s2 =	rddreg [dreg:$0x0]  }
0x2: {  	s4 =	rddreg [dreg:$0x1];
	s3 =	simm.s32 $0x0  }
0x3: {  	s22 =	simm.s32 $0x880;
	[smem:$0x7FF] =	sst s3  }
0x4: {  	s23 =	simm.s32 $0x1080;
	_ =	strace $0x8000004A;
	[dreg:$0x6] =	wrdreg s22  }
0x5: {  	s24 =	simm.s32 $0x1880;
	[dreg:$0x7] =	wrdreg s23  }
0x6: {  	s25 =	simm.s32 $0x2080;
	[dreg:$0x8] =	wrdreg s24  }
0x7: {  	s0 =	stileid.u32;
	s26 =	simm.s32 $0x2880;
	[dreg:$0x9] =	wrdreg s25  }
0x8: {  	s5 =	sshll.u32 s0, $0x5;
	s0 =	simm.s32 $0x3080;
	[dreg:$0xa] =	wrdreg s26  }
0x9: {  	s8 =	simm.s32 $0x5080;
	[dreg:$0xb] =	wrdreg s0  }
0xa: {  	s9 =	simm.s32 $0x5880;
	[dreg:$0xf] =	wrdreg s8  }
0xb: {  	s10 =	simm.s32 $0x6080;
	[dreg:$0x10] =	wrdreg s9  }
0xc: {  	s11 =	simm.s32 $0x6880;
	[dreg:$0x11] =	wrdreg s10  }
0xd: {  	s12 =	simm.s32 $0x7080;
	[dreg:$0x12] =	wrdreg s11  }
0xe: {  	s13 =	simm.s32 $0x7880;
	[dreg:$0x13] =	wrdreg s12  }
0xf: {  	s14 =	simm.s32 $0x8080;
	[dreg:$0x14] =	wrdreg s13  }
0x10: {  	s1 =	srdreg.scid;
	s15 =	simm.s32 $0x8880;
	[dreg:$0x15] =	wrdreg s14  }
0x11: {  	s16 =	simm.s32 $0x9080;
	s17 =	simm.s32 $0x9880;
	[dreg:$0x16] =	wrdreg s15  }
0x12: {  	s18 =	simm.s32 $0xA080;
	s20 =	simm.s32 $0xA880;
	[dreg:$0x17] =	wrdreg s16  }
0x13: {  	s21 =	simm.s32 $0xB080;
	s28 =	simm.s32 $0x16880;
	[dreg:$0x18] =	wrdreg s17  }
0x14: {  	s29 =	simm.s32 $0x17080;
	s30 =	simm.s32 $0x17880;
	[dreg:$0x19] =	wrdreg s18  }
0x15: {  	s31 =	simm.s32 $0x3;
	s1 =	sand.u32 $0x1, s1;
	[dreg:$0x1a] =	wrdreg s20  }
0x16: {  	s6 =	sshll.u32 s1, $0x4;
	s1 =	ssub.s32 $0x2, s1;
	[dreg:$0x1b] =	wrdreg s21  }
0x17: {  	s22 =	simm.s32 $0xB880;
	s23 =	simm.s32 $0xC880;
	s24 =	simm.s32 $0xD080  }
0x18: {  	s25 =	simm.s32 $0xD880;
	s8 =	simm.s32 $0x80;
	s26 =	simm.s32 $0xE080  }
0x19: {  	s9 =	simm.s32 $0x1;
	s10 =	simm.s32 $0xC080;
	s12 =	simm.s32 $0xF080  }
0x1a: {  	s13 =	simm.s32 $0xF880;
	s14 =	simm.s32 $0x10080;
	[dreg:$0x1c] =	wrdreg s22  }
0x1b: {  	s15 =	simm.s32 $0x10880;
	s16 =	simm.s32 $0x11080;
	[dreg:$0x1d] =	wrdreg s23  }
0x1c: {  	s17 =	simm.s32 $0x11880;
	s18 =	simm.s32 $0x12080;
	[dreg:$0x1e] =	wrdreg s24  }
0x1d: {  	s20 =	simm.s32 $0x13080;
	s21 =	simm.s32 $0x13880;
	[dreg:$0x1f] =	wrdreg s25  }
0x1e: {  	s5 =	sor.u32 s6, s5;
	s19 =	sshrl.u32 s1, $0x1;
	[smem:$0x7FD] =	sst s26  }
0x1f: {  	s22 =	simm.s32 $0x14080;
	s23 =	simm.s32 $0x14880;
	s24 =	simm.s32 $0x15080  }
0x20: {  	s25 =	simm.s32 $0x15880;
	s26 =	simm.s32 $0x16080;
	s6 =	smul.u32 $0x1800, s5  }
0x21: {  	s7 =	sadd.s32 s5, s4;
	s5 =	smul.u32 $0x300, s5;
	s4 =	sadd.s32 $0x2C00, s4  }
0x22: {  	s1 =	ssub.s32 s1, s19;
	s19 =	simm.s32 $0x12880;
	s7 =	sadd.s32 $0x2600, s7  }
0x23: {  	s6 =	sshrl.u32 s6, $0x3;
	[dreg:$0x3] =	wrdreg s7;
	s5 =	sadd.s32 s4, s5  }
0x24: {  	s7 =	simm.s32 $0x4880;
	s4 =	sadd.s32 s4, s6;
	[dreg:$0x4] =	wrdreg s5  }
0x25: {  	s5 =	simm.s32 $0x3880;
	s6 =	simm.s32 $0x4080;
	[dreg:$0xe] =	wrdreg s7  }
0x26: {  	v2 =	vlaneseq.u32;
	s7 =	simm.s32 $0x4;
	s4 =	sadd.s32 $0x1800, s4;
	[dreg:$0xc] =	wrdreg s5  }
0x27: {  	vm0 =	vmmov $0xffff;
	v1 =	vshrl.u32 v2, $0x3;
	[dreg:$0xd] =	wrdreg s6;
	s5 =	sadd.s32 $0x200, s2;
	s6 =	smax.u32 s1, $0x1  }
0x28: {  	v0 =	vand.u32 $0x7, v2;
	v2 =	vor.u32 $0x8, v2;
	v1 =	vmul.u32 $0x8, v1;
	s1 =	simm.s32 $0x2;
	[dreg:$0x5] =	wrdreg s4;
	s4 =	sadd.s32 $0x100, s2  }
.LBB2_1:
0x29: {  	s0 =	rddreg [dreg:$0x3]  }
0x2a: {  	[tilespmem:s3], [sflag:$0x4] =	stream.linear.gather [hbm4b:s0+s3], $0x80, $0x38;
	[tilespmem:$0x18080] =	vst v63  }
0x2b: {  	_ =	swait.ge [sflag:s7], $0x80  }
0x2c: {  	[sflag:s7] =	ssyncset.done $0x0  }
0x2d: {  	[sflag:s7] =	ssyncadd.s32 $0xFFFFFF80  }
0x2e: {  	v3 =	vld [tilespmem:$0x0];
	_ =	sdelay $0x4  }
0x2f: {  	v4 =	vshrl.u32 v3, $0x3  }
0x30: {  	v4 =	vmul.u32 $0x30, v4  }
0x31: {  	v3 =	vand.u32 $0x7, v3  }
0x32: {  	v3 =	vor.u32 v3, v4  }
0x33: {  	v4 =	vperm.xlane v3, v0;
	_ =	sdelay $0x1  }
0x34: {  	v4 =	vadd.s32 v1, v4;
	_ =	sdelay $0x3  }
0x35: {  	v3 =	vperm.xlane v3, v2  }
0x36: {  	[tilespmem:s8], [sflag:$0x1] =	stream.indirect_vreg.gather [hbm4b:s2+s3], $0x80, v4, vm0, $0xb8;
	[tilespmem:$0x18080] =	vst v63  }
0x37: {  	s0 =	rddreg [dreg:$0x6];
	v3 =	vadd.s32 v1, v3  }
0x38: {  	[tilespmem:s0], [sflag:$0x1] =	stream.indirect_vreg.gather [hbm4b:s4+s3], $0x80, v4, vm0, $0xb8;
	[tilespmem:$0x18080] =	vst v63  }
0x39: {  	s11 =	rddreg [dreg:$0x7]  }
0x3a: {  	[tilespmem:s11], [sflag:$0x1] =	stream.indirect_vreg.gather [hbm4b:s5+s3], $0x80, v4, vm0, $0xb8;
	[tilespmem:$0x18080] =	vst v63  }
0x3b: {  	s0 =	rddreg [dreg:$0x8]  }
0x3c: {  	[tilespmem:s0], [sflag:$0x1] =	stream.indirect_vreg.gather [hbm4b:s2+s3], $0x80, v3, vm0, $0xb8;
	[tilespmem:$0x18080] =	vst v63  }
0x3d: {  	s11 =	rddreg [dreg:$0x9]  }
0x3e: {  	[tilespmem:s11], [sflag:$0x1] =	stream.indirect_vreg.gather [hbm4b:s4+s3], $0x80, v3, vm0, $0xb8;
	[tilespmem:$0x18080] =	vst v63  }
0x3f: {  	s0 =	rddreg [dreg:$0xa]  }
0x40: {  	[tilespmem:s0], [sflag:$0x1] =	stream.indirect_vreg.gather [hbm4b:s5+s3], $0x80, v3, vm0, $0xb8;
	[tilespmem:$0x18080] =	vst v63  }
0x41: {  	v3 =	vld [tilespmem:$0x10];
	_ =	sdelay $0x4  }
0x42: {  	v57 =	vshrl.u32 v3, $0x3  }
0x43: {  	v4 =	vmul.u32 $0x30, v57  }
0x44: {  	v3 =	vand.u32 $0x7, v3  }
0x45: {  	v3 =	vor.u32 v3, v4  }
0x46: {  	v4 =	vperm.xlane v3, v0;
	_ =	sdelay $0x1  }
0x47: {  	v4 =	vadd.s32 v1, v4;
	_ =	sdelay $0x3  }
0x48: {  	s0 =	rddreg [dreg:$0xb];
	v3 =	vperm.xlane v3, v2  }
0x49: {  	[tilespmem:s0], [sflag:$0x1] =	stream.indirect_vreg.gather [hbm4b:s2+s3], $0x80, v4, vm0, $0xb8;
	[tilespmem:$0x18080] =	vst v63  }
0x4a: {  	s11 =	rddreg [dreg:$0xc];
	v3 =	vadd.s32 v1, v3  }
0x4b: {  	[tilespmem:s11], [sflag:$0x1] =	stream.indirect_vreg.gather [hbm4b:s4+s3], $0x80, v4, vm0, $0xb8;
	[tilespmem:$0x18080] =	vst v63  }
0x4c: {  	s0 =	rddreg [dreg:$0xd]  }
0x4d: {  	[tilespmem:s0], [sflag:$0x1] =	stream.indirect_vreg.gather [hbm4b:s5+s3], $0x80, v4, vm0, $0xb8;
	[tilespmem:$0x18080] =	vst v63  }
0x4e: {  	s11 =	rddreg [dreg:$0xe]  }
0x4f: {  	[tilespmem:s11], [sflag:$0x1] =	stream.indirect_vreg.gather [hbm4b:s2+s3], $0x80, v3, vm0, $0xb8;
	[tilespmem:$0x18080] =	vst v63  }
0x50: {  	s0 =	rddreg [dreg:$0xf]  }
0x51: {  	[tilespmem:s0], [sflag:$0x1] =	stream.indirect_vreg.gather [hbm4b:s4+s3], $0x80, v3, vm0, $0xb8;
	[tilespmem:$0x18080] =	vst v63  }
0x52: {  	s11 =	rddreg [dreg:$0x10]  }
0x53: {  	[tilespmem:s11], [sflag:$0x1] =	stream.indirect_vreg.gather [hbm4b:s5+s3], $0x80, v3, vm0, $0xb8;
	[tilespmem:$0x18080] =	vst v63  }
0x54: {  	v3 =	vld [tilespmem:$0x20];
	_ =	sdelay $0x4  }
0x55: {  	v58 =	vshrl.u32 v3, $0x3  }
0x56: {  	v4 =	vmul.u32 $0x30, v58  }
0x57: {  	v3 =	vand.u32 $0x7, v3  }
0x58: {  	v3 =	vor.u32 v3, v4  }
0x59: {  	v4 =	vperm.xlane v3, v0;
	_ =	sdelay $0x1  }
0x5a: {  	v4 =	vadd.s32 v1, v4;
	_ =	sdelay $0x3  }
0x5b: {  	s0 =	rddreg [dreg:$0x11];
	v3 =	vperm.xlane v3, v2  }
0x5c: {  	[tilespmem:s0], [sflag:$0x1] =	stream.indirect_vreg.gather [hbm4b:s2+s3], $0x80, v4, vm0, $0xb8;
	[tilespmem:$0x18080] =	vst v63  }
0x5d: {  	s11 =	rddreg [dreg:$0x12];
	v3 =	vadd.s32 v1, v3  }
0x5e: {  	[tilespmem:s11], [sflag:$0x1] =	stream.indirect_vreg.gather [hbm4b:s4+s3], $0x80, v4, vm0, $0xb8;
	[tilespmem:$0x18080] =	vst v63  }
0x5f: {  	s0 =	rddreg [dreg:$0x13]  }
0x60: {  	[tilespmem:s0], [sflag:$0x1] =	stream.indirect_vreg.gather [hbm4b:s5+s3], $0x80, v4, vm0, $0xb8;
	[tilespmem:$0x18080] =	vst v63  }
0x61: {  	s11 =	rddreg [dreg:$0x14]  }
0x62: {  	[tilespmem:s11], [sflag:$0x1] =	stream.indirect_vreg.gather [hbm4b:s2+s3], $0x80, v3, vm0, $0xb8;
	[tilespmem:$0x18080] =	vst v63  }
0x63: {  	s0 =	rddreg [dreg:$0x15]  }
0x64: {  	[tilespmem:s0], [sflag:$0x1] =	stream.indirect_vreg.gather [hbm4b:s4+s3], $0x80, v3, vm0, $0xb8;
	[tilespmem:$0x18080] =	vst v63  }
0x65: {  	s11 =	rddreg [dreg:$0x16]  }
0x66: {  	[tilespmem:s11], [sflag:$0x1] =	stream.indirect_vreg.gather [hbm4b:s5+s3], $0x80, v3, vm0, $0xb8;
	[tilespmem:$0x18080] =	vst v63  }
0x67: {  	v3 =	vld [tilespmem:$0x30];
	_ =	sdelay $0x4  }
0x68: {  	v59 =	vshrl.u32 v3, $0x3  }
0x69: {  	v4 =	vmul.u32 $0x30, v59  }
0x6a: {  	v3 =	vand.u32 $0x7, v3  }
0x6b: {  	v3 =	vor.u32 v3, v4  }
0x6c: {  	v4 =	vperm.xlane v3, v0;
	_ =	sdelay $0x1  }
0x6d: {  	v4 =	vadd.s32 v1, v4;
	_ =	sdelay $0x3  }
0x6e: {  	s0 =	rddreg [dreg:$0x17];
	v3 =	vperm.xlane v3, v2  }
0x6f: {  	[tilespmem:s0], [sflag:$0x1] =	stream.indirect_vreg.gather [hbm4b:s2+s3], $0x80, v4, vm0, $0xb8;
	[tilespmem:$0x18080] =	vst v63  }
0x70: {  	s11 =	rddreg [dreg:$0x18];
	v3 =	vadd.s32 v1, v3  }
0x71: {  	[tilespmem:s11], [sflag:$0x1] =	stream.indirect_vreg.gather [hbm4b:s4+s3], $0x80, v4, vm0, $0xb8;
	[tilespmem:$0x18080] =	vst v63  }
0x72: {  	s0 =	rddreg [dreg:$0x19]  }
0x73: {  	[tilespmem:s0], [sflag:$0x1] =	stream.indirect_vreg.gather [hbm4b:s5+s3], $0x80, v4, vm0, $0xb8;
	[tilespmem:$0x18080] =	vst v63  }
0x74: {  	s11 =	rddreg [dreg:$0x1a]  }
0x75: {  	[tilespmem:s11], [sflag:$0x1] =	stream.indirect_vreg.gather [hbm4b:s2+s3], $0x80, v3, vm0, $0xb8;
	[tilespmem:$0x18080] =	vst v63  }
0x76: {  	s0 =	rddreg [dreg:$0x1b]  }
0x77: {  	[tilespmem:s0], [sflag:$0x1] =	stream.indirect_vreg.gather [hbm4b:s4+s3], $0x80, v3, vm0, $0xb8;
	[tilespmem:$0x18080] =	vst v63  }
0x78: {  	s11 =	rddreg [dreg:$0x1c]  }
0x79: {  	[tilespmem:s11], [sflag:$0x1] =	stream.indirect_vreg.gather [hbm4b:s5+s3], $0x80, v3, vm0, $0xb8;
	[tilespmem:$0x18080] =	vst v63  }
0x7a: {  	_ =	swait.ge [sflag:s9], $0xC000  }
0x7b: {  	[sflag:s9] =	ssyncset.done $0x0  }
0x7c: {  	[sflag:s9] =	ssyncadd.s32 $0xFFFF4000  }
0x7d: {  	v3 =	vld [tilespmem:$0x40];
	_ =	sdelay $0x4  }
0x7e: {  	v60 =	vshrl.u32 v3, $0x3  }
0x7f: {  	v4 =	vmul.u32 $0x30, v60  }
0x80: {  	v3 =	vand.u32 $0x7, v3  }
0x81: {  	v3 =	vor.u32 v3, v4  }
0x82: {  	v4 =	vperm.xlane v3, v0;
	_ =	sdelay $0x1  }
0x83: {  	v4 =	vadd.s32 v1, v4;
	_ =	sdelay $0x3  }
0x84: {  	s0 =	rddreg [dreg:$0x1d];
	v3 =	vperm.xlane v3, v2  }
0x85: {  	[tilespmem:s10], [sflag:$0x1] =	stream.indirect_vreg.gather [hbm4b:s2+s3], $0x80, v4, vm0, $0xb8;
	[tilespmem:$0x18080] =	vst v63  }
0x86: {  	s11 =	rddreg [dreg:$0x1e];
	v3 =	vadd.s32 v1, v3  }
0x87: {  	[tilespmem:s0], [sflag:$0x1] =	stream.indirect_vreg.gather [hbm4b:s4+s3], $0x80, v4, vm0, $0xb8;
	[tilespmem:$0x18080] =	vst v63  }
0x88: {  	s0 =	rddreg [dreg:$0x1f]  }
0x89: {  	[tilespmem:s11], [sflag:$0x1] =	stream.indirect_vreg.gather [hbm4b:s5+s3], $0x80, v4, vm0, $0xb8;
	[tilespmem:$0x18080] =	vst v63  }
0x8a: {  	s11 =	sld [smem:$0x7FD]  }
0x8b: {  	[tilespmem:s0], [sflag:$0x1] =	stream.indirect_vreg.gather [hbm4b:s2+s3], $0x80, v3, vm0, $0xb8;
	[tilespmem:$0x18080] =	vst v63  }
0x8c: {  	_ = 	snop  }
0x8d: {  	[tilespmem:s11], [sflag:$0x1] =	stream.indirect_vreg.gather [hbm4b:s4+s3], $0x80, v3, vm0, $0xb8;
	[tilespmem:$0x18080] =	vst v63  }
0x8e: {  	s11 =	simm.s32 $0xE880  }
0x8f: {  	[tilespmem:s11], [sflag:$0x1] =	stream.indirect_vreg.gather [hbm4b:s5+s3], $0x80, v3, vm0, $0xb8;
	[tilespmem:$0x18080] =	vst v63  }
0x90: {  	v3 =	vld [tilespmem:$0x50];
	_ =	sdelay $0x4  }
0x91: {  	v61 =	vshrl.u32 v3, $0x3  }
0x92: {  	v4 =	vmul.u32 $0x30, v61  }
0x93: {  	v3 =	vand.u32 $0x7, v3  }
0x94: {  	v3 =	vor.u32 v3, v4  }
0x95: {  	v4 =	vperm.xlane v3, v0;
	_ =	sdelay $0x1  }
0x96: {  	v4 =	vadd.s32 v1, v4;
	_ =	sdelay $0x3  }
0x97: {  	v3 =	vperm.xlane v3, v2  }
0x98: {  	[tilespmem:s12], [sflag:$0x1] =	stream.indirect_vreg.gather [hbm4b:s2+s3], $0x80, v4, vm0, $0xb8;
	[tilespmem:$0x18080] =	vst v63  }
0x99: {  	v3 =	vadd.s32 v1, v3  }
0x9a: {  	[tilespmem:s13], [sflag:$0x1] =	stream.indirect_vreg.gather [hbm4b:s4+s3], $0x80, v4, vm0, $0xb8;
	[tilespmem:$0x18080] =	vst v63  }
0x9b: {  	_ = 	snop  }
0x9c: {  	[tilespmem:s14], [sflag:$0x1] =	stream.indirect_vreg.gather [hbm4b:s5+s3], $0x80, v4, vm0, $0xb8;
	[tilespmem:$0x18080] =	vst v63  }
0x9d: {  	_ = 	snop  }
0x9e: {  	[tilespmem:s15], [sflag:$0x1] =	stream.indirect_vreg.gather [hbm4b:s2+s3], $0x80, v3, vm0, $0xb8;
	[tilespmem:$0x18080] =	vst v63  }
0x9f: {  	_ = 	snop  }
0xa0: {  	[tilespmem:s16], [sflag:$0x1] =	stream.indirect_vreg.gather [hbm4b:s4+s3], $0x80, v3, vm0, $0xb8;
	[tilespmem:$0x18080] =	vst v63  }
0xa1: {  	_ = 	snop  }
0xa2: {  	[tilespmem:s17], [sflag:$0x1] =	stream.indirect_vreg.gather [hbm4b:s5+s3], $0x80, v3, vm0, $0xb8;
	[tilespmem:$0x18080] =	vst v63  }
0xa3: {  	v3 =	vld [tilespmem:$0x60];
	_ =	sdelay $0x4  }
0xa4: {  	v62 =	vshrl.u32 v3, $0x3  }
0xa5: {  	v4 =	vmul.u32 $0x30, v62  }
0xa6: {  	v3 =	vand.u32 $0x7, v3  }
0xa7: {  	v3 =	vor.u32 v3, v4  }
0xa8: {  	v4 =	vperm.xlane v3, v0;
	_ =	sdelay $0x1  }
0xa9: {  	v4 =	vadd.s32 v1, v4;
	_ =	sdelay $0x3  }
0xaa: {  	v3 =	vperm.xlane v3, v2  }
0xab: {  	[tilespmem:s18], [sflag:$0x1] =	stream.indirect_vreg.gather [hbm4b:s2+s3], $0x80, v4, vm0, $0xb8;
	[tilespmem:$0x18080] =	vst v63  }
0xac: {  	v3 =	vadd.s32 v1, v3  }
0xad: {  	[tilespmem:s19], [sflag:$0x1] =	stream.indirect_vreg.gather [hbm4b:s4+s3], $0x80, v4, vm0, $0xb8;
	[tilespmem:$0x18080] =	vst v63  }
0xae: {  	_ = 	snop  }
0xaf: {  	[tilespmem:s20], [sflag:$0x1] =	stream.indirect_vreg.gather [hbm4b:s5+s3], $0x80, v4, vm0, $0xb8;
	[tilespmem:$0x18080] =	vst v63  }
0xb0: {  	_ = 	snop  }
0xb1: {  	[tilespmem:s21], [sflag:$0x1] =	stream.indirect_vreg.gather [hbm4b:s2+s3], $0x80, v3, vm0, $0xb8;
	[tilespmem:$0x18080] =	vst v63  }
0xb2: {  	_ = 	snop  }
0xb3: {  	[tilespmem:s22], [sflag:$0x1] =	stream.indirect_vreg.gather [hbm4b:s4+s3], $0x80, v3, vm0, $0xb8;
	[tilespmem:$0x18080] =	vst v63  }
0xb4: {  	_ = 	snop  }
0xb5: {  	[tilespmem:s23], [sflag:$0x1] =	stream.indirect_vreg.gather [hbm4b:s5+s3], $0x80, v3, vm0, $0xb8;
	[tilespmem:$0x18080] =	vst v63  }
0xb6: {  	v3 =	vld [tilespmem:$0x70];
	_ =	sdelay $0x4  }
0xb7: {  	v63 =	vshrl.u32 v3, $0x3  }
0xb8: {  	v4 =	vmul.u32 $0x30, v63  }
0xb9: {  	v3 =	vand.u32 $0x7, v3  }
0xba: {  	v3 =	vor.u32 v3, v4  }
0xbb: {  	v4 =	vperm.xlane v3, v0;
	_ =	sdelay $0x1  }
0xbc: {  	v4 =	vadd.s32 v1, v4;
	_ =	sdelay $0x3  }
0xbd: {  	v3 =	vperm.xlane v3, v2  }
0xbe: {  	[tilespmem:s24], [sflag:$0x1] =	stream.indirect_vreg.gather [hbm4b:s2+s3], $0x80, v4, vm0, $0xb8;
	[tilespmem:$0x18080] =	vst v63  }
0xbf: {  	v3 =	vadd.s32 v1, v3  }
0xc0: {  	[tilespmem:s25], [sflag:$0x1] =	stream.indirect_vreg.gather [hbm4b:s4+s3], $0x80, v4, vm0, $0xb8;
	[tilespmem:$0x18080] =	vst v63  }
0xc1: {  	_ = 	snop  }
0xc2: {  	[tilespmem:s26], [sflag:$0x1] =	stream.indirect_vreg.gather [hbm4b:s5+s3], $0x80, v4, vm0, $0xb8;
	[tilespmem:$0x18080] =	vst v63  }
0xc3: {  	_ = 	snop  }
0xc4: {  	[tilespmem:s28], [sflag:$0x1] =	stream.indirect_vreg.gather [hbm4b:s2+s3], $0x80, v3, vm0, $0xb8;
	[tilespmem:$0x18080] =	vst v63  }
0xc5: {  	_ = 	snop  }
0xc6: {  	[tilespmem:s29], [sflag:$0x1] =	stream.indirect_vreg.gather [hbm4b:s4+s3], $0x80, v3, vm0, $0xb8;
	[tilespmem:$0x18080] =	vst v63  }
0xc7: {  	_ = 	snop  }
0xc8: {  	[tilespmem:s30], [sflag:$0x1] =	stream.indirect_vreg.gather [hbm4b:s5+s3], $0x80, v3, vm0, $0xb8;
	[tilespmem:$0x18080] =	vst v63  }
0xc9: {  	s11 =	rddreg [dreg:$0x4]  }
0xca: {  	[hbm4b:s11+s3] =	stream.linear.scatter [tilespmem:s8], [sflag:$0x2], $0xC000, $0x38;
	[tilespmem:$0x18080] =	vst v63  }
0xcb: {  	_ =	swait.ge [sflag:s9], $0xC000  }
0xcc: {  	[sflag:s9] =	ssyncset.done $0x0  }
0xcd: {  	s11 =	rddreg [dreg:$0x5];
	[sflag:s9] =	ssyncadd.s32 $0xFFFF4000  }
0xce: {  	[hbm4b:s11+s3] =	stream.linear.scatter [tilespmem:s10], [sflag:$0x3], $0xC000, $0x38;
	[tilespmem:$0x18080] =	vst v63  }
0xcf: {  	p0 =	sne.s32 s6, $0x1;
	_ =	swait.ge [sflag:s31], $0xC000  }
.Ltmp0:
0xd0: {  	[sflag:s31] =	ssyncset.done $0x0;
	(pc) =	sbr.rel @p0 .LBB2_1-.Ltmp0, $4  }
0xd1: {  	[sflag:s31] =	ssyncadd.s32 $0xFFFF4000  }
0xd2: {  	_ =	swait.ge [sflag:s1], $0xC000  }
0xd3: {  	[sflag:s1] =	ssyncset.done $0x0  }
0xd4: {  	s6 =	sadd.s32 $0xFFFFFFFF, s6;
	[sflag:s1] =	ssyncadd.s32 $0xFFFF4000  }
0xd5: {  	_ =	sfence.sel $0x180000  }
0xd6: {  	[bflag:$0x0] =	sbarrier.arrive $0xFFFF  }
0xd7: {  	_ =	strace $0x9000004A  }
0xd8: {  	s0 =	stileid.u32;
	[bflag:$0x2] =	sbarrier.arrive $0xFFFF  }
0xd9: {  	p0 =	sne.s32 s0, $0x0;
	s0 =	rddreg [dreg:$0x2]  }
0xda: {  	s0 =	sadd.s32 @!p0 $0x100000, s0  }
0xdb: {  	[sflag:s0] =	ssyncadd.tile.s32 @!p0 $0x1;
	_ =	shalt  }
.Lfunc_end2:
_tile_overlayer_lowered:
.L_overlay_start_2:
0xdc: {  	(tag) =	ssettag $0x2  }
0xdd: {  	s0 =	rddreg [dreg:$0x0];
	s2 =	stileid.u32  }
0xde: {  	s1 =	rddreg [dreg:$0x1];
	p0 =	sne.s32 s2, $0x0  }
0xdf: {  	s3 =	rddreg [dreg:$0x2];
	[bflag:$0x3] =	sbarrier.arrive $0xFFFF;
	s2 =	simm.s32 @!p0 $0x1C04  }
0xe0: {  	[timem:s3], [sflag:s2] =	dma.local @!p0 [hbm:s0], s1  }
0xe1: {  	s0 =	simm.s32 @!p0 $0x4  }
0xe2: {  	_ =	swait.ge @!p0 [sflag:s0], s1  }
0xe3: {  	s1 =	ssub.s32 @!p0 $0x0, s1;
	[sflag:s0] =	ssyncset.done @!p0 $0x0  }
0xe4: {  	[sflag:s0] =	ssyncadd.s32 @!p0 s1  }
0xe5: {  	[bflag:$0x3] =	sbarrier.arrive $0xFFFF  }
0xe6: {  	_ =	shalt  }

// kernel: kernel.16.cloned.1.call-start
scs
__scs_entry_jumppad:
0x0: {  	(pc) =	sbr.rel $0x88, $3  }
0x1: {  	(tag) =	ssettag $0x0;
	lr =	simm.s32 $0x1  }
0x2: {  	[smem:$0x3F99] =	sst lr;
	_ =	strace $0xD0000000  }
0x3: {  	_ = 	snop  }
0x4: {  	_ = 	snop  }
0x5: {  	_ = 	snop  }
0x6: {  	_ = 	snop  }
0x7: {  	_ = 	snop  }
__scs_overlays_trampoline_lowered:
0x8: {  	[smem:$0x3FA8] =	sst s0  }
0x9: {  	[smem:$0x3FA9] =	sst s1  }
0xa: {  	[smem:$0x3FAA] =	sst s2  }
0xb: {  	[smem:$0x3FAB] =	sst s3  }
0xc: {  	[smem:$0x3FAC] =	sst s4  }
0xd: {  	[smem:$0x3FAD] =	sst s5  }
0xe: {  	[smem:$0x3FAE] =	sst s6  }
0xf: {  	[smem:$0x3FAF] =	sst s7  }
0x10: {  	[smem:$0x3FB0] =	sst s8  }
0x11: {  	[smem:$0x3FB1] =	sst s9;
	s0 =	simm.s32 @!p0 $0x0  }
0x12: {  	s1 =	sld [smem:$0x3F97];
	s0 =	simm.s32 @p0 $0x1  }
0x13: {  	[smem:$0x3FB2] =	sst s0;
	s0 =	simm.s32 @!p1 $0x0  }
0x14: {  	s2 =	sld [smem:$0x3F96];
	s0 =	simm.s32 @p1 $0x1  }
0x15: {  	[smem:$0x3FB3] =	sst s0;
	s0 =	simm.s32 @!p2 $0x0  }
0x16: {  	s3 =	sld [smem:$0x3FDB];
	s0 =	simm.s32 @p2 $0x1  }
0x17: {  	s4 =	simm.s32 $0x1BF5;
	[smem:$0x3FB5] =	sst s0  }
0x18: {  	s0 =	sld [smem:$0x3F98];
	_ =	swait.ge [sflag:s4], $0x0  }
0x19: {  	s7 =	sld [smem:$0x3F99]  }
0x1a: {  	s8 =	sadd.s32 $0xFFFFE003, lr  }
0x1b: {  	s9 =	sadd.s32 $0xFFFFFEF7, lr;
	s5 =	simm.s32 $0xFFFFFFFF;
	p2 =	slt.u32 s8, $0xFFFFF086  }
0x1c: {  	p1 =	slt.u32 s9, $0xF7A;
	s5 =	simm.s32 @!p2 $0x0  }
0x1d: {  	s5 =	simm.s32 @p1 $0x1;
	p0 =	seq.s32 s7, s2  }
0x1e: {  	s7 =	smul.u32 @!p0 $0xF7A, s2;
	p2 =	seq.s32 @!p0 s5, $0x0  }
0x1f: {  	s9 =	smul.u32 $0xF7A, s1;
	s8 =	simm.s32 @!p0 $0x1BF5;
	p2 =	por !p2, p0  }
0x20: {  	[sflag:s8] =	ssyncset.s32 @!p0 $0xFFFFF086;
	s6 =	sadd.s32 @!p0 s3, s7;
	s7 =	simm.s32 @!p0 $0x108  }
0x21: {  	s3 =	sadd.s32 s3, s9;
	s6 =	sadd.s32 @!p0 $0x88, s6;
	s7 =	simm.s32 @p2 $0x1082  }
0x22: {  	[simem:s7], [sflag:s8] =	dma.local @!p0 [hbm:s6], $0xF7A  }
0x23: {  	s9 =	sor.u32 $0xD0000000, s2;
	s6 =	simm.s32 $0x108;
	_ =	swait.ge @!p0 [sflag:s8], $0x0  }
0x24: {  	s3 =	sadd.s32 $0x88, s3;
	s6 =	simm.s32 @!p1 $0x1082;
	[sflag:s4] =	ssyncset.s32 $0xFFFFF086  }
0x25: {  	[simem:s6], [sflag:s4] =	dma.local [hbm:s3], $0xF7A  }
0x26: {  	[smem:$0x3F99] =	sst s1;
	(tag) =	ssettag s2;
	_ =	strace s9  }
0x27: {  	s1 =	sld [smem:$0x3FA9]  }
0x28: {  	s2 =	sld [smem:$0x3FAA]  }
0x29: {  	s4 =	sld [smem:$0x3FAC]  }
0x2a: {  	p0 =	seq.s32 s5, $0x0;
	s5 =	sld [smem:$0x3FAD]  }
0x2b: {  	s6 =	sld [smem:$0x3FAE]  }
0x2c: {  	s7 =	sld [smem:$0x3FAF]  }
0x2d: {  	s3 =	simm.s32 $0x108;
	s8 =	sld [smem:$0x3FB0]  }
0x2e: {  	s3 =	simm.s32 @!p0 $0x1082;
	s9 =	sld [smem:$0x3FB1]  }
0x2f: {  	lr =	sadd.s32 s0, s3;
	s0 =	sld [smem:$0x3FA8]  }
0x30: {  	s3 =	sld [smem:$0x3FAB]  }
0x31: {  	[smem:$0x3FB4] =	sst s10  }
0x32: {  	s10 =	sld [smem:$0x3FB2];
	_ =	sdelay $0x3  }
0x33: {  	p0 =	seq.s32 s10, $0x1;
	s10 =	sld [smem:$0x3FB4];
	_ =	sdelay $0x3  }
0x34: {  	[smem:$0x3FB4] =	sst s10  }
0x35: {  	s10 =	sld [smem:$0x3FB3];
	_ =	sdelay $0x3  }
0x36: {  	p1 =	seq.s32 s10, $0x1;
	s10 =	sld [smem:$0x3FB4];
	_ =	sdelay $0x3  }
0x37: {  	[smem:$0x3FB4] =	sst s10  }
0x38: {  	s10 =	sld [smem:$0x3FB5]  }
0x39: {  	_ = 	snop;
	(pc) =	sbr.ind lr, $3  }
0x3a: {  	_ = 	snop  }
0x3b: {  	_ = 	snop  }
0x3c: {  	p2 =	seq.s32 s10, $0x1;
	s10 =	sld [smem:$0x3FB4]  }
0x3d: {  	_ =	shalt  }
0x3e: {  	_ =	shalt  }
0x3f: {  	_ =	shalt  }
0x40: {  	_ =	shalt  }
0x41: {  	_ =	shalt  }
0x42: {  	_ =	shalt  }
0x43: {  	_ =	shalt  }
0x44: {  	_ =	shalt  }
0x45: {  	_ =	shalt  }
0x46: {  	_ =	shalt  }
0x47: {  	_ =	shalt  }
0x48: {  	_ =	shalt  }
0x49: {  	_ =	shalt  }
0x4a: {  	_ =	shalt  }
0x4b: {  	_ =	shalt  }
0x4c: {  	_ =	shalt  }
0x4d: {  	_ =	shalt  }
0x4e: {  	_ =	shalt  }
0x4f: {  	_ =	shalt  }
0x50: {  	_ =	shalt  }
0x51: {  	_ =	shalt  }
0x52: {  	_ =	shalt  }
0x53: {  	_ =	shalt  }
0x54: {  	_ =	shalt  }
0x55: {  	_ =	shalt  }
0x56: {  	_ =	shalt  }
0x57: {  	_ =	shalt  }
0x58: {  	_ =	shalt  }
0x59: {  	_ =	shalt  }
0x5a: {  	_ =	shalt  }
0x5b: {  	_ =	shalt  }
0x5c: {  	_ =	shalt  }
0x5d: {  	_ =	shalt  }
0x5e: {  	_ =	shalt  }
0x5f: {  	_ =	shalt  }
0x60: {  	_ =	shalt  }
0x61: {  	_ =	shalt  }
0x62: {  	_ =	shalt  }
0x63: {  	_ =	shalt  }
0x64: {  	_ =	shalt  }
0x65: {  	_ =	shalt  }
0x66: {  	_ =	shalt  }
0x67: {  	_ =	shalt  }
0x68: {  	_ =	shalt  }
0x69: {  	_ =	shalt  }
0x6a: {  	_ =	shalt  }
0x6b: {  	_ =	shalt  }
0x6c: {  	_ =	shalt  }
0x6d: {  	_ =	shalt  }
0x6e: {  	_ =	shalt  }
0x6f: {  	_ =	shalt  }
0x70: {  	_ =	shalt  }
0x71: {  	_ =	shalt  }
0x72: {  	_ =	shalt  }
0x73: {  	_ =	shalt  }
0x74: {  	_ =	shalt  }
0x75: {  	_ =	shalt  }
0x76: {  	_ =	shalt  }
0x77: {  	_ =	shalt  }
0x78: {  	_ =	shalt  }
0x79: {  	_ =	shalt  }
0x7a: {  	_ =	shalt  }
0x7b: {  	_ =	shalt  }
0x7c: {  	_ =	shalt  }
0x7d: {  	_ =	shalt  }
0x7e: {  	_ =	shalt  }
0x7f: {  	_ =	shalt  }
0x80: {  	_ =	shalt  }
0x81: {  	_ =	shalt  }
0x82: {  	_ =	shalt  }
0x83: {  	_ =	shalt  }
0x84: {  	_ =	shalt  }
0x85: {  	_ =	shalt  }
0x86: {  	_ =	shalt  }
0x87: {  	_ =	shalt  }
.Lfunc_end0:
.L_simem_size_0:
called_computation.2_lowered:
.L_overlay_start_0:
0x88: {  	s2 =	sld [smem:$0x3FD9]  }
0x89: {  	s3 =	sld [smem:$0x3FFE];
	_ =	sdelay $0x1  }
0x8a: {  	s1 =	srdreg.scid  }
0x8b: {  	s0 =	sand.u32 $0x1, s1  }
0x8c: {  	s17 =	sshll.u32 s0, $0xA;
	s2 =	sadd.s32 s3, s2  }
0x8d: {  	s2 =	sadd.s32 s2, s17  }
0x8e: {  	[smem:$0x3FC0] =	sst s2  }
0x8f: {  	_ = 	snop  }
0x90: {  	s18 =	sld [smem:$0x3FC6];
	(tm) =	ssettm $0x1  }
0x91: {  	s19 =	sld [smem:$0x3FFB];
	_ =	sdelay $0x3  }
0x92: {  	_ =	strace s19  }
0x93: {  	s2 =	sld [smem:$0x3FFC];
	_ =	sdelay $0x3  }
0x94: {  	_ =	strace s2  }
0x95: {  	s2 =	sld [smem:$0x3FFD];
	_ =	sdelay $0x3  }
0x96: {  	_ =	strace s2  }
0x97: {  	_ =	strace $0x8FFFFFFF  }
0x98: {  	s20 =	sld [smem:$0x3FDB];
	_ =	sdelay $0x1  }
0x99: {  	s4 =	simm.s32 $_scs_section_size  }
0x9a: {  	s5 =	simm.s32 $_size__tile_overlayer_lowered;
	s6 =	simm.s32 $_tile_overlayer_lowered  }
0x9b: {  	s7 =	simm.s32 $0x1BFF;
	s21 =	sshll.u32 s6, $0x1;
	s4 =	sadd.s32 s4, s20  }
0x9c: {  	s22 =	simm.s32 $0x0;
	s5 =	sshll.u32 s5, $0x1;
	s6 =	sadd.s32 s21, s4  }
0x9d: {  	[timem:s22], [sflag:s7] =	dma.local [hbm:s6], s5  }
0x9e: {  	_ =	swait.ge [sflag:s7], s5  }
0x9f: {  	s5 =	ssub.s32 $0x0, s5;
	[sflag:s7] =	ssyncset.done $0x0  }
0xa0: {  	[sflag:s7] =	ssyncadd.s32 s5;
	_ =	sdelay $0x1  }
0xa1: {  	s23 =	simm.s32 $0x1B8B  }
0xa2: {  	_ =	swait.ge [sflag:s23], $0x1  }
0xa3: {  	[sflag:s23] =	ssyncset.done $0x0  }
0xa4: {  	[sflag:s23] =	ssyncadd.s32 $0xFFFFFFFF  }
0xa5: {  	s5 =	sld [smem:$0x0]  }
0xa6: {  	s6 =	sand.u32 $0xFFFFFFFE, s1  }
0xa7: {  	p0 =	sne.s32 s1, s6  }
0xa8: {  	s6 =	sshll.u32 @p0 s6, $0xE  }
0xa9: {  	s6 =	sadd.s32 @p0 $0x11B8D, s6;
	s7 =	sshll.u32 @p0 s5, $0x11  }
0xaa: {  	s6 =	sor.u32 @p0 s7, s6  }
0xab: {  	[sflag:s6] =	ssyncadd.remote.s32 @p0 $0x1;
	_ =	sdelay $0x1  }
0xac: {  	s6 =	simm.s32 @p0 $0x1B8D  }
0xad: {  	_ =	swait.eq @p0 [sflag:s6], $0x1  }
0xae: {  	[sflag:s6] =	ssyncadd.s32 @p0 $0xFFFFFFFF  }
0xaf: {  	s7 =	sshll.u32 @!p0 s1, $0xE  }
0xb0: {  	s7 =	sor.u32 @!p0 $0x4000, s7;
	s6 =	simm.s32 @!p0 $0x1B8D  }
0xb1: {  	s5 =	sshll.u32 @!p0 s5, $0x11;
	s7 =	sadd.s32 @!p0 $0x11B8D, s7;
	_ =	swait.eq @!p0 [sflag:s6], $0x1  }
0xb2: {  	s5 =	sor.u32 @!p0 s5, s7;
	[sflag:s6] =	ssyncadd.s32 @!p0 $0xFFFFFFFF  }
0xb3: {  	s25 =	simm.s32 $0x1B8E;
	s24 =	sld [smem:$0x3FFE];
	[sflag:s5] =	ssyncadd.remote.s32 @!p0 $0x1  }
0xb4: {  	s26 =	simm.s32 $execute0_lowered;
	[smem:$0x3FD2] =	sst s25  }
0xb5: {  	s6 =	sshll.u32 s26, $0x1;
	_ =	strace $0x8000004C;
	[dreg:$0x1] =	wrdreg $0xFFFFFFFF  }
0xb6: {  	s28 =	simm.s32 $_size_execute0_lowered;
	s4 =	sadd.s32 s4, s6;
	[dreg:$0x0] =	wrdreg $0x0  }
0xb7: {  	s6 =	sshll.u32 s28, $0x1;
	[dreg:$0x2] =	wrdreg s4  }
0xb8: {  	[dreg:$0x3] =	wrdreg s6  }
0xb9: {  	[dreg:$0x4] =	wrdreg $0xC0  }
0xba: {  	_ =	task [dreg:s22], $0x5FFFF  }
0xbb: {  	[dreg:$0x1] =	wrdreg $0xFFFFFFFF  }
0xbc: {  	[dreg:$0x0] =	wrdreg $0x60  }
0xbd: {  	[dreg:$0x2] =	wrdreg s18  }
0xbe: {  	[dreg:$0x3] =	wrdreg s24  }
0xbf: {  	[dreg:$0x4] =	wrdreg $0xB  }
0xc0: {  	_ =	task.clear_ibuf [dreg:s22], $0x5FFFF;
	_ =	strace $0x9000004C  }
0xc1: {  	s29 =	simm.s32 $0xB;
	_ =	strace $0x8000004E  }
0xc2: {  	_ =	swait.ge [sflag:s29], $0x1  }
0xc3: {  	[sflag:s29] =	ssyncadd.s32 $0xFFFFFFFF  }
0xc4: {  	_ =	strace $0x9000004E  }
0xc5: {  	_ =	sfence  }
0xc6: {  	s30 =	sld [smem:$0x0];
	_ =	sdelay $0x2  }
0xc7: {  	s31 =	sshll.u32 s1, $0xD;
	s1 =	sshrl.u32 s1, $0x2  }
0xc8: {  	s4 =	sand.u32 $0x4000, s31;
	s1 =	sadd.s32 s1, s30  }
0xc9: {  	s0 =	sor.u32 s4, s0;
	s1 =	sshll.u32 s1, $0x11  }
0xca: {  	s0 =	sor.u32 s1, s0  }
0xcb: {  	s0 =	sadd.s32 $0x8F2B, s0  }
0xcc: {  	[sflag:s0] =	ssyncadd.remote.s32 $0x1  }
0xcd: {  	_ =	sfence.sel $0xFFFF  }
0xce: {  	[dreg:$0x0] =	wrdreg $0xFFFFFFFF;
	(pc) =	sbr.abs _section_cstart, $3  }
0xcf: {  	[dreg:$0x1] =	wrdreg $0xFFFFFFFF  }
0xd0: {  	_ =	task.clear_ibuf [dreg:s22], $0x2FFFF;
	_ =	strace $0x9FFFFFFF  }
0xd1: {  	(tm) =	ssettm $0x7FFFFFFF  }
tec
execute0_lowered:
.L_overlay_start_1:
0x0: {  	(tag) =	ssettag $0x1  }
0x1: {  	s2 =	rddreg [dreg:$0x0]  }
0x2: {  	s4 =	rddreg [dreg:$0x1];
	s3 =	simm.s32 $0x0  }
0x3: {  	s22 =	simm.s32 $0x880;
	[smem:$0x7FF] =	sst s3  }
0x4: {  	s23 =	simm.s32 $0x1080;
	_ =	strace $0x8000004D;
	[dreg:$0x6] =	wrdreg s22  }
0x5: {  	s24 =	simm.s32 $0x1880;
	[dreg:$0x7] =	wrdreg s23  }
0x6: {  	s25 =	simm.s32 $0x2080;
	[dreg:$0x8] =	wrdreg s24  }
0x7: {  	s0 =	stileid.u32;
	s26 =	simm.s32 $0x2880;
	[dreg:$0x9] =	wrdreg s25  }
0x8: {  	s5 =	sshll.u32 s0, $0x5;
	s0 =	simm.s32 $0x3080;
	[dreg:$0xa] =	wrdreg s26  }
0x9: {  	s8 =	simm.s32 $0x5080;
	[dreg:$0xb] =	wrdreg s0  }
0xa: {  	s9 =	simm.s32 $0x5880;
	[dreg:$0xf] =	wrdreg s8  }
0xb: {  	s10 =	simm.s32 $0x6080;
	[dreg:$0x10] =	wrdreg s9  }
0xc: {  	s11 =	simm.s32 $0x6880;
	[dreg:$0x11] =	wrdreg s10  }
0xd: {  	s12 =	simm.s32 $0x7080;
	[dreg:$0x12] =	wrdreg s11  }
0xe: {  	s13 =	simm.s32 $0x7880;
	[dreg:$0x13] =	wrdreg s12  }
0xf: {  	s14 =	simm.s32 $0x8080;
	[dreg:$0x14] =	wrdreg s13  }
0x10: {  	s1 =	srdreg.scid;
	s15 =	simm.s32 $0x8880;
	[dreg:$0x15] =	wrdreg s14  }
0x11: {  	s16 =	simm.s32 $0x9080;
	s17 =	simm.s32 $0x9880;
	[dreg:$0x16] =	wrdreg s15  }
0x12: {  	s18 =	simm.s32 $0xA080;
	s20 =	simm.s32 $0xA880;
	[dreg:$0x17] =	wrdreg s16  }
0x13: {  	s21 =	simm.s32 $0xB080;
	s28 =	simm.s32 $0x16880;
	[dreg:$0x18] =	wrdreg s17  }
0x14: {  	s29 =	simm.s32 $0x17080;
	s30 =	simm.s32 $0x17880;
	[dreg:$0x19] =	wrdreg s18  }
0x15: {  	s31 =	simm.s32 $0x3;
	s1 =	sand.u32 $0x1, s1;
	[dreg:$0x1a] =	wrdreg s20  }
0x16: {  	s6 =	sshll.u32 s1, $0x4;
	s1 =	ssub.s32 $0x2, s1;
	[dreg:$0x1b] =	wrdreg s21  }
0x17: {  	s22 =	simm.s32 $0xB880;
	s23 =	simm.s32 $0xC880;
	s24 =	simm.s32 $0xD080  }
0x18: {  	s25 =	simm.s32 $0xD880;
	s8 =	simm.s32 $0x80;
	s26 =	simm.s32 $0xE080  }
0x19: {  	s9 =	simm.s32 $0x1;
	s10 =	simm.s32 $0xC080;
	s12 =	simm.s32 $0xF080  }
0x1a: {  	s13 =	simm.s32 $0xF880;
	s14 =	simm.s32 $0x10080;
	[dreg:$0x1c] =	wrdreg s22  }
0x1b: {  	s15 =	simm.s32 $0x10880;
	s16 =	simm.s32 $0x11080;
	[dreg:$0x1d] =	wrdreg s23  }
0x1c: {  	s17 =	simm.s32 $0x11880;
	s18 =	simm.s32 $0x12080;
	[dreg:$0x1e] =	wrdreg s24  }
0x1d: {  	s20 =	simm.s32 $0x13080;
	s21 =	simm.s32 $0x13880;
	[dreg:$0x1f] =	wrdreg s25  }
0x1e: {  	s5 =	sor.u32 s6, s5;
	s19 =	sshrl.u32 s1, $0x1;
	[smem:$0x7FD] =	sst s26  }
0x1f: {  	s22 =	simm.s32 $0x14080;
	s23 =	simm.s32 $0x14880;
	s24 =	simm.s32 $0x15080  }
0x20: {  	s25 =	simm.s32 $0x15880;
	s26 =	simm.s32 $0x16080;
	s6 =	smul.u32 $0x1800, s5  }
0x21: {  	s7 =	sadd.s32 s5, s4;
	s5 =	smul.u32 $0x300, s5;
	s4 =	sadd.s32 $0x62C00, s4  }
0x22: {  	s1 =	ssub.s32 s1, s19;
	s19 =	simm.s32 $0x12880;
	s7 =	sadd.s32 $0x2800, s7  }
0x23: {  	s6 =	sshrl.u32 s6, $0x3;
	[dreg:$0x3] =	wrdreg s7;
	s5 =	sadd.s32 s4, s5  }
0x24: {  	s7 =	simm.s32 $0x4880;
	s4 =	sadd.s32 s4, s6;
	[dreg:$0x4] =	wrdreg s5  }
0x25: {  	s5 =	simm.s32 $0x3880;
	s6 =	simm.s32 $0x4080;
	[dreg:$0xe] =	wrdreg s7  }
0x26: {  	v2 =	vlaneseq.u32;
	s7 =	simm.s32 $0x4;
	s4 =	sadd.s32 $0x1800, s4;
	[dreg:$0xc] =	wrdreg s5  }
0x27: {  	vm0 =	vmmov $0xffff;
	v1 =	vshrl.u32 v2, $0x3;
	[dreg:$0xd] =	wrdreg s6;
	s5 =	sadd.s32 $0x200, s2;
	s6 =	smax.u32 s1, $0x1  }
0x28: {  	v0 =	vand.u32 $0x7, v2;
	v2 =	vor.u32 $0x8, v2;
	v1 =	vmul.u32 $0x8, v1;
	s1 =	simm.s32 $0x2;
	[dreg:$0x5] =	wrdreg s4;
	s4 =	sadd.s32 $0x100, s2  }
.LBB2_1:
0x29: {  	s0 =	rddreg [dreg:$0x3]  }
0x2a: {  	[tilespmem:s3], [sflag:$0x4] =	stream.linear.gather [hbm4b:s0+s3], $0x80, $0x38;
	[tilespmem:$0x18080] =	vst v63  }
0x2b: {  	_ =	swait.ge [sflag:s7], $0x80  }
0x2c: {  	[sflag:s7] =	ssyncset.done $0x0  }
0x2d: {  	[sflag:s7] =	ssyncadd.s32 $0xFFFFFF80  }
0x2e: {  	v3 =	vld [tilespmem:$0x0];
	_ =	sdelay $0x4  }
0x2f: {  	v4 =	vshrl.u32 v3, $0x3  }
0x30: {  	v4 =	vmul.u32 $0x30, v4  }
0x31: {  	v3 =	vand.u32 $0x7, v3  }
0x32: {  	v3 =	vor.u32 v3, v4  }
0x33: {  	v4 =	vperm.xlane v3, v0;
	_ =	sdelay $0x1  }
0x34: {  	v4 =	vadd.s32 v1, v4;
	_ =	sdelay $0x3  }
0x35: {  	v3 =	vperm.xlane v3, v2  }
0x36: {  	[tilespmem:s8], [sflag:$0x1] =	stream.indirect_vreg.gather [hbm4b:s2+s3], $0x80, v4, vm0, $0xb8;
	[tilespmem:$0x18080] =	vst v63  }
0x37: {  	s0 =	rddreg [dreg:$0x6];
	v3 =	vadd.s32 v1, v3  }
0x38: {  	[tilespmem:s0], [sflag:$0x1] =	stream.indirect_vreg.gather [hbm4b:s4+s3], $0x80, v4, vm0, $0xb8;
	[tilespmem:$0x18080] =	vst v63  }
0x39: {  	s11 =	rddreg [dreg:$0x7]  }
0x3a: {  	[tilespmem:s11], [sflag:$0x1] =	stream.indirect_vreg.gather [hbm4b:s5+s3], $0x80, v4, vm0, $0xb8;
	[tilespmem:$0x18080] =	vst v63  }
0x3b: {  	s0 =	rddreg [dreg:$0x8]  }
0x3c: {  	[tilespmem:s0], [sflag:$0x1] =	stream.indirect_vreg.gather [hbm4b:s2+s3], $0x80, v3, vm0, $0xb8;
	[tilespmem:$0x18080] =	vst v63  }
0x3d: {  	s11 =	rddreg [dreg:$0x9]  }
0x3e: {  	[tilespmem:s11], [sflag:$0x1] =	stream.indirect_vreg.gather [hbm4b:s4+s3], $0x80, v3, vm0, $0xb8;
	[tilespmem:$0x18080] =	vst v63  }
0x3f: {  	s0 =	rddreg [dreg:$0xa]  }
0x40: {  	[tilespmem:s0], [sflag:$0x1] =	stream.indirect_vreg.gather [hbm4b:s5+s3], $0x80, v3, vm0, $0xb8;
	[tilespmem:$0x18080] =	vst v63  }
0x41: {  	v3 =	vld [tilespmem:$0x10];
	_ =	sdelay $0x4  }
0x42: {  	v57 =	vshrl.u32 v3, $0x3  }
0x43: {  	v4 =	vmul.u32 $0x30, v57  }
0x44: {  	v3 =	vand.u32 $0x7, v3  }
0x45: {  	v3 =	vor.u32 v3, v4  }
0x46: {  	v4 =	vperm.xlane v3, v0;
	_ =	sdelay $0x1  }
0x47: {  	v4 =	vadd.s32 v1, v4;
	_ =	sdelay $0x3  }
0x48: {  	s0 =	rddreg [dreg:$0xb];
	v3 =	vperm.xlane v3, v2  }
0x49: {  	[tilespmem:s0], [sflag:$0x1] =	stream.indirect_vreg.gather [hbm4b:s2+s3], $0x80, v4, vm0, $0xb8;
	[tilespmem:$0x18080] =	vst v63  }
0x4a: {  	s11 =	rddreg [dreg:$0xc];
	v3 =	vadd.s32 v1, v3  }
0x4b: {  	[tilespmem:s11], [sflag:$0x1] =	stream.indirect_vreg.gather [hbm4b:s4+s3], $0x80, v4, vm0, $0xb8;
	[tilespmem:$0x18080] =	vst v63  }
0x4c: {  	s0 =	rddreg [dreg:$0xd]  }
0x4d: {  	[tilespmem:s0], [sflag:$0x1] =	stream.indirect_vreg.gather [hbm4b:s5+s3], $0x80, v4, vm0, $0xb8;
	[tilespmem:$0x18080] =	vst v63  }
0x4e: {  	s11 =	rddreg [dreg:$0xe]  }
0x4f: {  	[tilespmem:s11], [sflag:$0x1] =	stream.indirect_vreg.gather [hbm4b:s2+s3], $0x80, v3, vm0, $0xb8;
	[tilespmem:$0x18080] =	vst v63  }
0x50: {  	s0 =	rddreg [dreg:$0xf]  }
0x51: {  	[tilespmem:s0], [sflag:$0x1] =	stream.indirect_vreg.gather [hbm4b:s4+s3], $0x80, v3, vm0, $0xb8;
	[tilespmem:$0x18080] =	vst v63  }
0x52: {  	s11 =	rddreg [dreg:$0x10]  }
0x53: {  	[tilespmem:s11], [sflag:$0x1] =	stream.indirect_vreg.gather [hbm4b:s5+s3], $0x80, v3, vm0, $0xb8;
	[tilespmem:$0x18080] =	vst v63  }
0x54: {  	v3 =	vld [tilespmem:$0x20];
	_ =	sdelay $0x4  }
0x55: {  	v58 =	vshrl.u32 v3, $0x3  }
0x56: {  	v4 =	vmul.u32 $0x30, v58  }
0x57: {  	v3 =	vand.u32 $0x7, v3  }
0x58: {  	v3 =	vor.u32 v3, v4  }
0x59: {  	v4 =	vperm.xlane v3, v0;
	_ =	sdelay $0x1  }
0x5a: {  	v4 =	vadd.s32 v1, v4;
	_ =	sdelay $0x3  }
0x5b: {  	s0 =	rddreg [dreg:$0x11];
	v3 =	vperm.xlane v3, v2  }
0x5c: {  	[tilespmem:s0], [sflag:$0x1] =	stream.indirect_vreg.gather [hbm4b:s2+s3], $0x80, v4, vm0, $0xb8;
	[tilespmem:$0x18080] =	vst v63  }
0x5d: {  	s11 =	rddreg [dreg:$0x12];
	v3 =	vadd.s32 v1, v3  }
0x5e: {  	[tilespmem:s11], [sflag:$0x1] =	stream.indirect_vreg.gather [hbm4b:s4+s3], $0x80, v4, vm0, $0xb8;
	[tilespmem:$0x18080] =	vst v63  }
0x5f: {  	s0 =	rddreg [dreg:$0x13]  }
0x60: {  	[tilespmem:s0], [sflag:$0x1] =	stream.indirect_vreg.gather [hbm4b:s5+s3], $0x80, v4, vm0, $0xb8;
	[tilespmem:$0x18080] =	vst v63  }
0x61: {  	s11 =	rddreg [dreg:$0x14]  }
0x62: {  	[tilespmem:s11], [sflag:$0x1] =	stream.indirect_vreg.gather [hbm4b:s2+s3], $0x80, v3, vm0, $0xb8;
	[tilespmem:$0x18080] =	vst v63  }
0x63: {  	s0 =	rddreg [dreg:$0x15]  }
0x64: {  	[tilespmem:s0], [sflag:$0x1] =	stream.indirect_vreg.gather [hbm4b:s4+s3], $0x80, v3, vm0, $0xb8;
	[tilespmem:$0x18080] =	vst v63  }
0x65: {  	s11 =	rddreg [dreg:$0x16]  }
0x66: {  	[tilespmem:s11], [sflag:$0x1] =	stream.indirect_vreg.gather [hbm4b:s5+s3], $0x80, v3, vm0, $0xb8;
	[tilespmem:$0x18080] =	vst v63  }
0x67: {  	v3 =	vld [tilespmem:$0x30];
	_ =	sdelay $0x4  }
0x68: {  	v59 =	vshrl.u32 v3, $0x3  }
0x69: {  	v4 =	vmul.u32 $0x30, v59  }
0x6a: {  	v3 =	vand.u32 $0x7, v3  }
0x6b: {  	v3 =	vor.u32 v3, v4  }
0x6c: {  	v4 =	vperm.xlane v3, v0;
	_ =	sdelay $0x1  }
0x6d: {  	v4 =	vadd.s32 v1, v4;
	_ =	sdelay $0x3  }
0x6e: {  	s0 =	rddreg [dreg:$0x17];
	v3 =	vperm.xlane v3, v2  }
0x6f: {  	[tilespmem:s0], [sflag:$0x1] =	stream.indirect_vreg.gather [hbm4b:s2+s3], $0x80, v4, vm0, $0xb8;
	[tilespmem:$0x18080] =	vst v63  }
0x70: {  	s11 =	rddreg [dreg:$0x18];
	v3 =	vadd.s32 v1, v3  }
0x71: {  	[tilespmem:s11], [sflag:$0x1] =	stream.indirect_vreg.gather [hbm4b:s4+s3], $0x80, v4, vm0, $0xb8;
	[tilespmem:$0x18080] =	vst v63  }
0x72: {  	s0 =	rddreg [dreg:$0x19]  }
0x73: {  	[tilespmem:s0], [sflag:$0x1] =	stream.indirect_vreg.gather [hbm4b:s5+s3], $0x80, v4, vm0, $0xb8;
	[tilespmem:$0x18080] =	vst v63  }
0x74: {  	s11 =	rddreg [dreg:$0x1a]  }
0x75: {  	[tilespmem:s11], [sflag:$0x1] =	stream.indirect_vreg.gather [hbm4b:s2+s3], $0x80, v3, vm0, $0xb8;
	[tilespmem:$0x18080] =	vst v63  }
0x76: {  	s0 =	rddreg [dreg:$0x1b]  }
0x77: {  	[tilespmem:s0], [sflag:$0x1] =	stream.indirect_vreg.gather [hbm4b:s4+s3], $0x80, v3, vm0, $0xb8;
	[tilespmem:$0x18080] =	vst v63  }
0x78: {  	s11 =	rddreg [dreg:$0x1c]  }
0x79: {  	[tilespmem:s11], [sflag:$0x1] =	stream.indirect_vreg.gather [hbm4b:s5+s3], $0x80, v3, vm0, $0xb8;
	[tilespmem:$0x18080] =	vst v63  }
0x7a: {  	_ =	swait.ge [sflag:s9], $0xC000  }
0x7b: {  	[sflag:s9] =	ssyncset.done $0x0  }
0x7c: {  	[sflag:s9] =	ssyncadd.s32 $0xFFFF4000  }
0x7d: {  	v3 =	vld [tilespmem:$0x40];
	_ =	sdelay $0x4  }
0x7e: {  	v60 =	vshrl.u32 v3, $0x3  }
0x7f: {  	v4 =	vmul.u32 $0x30, v60  }
0x80: {  	v3 =	vand.u32 $0x7, v3  }
0x81: {  	v3 =	vor.u32 v3, v4  }
0x82: {  	v4 =	vperm.xlane v3, v0;
	_ =	sdelay $0x1  }
0x83: {  	v4 =	vadd.s32 v1, v4;
	_ =	sdelay $0x3  }
0x84: {  	s0 =	rddreg [dreg:$0x1d];
	v3 =	vperm.xlane v3, v2  }
0x85: {  	[tilespmem:s10], [sflag:$0x1] =	stream.indirect_vreg.gather [hbm4b:s2+s3], $0x80, v4, vm0, $0xb8;
	[tilespmem:$0x18080] =	vst v63  }
0x86: {  	s11 =	rddreg [dreg:$0x1e];
	v3 =	vadd.s32 v1, v3  }
0x87: {  	[tilespmem:s0], [sflag:$0x1] =	stream.indirect_vreg.gather [hbm4b:s4+s3], $0x80, v4, vm0, $0xb8;
	[tilespmem:$0x18080] =	vst v63  }
0x88: {  	s0 =	rddreg [dreg:$0x1f]  }
0x89: {  	[tilespmem:s11], [sflag:$0x1] =	stream.indirect_vreg.gather [hbm4b:s5+s3], $0x80, v4, vm0, $0xb8;
	[tilespmem:$0x18080] =	vst v63  }
0x8a: {  	s11 =	sld [smem:$0x7FD]  }
0x8b: {  	[tilespmem:s0], [sflag:$0x1] =	stream.indirect_vreg.gather [hbm4b:s2+s3], $0x80, v3, vm0, $0xb8;
	[tilespmem:$0x18080] =	vst v63  }
0x8c: {  	_ = 	snop  }
0x8d: {  	[tilespmem:s11], [sflag:$0x1] =	stream.indirect_vreg.gather [hbm4b:s4+s3], $0x80, v3, vm0, $0xb8;
	[tilespmem:$0x18080] =	vst v63  }
0x8e: {  	s11 =	simm.s32 $0xE880  }
0x8f: {  	[tilespmem:s11], [sflag:$0x1] =	stream.indirect_vreg.gather [hbm4b:s5+s3], $0x80, v3, vm0, $0xb8;
	[tilespmem:$0x18080] =	vst v63  }
0x90: {  	v3 =	vld [tilespmem:$0x50];
	_ =	sdelay $0x4  }
0x91: {  	v61 =	vshrl.u32 v3, $0x3  }
0x92: {  	v4 =	vmul.u32 $0x30, v61  }
0x93: {  	v3 =	vand.u32 $0x7, v3  }
0x94: {  	v3 =	vor.u32 v3, v4  }
0x95: {  	v4 =	vperm.xlane v3, v0;
	_ =	sdelay $0x1  }
0x96: {  	v4 =	vadd.s32 v1, v4;
	_ =	sdelay $0x3  }
0x97: {  	v3 =	vperm.xlane v3, v2  }
0x98: {  	[tilespmem:s12], [sflag:$0x1] =	stream.indirect_vreg.gather [hbm4b:s2+s3], $0x80, v4, vm0, $0xb8;
	[tilespmem:$0x18080] =	vst v63  }
0x99: {  	v3 =	vadd.s32 v1, v3  }
0x9a: {  	[tilespmem:s13], [sflag:$0x1] =	stream.indirect_vreg.gather [hbm4b:s4+s3], $0x80, v4, vm0, $0xb8;
	[tilespmem:$0x18080] =	vst v63  }
0x9b: {  	_ = 	snop  }
0x9c: {  	[tilespmem:s14], [sflag:$0x1] =	stream.indirect_vreg.gather [hbm4b:s5+s3], $0x80, v4, vm0, $0xb8;
	[tilespmem:$0x18080] =	vst v63  }
0x9d: {  	_ = 	snop  }
0x9e: {  	[tilespmem:s15], [sflag:$0x1] =	stream.indirect_vreg.gather [hbm4b:s2+s3], $0x80, v3, vm0, $0xb8;
	[tilespmem:$0x18080] =	vst v63  }
0x9f: {  	_ = 	snop  }
0xa0: {  	[tilespmem:s16], [sflag:$0x1] =	stream.indirect_vreg.gather [hbm4b:s4+s3], $0x80, v3, vm0, $0xb8;
	[tilespmem:$0x18080] =	vst v63  }
0xa1: {  	_ = 	snop  }
0xa2: {  	[tilespmem:s17], [sflag:$0x1] =	stream.indirect_vreg.gather [hbm4b:s5+s3], $0x80, v3, vm0, $0xb8;
	[tilespmem:$0x18080] =	vst v63  }
0xa3: {  	v3 =	vld [tilespmem:$0x60];
	_ =	sdelay $0x4  }
0xa4: {  	v62 =	vshrl.u32 v3, $0x3  }
0xa5: {  	v4 =	vmul.u32 $0x30, v62  }
0xa6: {  	v3 =	vand.u32 $0x7, v3  }
0xa7: {  	v3 =	vor.u32 v3, v4  }
0xa8: {  	v4 =	vperm.xlane v3, v0;
	_ =	sdelay $0x1  }
0xa9: {  	v4 =	vadd.s32 v1, v4;
	_ =	sdelay $0x3  }
0xaa: {  	v3 =	vperm.xlane v3, v2  }
0xab: {  	[tilespmem:s18], [sflag:$0x1] =	stream.indirect_vreg.gather [hbm4b:s2+s3], $0x80, v4, vm0, $0xb8;
	[tilespmem:$0x18080] =	vst v63  }
0xac: {  	v3 =	vadd.s32 v1, v3  }
0xad: {  	[tilespmem:s19], [sflag:$0x1] =	stream.indirect_vreg.gather [hbm4b:s4+s3], $0x80, v4, vm0, $0xb8;
	[tilespmem:$0x18080] =	vst v63  }
0xae: {  	_ = 	snop  }
0xaf: {  	[tilespmem:s20], [sflag:$0x1] =	stream.indirect_vreg.gather [hbm4b:s5+s3], $0x80, v4, vm0, $0xb8;
	[tilespmem:$0x18080] =	vst v63  }
0xb0: {  	_ = 	snop  }
0xb1: {  	[tilespmem:s21], [sflag:$0x1] =	stream.indirect_vreg.gather [hbm4b:s2+s3], $0x80, v3, vm0, $0xb8;
	[tilespmem:$0x18080] =	vst v63  }
0xb2: {  	_ = 	snop  }
0xb3: {  	[tilespmem:s22], [sflag:$0x1] =	stream.indirect_vreg.gather [hbm4b:s4+s3], $0x80, v3, vm0, $0xb8;
	[tilespmem:$0x18080] =	vst v63  }
0xb4: {  	_ = 	snop  }
0xb5: {  	[tilespmem:s23], [sflag:$0x1] =	stream.indirect_vreg.gather [hbm4b:s5+s3], $0x80, v3, vm0, $0xb8;
	[tilespmem:$0x18080] =	vst v63  }
0xb6: {  	v3 =	vld [tilespmem:$0x70];
	_ =	sdelay $0x4  }
0xb7: {  	v63 =	vshrl.u32 v3, $0x3  }
0xb8: {  	v4 =	vmul.u32 $0x30, v63  }
0xb9: {  	v3 =	vand.u32 $0x7, v3  }
0xba: {  	v3 =	vor.u32 v3, v4  }
0xbb: {  	v4 =	vperm.xlane v3, v0;
	_ =	sdelay $0x1  }
0xbc: {  	v4 =	vadd.s32 v1, v4;
	_ =	sdelay $0x3  }
0xbd: {  	v3 =	vperm.xlane v3, v2  }
0xbe: {  	[tilespmem:s24], [sflag:$0x1] =	stream.indirect_vreg.gather [hbm4b:s2+s3], $0x80, v4, vm0, $0xb8;
	[tilespmem:$0x18080] =	vst v63  }
0xbf: {  	v3 =	vadd.s32 v1, v3  }
0xc0: {  	[tilespmem:s25], [sflag:$0x1] =	stream.indirect_vreg.gather [hbm4b:s4+s3], $0x80, v4, vm0, $0xb8;
	[tilespmem:$0x18080] =	vst v63  }
0xc1: {  	_ = 	snop  }
0xc2: {  	[tilespmem:s26], [sflag:$0x1] =	stream.indirect_vreg.gather [hbm4b:s5+s3], $0x80, v4, vm0, $0xb8;
	[tilespmem:$0x18080] =	vst v63  }
0xc3: {  	_ = 	snop  }
0xc4: {  	[tilespmem:s28], [sflag:$0x1] =	stream.indirect_vreg.gather [hbm4b:s2+s3], $0x80, v3, vm0, $0xb8;
	[tilespmem:$0x18080] =	vst v63  }
0xc5: {  	_ = 	snop  }
0xc6: {  	[tilespmem:s29], [sflag:$0x1] =	stream.indirect_vreg.gather [hbm4b:s4+s3], $0x80, v3, vm0, $0xb8;
	[tilespmem:$0x18080] =	vst v63  }
0xc7: {  	_ = 	snop  }
0xc8: {  	[tilespmem:s30], [sflag:$0x1] =	stream.indirect_vreg.gather [hbm4b:s5+s3], $0x80, v3, vm0, $0xb8;
	[tilespmem:$0x18080] =	vst v63  }
0xc9: {  	s11 =	rddreg [dreg:$0x4]  }
0xca: {  	[hbm4b:s11+s3] =	stream.linear.scatter [tilespmem:s8], [sflag:$0x2], $0xC000, $0x38;
	[tilespmem:$0x18080] =	vst v63  }
0xcb: {  	_ =	swait.ge [sflag:s9], $0xC000  }
0xcc: {  	[sflag:s9] =	ssyncset.done $0x0  }
0xcd: {  	s11 =	rddreg [dreg:$0x5];
	[sflag:s9] =	ssyncadd.s32 $0xFFFF4000  }
0xce: {  	[hbm4b:s11+s3] =	stream.linear.scatter [tilespmem:s10], [sflag:$0x3], $0xC000, $0x38;
	[tilespmem:$0x18080] =	vst v63  }
0xcf: {  	p0 =	sne.s32 s6, $0x1;
	_ =	swait.ge [sflag:s31], $0xC000  }
.Ltmp0:
0xd0: {  	[sflag:s31] =	ssyncset.done $0x0;
	(pc) =	sbr.rel @p0 .LBB2_1-.Ltmp0, $4  }
0xd1: {  	[sflag:s31] =	ssyncadd.s32 $0xFFFF4000  }
0xd2: {  	_ =	swait.ge [sflag:s1], $0xC000  }
0xd3: {  	[sflag:s1] =	ssyncset.done $0x0  }
0xd4: {  	s6 =	sadd.s32 $0xFFFFFFFF, s6;
	[sflag:s1] =	ssyncadd.s32 $0xFFFF4000  }
0xd5: {  	_ =	sfence.sel $0x180000  }
0xd6: {  	[bflag:$0x0] =	sbarrier.arrive $0xFFFF  }
0xd7: {  	_ =	strace $0x9000004D  }
0xd8: {  	s0 =	stileid.u32;
	[bflag:$0x2] =	sbarrier.arrive $0xFFFF  }
0xd9: {  	p0 =	sne.s32 s0, $0x0;
	s0 =	rddreg [dreg:$0x2]  }
0xda: {  	s0 =	sadd.s32 @!p0 $0x100000, s0  }
0xdb: {  	[sflag:s0] =	ssyncadd.tile.s32 @!p0 $0x1;
	_ =	shalt  }
.Lfunc_end2:
_tile_overlayer_lowered:
.L_overlay_start_2:
0xdc: {  	(tag) =	ssettag $0x2  }
0xdd: {  	s0 =	rddreg [dreg:$0x0];
	s2 =	stileid.u32  }
0xde: {  	s1 =	rddreg [dreg:$0x1];
	p0 =	sne.s32 s2, $0x0  }
0xdf: {  	s3 =	rddreg [dreg:$0x2];
	[bflag:$0x3] =	sbarrier.arrive $0xFFFF;
	s2 =	simm.s32 @!p0 $0x1C04  }
0xe0: {  	[timem:s3], [sflag:s2] =	dma.local @!p0 [hbm:s0], s1  }
0xe1: {  	s0 =	simm.s32 @!p0 $0x4  }
0xe2: {  	_ =	swait.ge @!p0 [sflag:s0], s1  }
0xe3: {  	s1 =	ssub.s32 @!p0 $0x0, s1;
	[sflag:s0] =	ssyncset.done @!p0 $0x0  }
0xe4: {  	[sflag:s0] =	ssyncadd.s32 @!p0 s1  }
0xe5: {  	[bflag:$0x3] =	sbarrier.arrive $0xFFFF  }
0xe6: {  	_ =	shalt  }

// kernel: kernel.19.cloned.1.call-start
scs
__scs_entry_jumppad:
0x0: {  	(pc) =	sbr.rel $0x88, $3  }
0x1: {  	(tag) =	ssettag $0x0;
	lr =	simm.s32 $0x1  }
0x2: {  	[smem:$0x3F99] =	sst lr;
	_ =	strace $0xD0000000  }
0x3: {  	_ = 	snop  }
0x4: {  	_ = 	snop  }
0x5: {  	_ = 	snop  }
0x6: {  	_ = 	snop  }
0x7: {  	_ = 	snop  }
__scs_overlays_trampoline_lowered:
0x8: {  	[smem:$0x3FA8] =	sst s0  }
0x9: {  	[smem:$0x3FA9] =	sst s1  }
0xa: {  	[smem:$0x3FAA] =	sst s2  }
0xb: {  	[smem:$0x3FAB] =	sst s3  }
0xc: {  	[smem:$0x3FAC] =	sst s4  }
0xd: {  	[smem:$0x3FAD] =	sst s5  }
0xe: {  	[smem:$0x3FAE] =	sst s6  }
0xf: {  	[smem:$0x3FAF] =	sst s7  }
0x10: {  	[smem:$0x3FB0] =	sst s8  }
0x11: {  	[smem:$0x3FB1] =	sst s9;
	s0 =	simm.s32 @!p0 $0x0  }
0x12: {  	s1 =	sld [smem:$0x3F97];
	s0 =	simm.s32 @p0 $0x1  }
0x13: {  	[smem:$0x3FB2] =	sst s0;
	s0 =	simm.s32 @!p1 $0x0  }
0x14: {  	s2 =	sld [smem:$0x3F96];
	s0 =	simm.s32 @p1 $0x1  }
0x15: {  	[smem:$0x3FB3] =	sst s0;
	s0 =	simm.s32 @!p2 $0x0  }
0x16: {  	s3 =	sld [smem:$0x3FDB];
	s0 =	simm.s32 @p2 $0x1  }
0x17: {  	s4 =	simm.s32 $0x1BF5;
	[smem:$0x3FB5] =	sst s0  }
0x18: {  	s0 =	sld [smem:$0x3F98];
	_ =	swait.ge [sflag:s4], $0x0  }
0x19: {  	s7 =	sld [smem:$0x3F99]  }
0x1a: {  	s8 =	sadd.s32 $0xFFFFE003, lr  }
0x1b: {  	s9 =	sadd.s32 $0xFFFFFEF7, lr;
	s5 =	simm.s32 $0xFFFFFFFF;
	p2 =	slt.u32 s8, $0xFFFFF086  }
0x1c: {  	p1 =	slt.u32 s9, $0xF7A;
	s5 =	simm.s32 @!p2 $0x0  }
0x1d: {  	s5 =	simm.s32 @p1 $0x1;
	p0 =	seq.s32 s7, s2  }
0x1e: {  	s7 =	smul.u32 @!p0 $0xF7A, s2;
	p2 =	seq.s32 @!p0 s5, $0x0  }
0x1f: {  	s9 =	smul.u32 $0xF7A, s1;
	s8 =	simm.s32 @!p0 $0x1BF5;
	p2 =	por !p2, p0  }
0x20: {  	[sflag:s8] =	ssyncset.s32 @!p0 $0xFFFFF086;
	s6 =	sadd.s32 @!p0 s3, s7;
	s7 =	simm.s32 @!p0 $0x108  }
0x21: {  	s3 =	sadd.s32 s3, s9;
	s6 =	sadd.s32 @!p0 $0x88, s6;
	s7 =	simm.s32 @p2 $0x1082  }
0x22: {  	[simem:s7], [sflag:s8] =	dma.local @!p0 [hbm:s6], $0xF7A  }
0x23: {  	s9 =	sor.u32 $0xD0000000, s2;
	s6 =	simm.s32 $0x108;
	_ =	swait.ge @!p0 [sflag:s8], $0x0  }
0x24: {  	s3 =	sadd.s32 $0x88, s3;
	s6 =	simm.s32 @!p1 $0x1082;
	[sflag:s4] =	ssyncset.s32 $0xFFFFF086  }
0x25: {  	[simem:s6], [sflag:s4] =	dma.local [hbm:s3], $0xF7A  }
0x26: {  	[smem:$0x3F99] =	sst s1;
	(tag) =	ssettag s2;
	_ =	strace s9  }
0x27: {  	s1 =	sld [smem:$0x3FA9]  }
0x28: {  	s2 =	sld [smem:$0x3FAA]  }
0x29: {  	s4 =	sld [smem:$0x3FAC]  }
0x2a: {  	p0 =	seq.s32 s5, $0x0;
	s5 =	sld [smem:$0x3FAD]  }
0x2b: {  	s6 =	sld [smem:$0x3FAE]  }
0x2c: {  	s7 =	sld [smem:$0x3FAF]  }
0x2d: {  	s3 =	simm.s32 $0x108;
	s8 =	sld [smem:$0x3FB0]  }
0x2e: {  	s3 =	simm.s32 @!p0 $0x1082;
	s9 =	sld [smem:$0x3FB1]  }
0x2f: {  	lr =	sadd.s32 s0, s3;
	s0 =	sld [smem:$0x3FA8]  }
0x30: {  	s3 =	sld [smem:$0x3FAB]  }
0x31: {  	[smem:$0x3FB4] =	sst s10  }
0x32: {  	s10 =	sld [smem:$0x3FB2];
	_ =	sdelay $0x3  }
0x33: {  	p0 =	seq.s32 s10, $0x1;
	s10 =	sld [smem:$0x3FB4];
	_ =	sdelay $0x3  }
0x34: {  	[smem:$0x3FB4] =	sst s10  }
0x35: {  	s10 =	sld [smem:$0x3FB3];
	_ =	sdelay $0x3  }
0x36: {  	p1 =	seq.s32 s10, $0x1;
	s10 =	sld [smem:$0x3FB4];
	_ =	sdelay $0x3  }
0x37: {  	[smem:$0x3FB4] =	sst s10  }
0x38: {  	s10 =	sld [smem:$0x3FB5]  }
0x39: {  	_ = 	snop;
	(pc) =	sbr.ind lr, $3  }
0x3a: {  	_ = 	snop  }
0x3b: {  	_ = 	snop  }
0x3c: {  	p2 =	seq.s32 s10, $0x1;
	s10 =	sld [smem:$0x3FB4]  }
0x3d: {  	_ =	shalt  }
0x3e: {  	_ =	shalt  }
0x3f: {  	_ =	shalt  }
0x40: {  	_ =	shalt  }
0x41: {  	_ =	shalt  }
0x42: {  	_ =	shalt  }
0x43: {  	_ =	shalt  }
0x44: {  	_ =	shalt  }
0x45: {  	_ =	shalt  }
0x46: {  	_ =	shalt  }
0x47: {  	_ =	shalt  }
0x48: {  	_ =	shalt  }
0x49: {  	_ =	shalt  }
0x4a: {  	_ =	shalt  }
0x4b: {  	_ =	shalt  }
0x4c: {  	_ =	shalt  }
0x4d: {  	_ =	shalt  }
0x4e: {  	_ =	shalt  }
0x4f: {  	_ =	shalt  }
0x50: {  	_ =	shalt  }
0x51: {  	_ =	shalt  }
0x52: {  	_ =	shalt  }
0x53: {  	_ =	shalt  }
0x54: {  	_ =	shalt  }
0x55: {  	_ =	shalt  }
0x56: {  	_ =	shalt  }
0x57: {  	_ =	shalt  }
0x58: {  	_ =	shalt  }
0x59: {  	_ =	shalt  }
0x5a: {  	_ =	shalt  }
0x5b: {  	_ =	shalt  }
0x5c: {  	_ =	shalt  }
0x5d: {  	_ =	shalt  }
0x5e: {  	_ =	shalt  }
0x5f: {  	_ =	shalt  }
0x60: {  	_ =	shalt  }
0x61: {  	_ =	shalt  }
0x62: {  	_ =	shalt  }
0x63: {  	_ =	shalt  }
0x64: {  	_ =	shalt  }
0x65: {  	_ =	shalt  }
0x66: {  	_ =	shalt  }
0x67: {  	_ =	shalt  }
0x68: {  	_ =	shalt  }
0x69: {  	_ =	shalt  }
0x6a: {  	_ =	shalt  }
0x6b: {  	_ =	shalt  }
0x6c: {  	_ =	shalt  }
0x6d: {  	_ =	shalt  }
0x6e: {  	_ =	shalt  }
0x6f: {  	_ =	shalt  }
0x70: {  	_ =	shalt  }
0x71: {  	_ =	shalt  }
0x72: {  	_ =	shalt  }
0x73: {  	_ =	shalt  }
0x74: {  	_ =	shalt  }
0x75: {  	_ =	shalt  }
0x76: {  	_ =	shalt  }
0x77: {  	_ =	shalt  }
0x78: {  	_ =	shalt  }
0x79: {  	_ =	shalt  }
0x7a: {  	_ =	shalt  }
0x7b: {  	_ =	shalt  }
0x7c: {  	_ =	shalt  }
0x7d: {  	_ =	shalt  }
0x7e: {  	_ =	shalt  }
0x7f: {  	_ =	shalt  }
0x80: {  	_ =	shalt  }
0x81: {  	_ =	shalt  }
0x82: {  	_ =	shalt  }
0x83: {  	_ =	shalt  }
0x84: {  	_ =	shalt  }
0x85: {  	_ =	shalt  }
0x86: {  	_ =	shalt  }
0x87: {  	_ =	shalt  }
.Lfunc_end0:
.L_simem_size_0:
called_computation.3_lowered:
.L_overlay_start_0:
0x88: {  	s2 =	sld [smem:$0x3FD9]  }
0x89: {  	s3 =	sld [smem:$0x3FFE];
	_ =	sdelay $0x1  }
0x8a: {  	s1 =	srdreg.scid  }
0x8b: {  	s0 =	sand.u32 $0x1, s1  }
0x8c: {  	s17 =	sshll.u32 s0, $0xA;
	s2 =	sadd.s32 s3, s2  }
0x8d: {  	s2 =	sadd.s32 s2, s17  }
0x8e: {  	[smem:$0x3FC0] =	sst s2  }
0x8f: {  	_ = 	snop  }
0x90: {  	s18 =	sld [smem:$0x3FC6];
	(tm) =	ssettm $0x1  }
0x91: {  	s19 =	sld [smem:$0x3FFB];
	_ =	sdelay $0x3  }
0x92: {  	_ =	strace s19  }
0x93: {  	s2 =	sld [smem:$0x3FFC];
	_ =	sdelay $0x3  }
0x94: {  	_ =	strace s2  }
0x95: {  	s2 =	sld [smem:$0x3FFD];
	_ =	sdelay $0x3  }
0x96: {  	_ =	strace s2  }
0x97: {  	_ =	strace $0x8FFFFFFF  }
0x98: {  	s20 =	sld [smem:$0x3FDB];
	_ =	sdelay $0x1  }
0x99: {  	s4 =	simm.s32 $_scs_section_size  }
0x9a: {  	s5 =	simm.s32 $_size__tile_overlayer_lowered;
	s6 =	simm.s32 $_tile_overlayer_lowered  }
0x9b: {  	s7 =	simm.s32 $0x1BFF;
	s21 =	sshll.u32 s6, $0x1;
	s4 =	sadd.s32 s4, s20  }
0x9c: {  	s22 =	simm.s32 $0x0;
	s5 =	sshll.u32 s5, $0x1;
	s6 =	sadd.s32 s21, s4  }
0x9d: {  	[timem:s22], [sflag:s7] =	dma.local [hbm:s6], s5  }
0x9e: {  	_ =	swait.ge [sflag:s7], s5  }
0x9f: {  	s5 =	ssub.s32 $0x0, s5;
	[sflag:s7] =	ssyncset.done $0x0  }
0xa0: {  	[sflag:s7] =	ssyncadd.s32 s5;
	_ =	sdelay $0x1  }
0xa1: {  	s23 =	simm.s32 $0x1B8B  }
0xa2: {  	_ =	swait.ge [sflag:s23], $0x1  }
0xa3: {  	[sflag:s23] =	ssyncset.done $0x0  }
0xa4: {  	[sflag:s23] =	ssyncadd.s32 $0xFFFFFFFF  }
0xa5: {  	s5 =	sld [smem:$0x0]  }
0xa6: {  	s6 =	sand.u32 $0xFFFFFFFE, s1  }
0xa7: {  	p0 =	sne.s32 s1, s6  }
0xa8: {  	s6 =	sshll.u32 @p0 s6, $0xE  }
0xa9: {  	s6 =	sadd.s32 @p0 $0x11B8D, s6;
	s7 =	sshll.u32 @p0 s5, $0x11  }
0xaa: {  	s6 =	sor.u32 @p0 s7, s6  }
0xab: {  	[sflag:s6] =	ssyncadd.remote.s32 @p0 $0x1;
	_ =	sdelay $0x1  }
0xac: {  	s6 =	simm.s32 @p0 $0x1B8D  }
0xad: {  	_ =	swait.eq @p0 [sflag:s6], $0x1  }
0xae: {  	[sflag:s6] =	ssyncadd.s32 @p0 $0xFFFFFFFF  }
0xaf: {  	s7 =	sshll.u32 @!p0 s1, $0xE  }
0xb0: {  	s7 =	sor.u32 @!p0 $0x4000, s7;
	s6 =	simm.s32 @!p0 $0x1B8D  }
0xb1: {  	s5 =	sshll.u32 @!p0 s5, $0x11;
	s7 =	sadd.s32 @!p0 $0x11B8D, s7;
	_ =	swait.eq @!p0 [sflag:s6], $0x1  }
0xb2: {  	s5 =	sor.u32 @!p0 s5, s7;
	[sflag:s6] =	ssyncadd.s32 @!p0 $0xFFFFFFFF  }
0xb3: {  	s25 =	simm.s32 $0x1B8E;
	s24 =	sld [smem:$0x3FFE];
	[sflag:s5] =	ssyncadd.remote.s32 @!p0 $0x1  }
0xb4: {  	s26 =	simm.s32 $execute0_lowered;
	[smem:$0x3FD2] =	sst s25  }
0xb5: {  	s6 =	sshll.u32 s26, $0x1;
	_ =	strace $0x8000004F;
	[dreg:$0x1] =	wrdreg $0xFFFFFFFF  }
0xb6: {  	s28 =	simm.s32 $_size_execute0_lowered;
	s4 =	sadd.s32 s4, s6;
	[dreg:$0x0] =	wrdreg $0x0  }
0xb7: {  	s6 =	sshll.u32 s28, $0x1;
	[dreg:$0x2] =	wrdreg s4  }
0xb8: {  	[dreg:$0x3] =	wrdreg s6  }
0xb9: {  	[dreg:$0x4] =	wrdreg $0xC0  }
0xba: {  	_ =	task [dreg:s22], $0x5FFFF  }
0xbb: {  	[dreg:$0x1] =	wrdreg $0xFFFFFFFF  }
0xbc: {  	[dreg:$0x0] =	wrdreg $0x60  }
0xbd: {  	[dreg:$0x2] =	wrdreg s18  }
0xbe: {  	[dreg:$0x3] =	wrdreg s24  }
0xbf: {  	[dreg:$0x4] =	wrdreg $0xC  }
0xc0: {  	_ =	task.clear_ibuf [dreg:s22], $0x5FFFF;
	_ =	strace $0x9000004F  }
0xc1: {  	s29 =	simm.s32 $0xC;
	_ =	strace $0x80000051  }
0xc2: {  	_ =	swait.ge [sflag:s29], $0x1  }
0xc3: {  	[sflag:s29] =	ssyncadd.s32 $0xFFFFFFFF  }
0xc4: {  	_ =	strace $0x90000051  }
0xc5: {  	_ =	sfence  }
0xc6: {  	s30 =	sld [smem:$0x0];
	_ =	sdelay $0x2  }
0xc7: {  	s31 =	sshll.u32 s1, $0xD;
	s1 =	sshrl.u32 s1, $0x2  }
0xc8: {  	s4 =	sand.u32 $0x4000, s31;
	s1 =	sadd.s32 s1, s30  }
0xc9: {  	s0 =	sor.u32 s4, s0;
	s1 =	sshll.u32 s1, $0x11  }
0xca: {  	s0 =	sor.u32 s1, s0  }
0xcb: {  	s0 =	sadd.s32 $0x8F2B, s0  }
0xcc: {  	[sflag:s0] =	ssyncadd.remote.s32 $0x1  }
0xcd: {  	_ =	sfence.sel $0xFFFF  }
0xce: {  	[dreg:$0x0] =	wrdreg $0xFFFFFFFF;
	(pc) =	sbr.abs _section_cstart, $3  }
0xcf: {  	[dreg:$0x1] =	wrdreg $0xFFFFFFFF  }
0xd0: {  	_ =	task.clear_ibuf [dreg:s22], $0x2FFFF;
	_ =	strace $0x9FFFFFFF  }
0xd1: {  	(tm) =	ssettm $0x7FFFFFFF  }
tec
execute0_lowered:
.L_overlay_start_1:
0x0: {  	(tag) =	ssettag $0x1  }
0x1: {  	s2 =	rddreg [dreg:$0x0]  }
0x2: {  	s4 =	rddreg [dreg:$0x1];
	s3 =	simm.s32 $0x0  }
0x3: {  	s22 =	simm.s32 $0x880;
	[smem:$0x7FF] =	sst s3  }
0x4: {  	s23 =	simm.s32 $0x1080;
	_ =	strace $0x80000050;
	[dreg:$0x6] =	wrdreg s22  }
0x5: {  	s24 =	simm.s32 $0x1880;
	[dreg:$0x7] =	wrdreg s23  }
0x6: {  	s25 =	simm.s32 $0x2080;
	[dreg:$0x8] =	wrdreg s24  }
0x7: {  	s0 =	stileid.u32;
	s26 =	simm.s32 $0x2880;
	[dreg:$0x9] =	wrdreg s25  }
0x8: {  	s5 =	sshll.u32 s0, $0x5;
	s0 =	simm.s32 $0x3080;
	[dreg:$0xa] =	wrdreg s26  }
0x9: {  	s8 =	simm.s32 $0x5080;
	[dreg:$0xb] =	wrdreg s0  }
0xa: {  	s9 =	simm.s32 $0x5880;
	[dreg:$0xf] =	wrdreg s8  }
0xb: {  	s10 =	simm.s32 $0x6080;
	[dreg:$0x10] =	wrdreg s9  }
0xc: {  	s11 =	simm.s32 $0x6880;
	[dreg:$0x11] =	wrdreg s10  }
0xd: {  	s12 =	simm.s32 $0x7080;
	[dreg:$0x12] =	wrdreg s11  }
0xe: {  	s13 =	simm.s32 $0x7880;
	[dreg:$0x13] =	wrdreg s12  }
0xf: {  	s14 =	simm.s32 $0x8080;
	[dreg:$0x14] =	wrdreg s13  }
0x10: {  	s1 =	srdreg.scid;
	s15 =	simm.s32 $0x8880;
	[dreg:$0x15] =	wrdreg s14  }
0x11: {  	s16 =	simm.s32 $0x9080;
	s17 =	simm.s32 $0x9880;
	[dreg:$0x16] =	wrdreg s15  }
0x12: {  	s18 =	simm.s32 $0xA080;
	s20 =	simm.s32 $0xA880;
	[dreg:$0x17] =	wrdreg s16  }
0x13: {  	s21 =	simm.s32 $0xB080;
	s28 =	simm.s32 $0x16880;
	[dreg:$0x18] =	wrdreg s17  }
0x14: {  	s29 =	simm.s32 $0x17080;
	s30 =	simm.s32 $0x17880;
	[dreg:$0x19] =	wrdreg s18  }
0x15: {  	s31 =	simm.s32 $0x3;
	s1 =	sand.u32 $0x1, s1;
	[dreg:$0x1a] =	wrdreg s20  }
0x16: {  	s6 =	sshll.u32 s1, $0x4;
	s1 =	ssub.s32 $0x2, s1;
	[dreg:$0x1b] =	wrdreg s21  }
0x17: {  	s22 =	simm.s32 $0xB880;
	s23 =	simm.s32 $0xC880;
	s24 =	simm.s32 $0xD080  }
0x18: {  	s25 =	simm.s32 $0xD880;
	s8 =	simm.s32 $0x80;
	s26 =	simm.s32 $0xE080  }
0x19: {  	s9 =	simm.s32 $0x1;
	s10 =	simm.s32 $0xC080;
	s12 =	simm.s32 $0xF080  }
0x1a: {  	s13 =	simm.s32 $0xF880;
	s14 =	simm.s32 $0x10080;
	[dreg:$0x1c] =	wrdreg s22  }
0x1b: {  	s15 =	simm.s32 $0x10880;
	s16 =	simm.s32 $0x11080;
	[dreg:$0x1d] =	wrdreg s23  }
0x1c: {  	s17 =	simm.s32 $0x11880;
	s18 =	simm.s32 $0x12080;
	[dreg:$0x1e] =	wrdreg s24  }
0x1d: {  	s20 =	simm.s32 $0x13080;
	s21 =	simm.s32 $0x13880;
	[dreg:$0x1f] =	wrdreg s25  }
0x1e: {  	s5 =	sor.u32 s6, s5;
	s19 =	sshrl.u32 s1, $0x1;
	[smem:$0x7FD] =	sst s26  }
0x1f: {  	s22 =	simm.s32 $0x14080;
	s23 =	simm.s32 $0x14880;
	s24 =	simm.s32 $0x15080  }
0x20: {  	s25 =	simm.s32 $0x15880;
	s26 =	simm.s32 $0x16080;
	s6 =	smul.u32 $0x1800, s5  }
0x21: {  	s7 =	sadd.s32 s5, s4;
	s5 =	smul.u32 $0x300, s5;
	s4 =	sadd.s32 $0xC2C00, s4  }
0x22: {  	s1 =	ssub.s32 s1, s19;
	s19 =	simm.s32 $0x12880;
	s7 =	sadd.s32 $0x2A00, s7  }
0x23: {  	s6 =	sshrl.u32 s6, $0x3;
	[dreg:$0x3] =	wrdreg s7;
	s5 =	sadd.s32 s4, s5  }
0x24: {  	s7 =	simm.s32 $0x4880;
	s4 =	sadd.s32 s4, s6;
	[dreg:$0x4] =	wrdreg s5  }
0x25: {  	s5 =	simm.s32 $0x3880;
	s6 =	simm.s32 $0x4080;
	[dreg:$0xe] =	wrdreg s7  }
0x26: {  	v2 =	vlaneseq.u32;
	s7 =	simm.s32 $0x4;
	s4 =	sadd.s32 $0x1800, s4;
	[dreg:$0xc] =	wrdreg s5  }
0x27: {  	vm0 =	vmmov $0xffff;
	v1 =	vshrl.u32 v2, $0x3;
	[dreg:$0xd] =	wrdreg s6;
	s5 =	sadd.s32 $0x200, s2;
	s6 =	smax.u32 s1, $0x1  }
0x28: {  	v0 =	vand.u32 $0x7, v2;
	v2 =	vor.u32 $0x8, v2;
	v1 =	vmul.u32 $0x8, v1;
	s1 =	simm.s32 $0x2;
	[dreg:$0x5] =	wrdreg s4;
	s4 =	sadd.s32 $0x100, s2  }
.LBB2_1:
0x29: {  	s0 =	rddreg [dreg:$0x3]  }
0x2a: {  	[tilespmem:s3], [sflag:$0x4] =	stream.linear.gather [hbm4b:s0+s3], $0x80, $0x38;
	[tilespmem:$0x18080] =	vst v63  }
0x2b: {  	_ =	swait.ge [sflag:s7], $0x80  }
0x2c: {  	[sflag:s7] =	ssyncset.done $0x0  }
0x2d: {  	[sflag:s7] =	ssyncadd.s32 $0xFFFFFF80  }
0x2e: {  	v3 =	vld [tilespmem:$0x0];
	_ =	sdelay $0x4  }
0x2f: {  	v4 =	vshrl.u32 v3, $0x3  }
0x30: {  	v4 =	vmul.u32 $0x30, v4  }
0x31: {  	v3 =	vand.u32 $0x7, v3  }
0x32: {  	v3 =	vor.u32 v3, v4  }
0x33: {  	v4 =	vperm.xlane v3, v0;
	_ =	sdelay $0x1  }
0x34: {  	v4 =	vadd.s32 v1, v4;
	_ =	sdelay $0x3  }
0x35: {  	v3 =	vperm.xlane v3, v2  }
0x36: {  	[tilespmem:s8], [sflag:$0x1] =	stream.indirect_vreg.gather [hbm4b:s2+s3], $0x80, v4, vm0, $0xb8;
	[tilespmem:$0x18080] =	vst v63  }
0x37: {  	s0 =	rddreg [dreg:$0x6];
	v3 =	vadd.s32 v1, v3  }
0x38: {  	[tilespmem:s0], [sflag:$0x1] =	stream.indirect_vreg.gather [hbm4b:s4+s3], $0x80, v4, vm0, $0xb8;
	[tilespmem:$0x18080] =	vst v63  }
0x39: {  	s11 =	rddreg [dreg:$0x7]  }
0x3a: {  	[tilespmem:s11], [sflag:$0x1] =	stream.indirect_vreg.gather [hbm4b:s5+s3], $0x80, v4, vm0, $0xb8;
	[tilespmem:$0x18080] =	vst v63  }
0x3b: {  	s0 =	rddreg [dreg:$0x8]  }
0x3c: {  	[tilespmem:s0], [sflag:$0x1] =	stream.indirect_vreg.gather [hbm4b:s2+s3], $0x80, v3, vm0, $0xb8;
	[tilespmem:$0x18080] =	vst v63  }
0x3d: {  	s11 =	rddreg [dreg:$0x9]  }
0x3e: {  	[tilespmem:s11], [sflag:$0x1] =	stream.indirect_vreg.gather [hbm4b:s4+s3], $0x80, v3, vm0, $0xb8;
	[tilespmem:$0x18080] =	vst v63  }
0x3f: {  	s0 =	rddreg [dreg:$0xa]  }
0x40: {  	[tilespmem:s0], [sflag:$0x1] =	stream.indirect_vreg.gather [hbm4b:s5+s3], $0x80, v3, vm0, $0xb8;
	[tilespmem:$0x18080] =	vst v63  }
0x41: {  	v3 =	vld [tilespmem:$0x10];
	_ =	sdelay $0x4  }
0x42: {  	v57 =	vshrl.u32 v3, $0x3  }
0x43: {  	v4 =	vmul.u32 $0x30, v57  }
0x44: {  	v3 =	vand.u32 $0x7, v3  }
0x45: {  	v3 =	vor.u32 v3, v4  }
0x46: {  	v4 =	vperm.xlane v3, v0;
	_ =	sdelay $0x1  }
0x47: {  	v4 =	vadd.s32 v1, v4;
	_ =	sdelay $0x3  }
0x48: {  	s0 =	rddreg [dreg:$0xb];
	v3 =	vperm.xlane v3, v2  }
0x49: {  	[tilespmem:s0], [sflag:$0x1] =	stream.indirect_vreg.gather [hbm4b:s2+s3], $0x80, v4, vm0, $0xb8;
	[tilespmem:$0x18080] =	vst v63  }
0x4a: {  	s11 =	rddreg [dreg:$0xc];
	v3 =	vadd.s32 v1, v3  }
0x4b: {  	[tilespmem:s11], [sflag:$0x1] =	stream.indirect_vreg.gather [hbm4b:s4+s3], $0x80, v4, vm0, $0xb8;
	[tilespmem:$0x18080] =	vst v63  }
0x4c: {  	s0 =	rddreg [dreg:$0xd]  }
0x4d: {  	[tilespmem:s0], [sflag:$0x1] =	stream.indirect_vreg.gather [hbm4b:s5+s3], $0x80, v4, vm0, $0xb8;
	[tilespmem:$0x18080] =	vst v63  }
0x4e: {  	s11 =	rddreg [dreg:$0xe]  }
0x4f: {  	[tilespmem:s11], [sflag:$0x1] =	stream.indirect_vreg.gather [hbm4b:s2+s3], $0x80, v3, vm0, $0xb8;
	[tilespmem:$0x18080] =	vst v63  }
0x50: {  	s0 =	rddreg [dreg:$0xf]  }
0x51: {  	[tilespmem:s0], [sflag:$0x1] =	stream.indirect_vreg.gather [hbm4b:s4+s3], $0x80, v3, vm0, $0xb8;
	[tilespmem:$0x18080] =	vst v63  }
0x52: {  	s11 =	rddreg [dreg:$0x10]  }
0x53: {  	[tilespmem:s11], [sflag:$0x1] =	stream.indirect_vreg.gather [hbm4b:s5+s3], $0x80, v3, vm0, $0xb8;
	[tilespmem:$0x18080] =	vst v63  }
0x54: {  	v3 =	vld [tilespmem:$0x20];
	_ =	sdelay $0x4  }
0x55: {  	v58 =	vshrl.u32 v3, $0x3  }
0x56: {  	v4 =	vmul.u32 $0x30, v58  }
0x57: {  	v3 =	vand.u32 $0x7, v3  }
0x58: {  	v3 =	vor.u32 v3, v4  }
0x59: {  	v4 =	vperm.xlane v3, v0;
	_ =	sdelay $0x1  }
0x5a: {  	v4 =	vadd.s32 v1, v4;
	_ =	sdelay $0x3  }
0x5b: {  	s0 =	rddreg [dreg:$0x11];
	v3 =	vperm.xlane v3, v2  }
0x5c: {  	[tilespmem:s0], [sflag:$0x1] =	stream.indirect_vreg.gather [hbm4b:s2+s3], $0x80, v4, vm0, $0xb8;
	[tilespmem:$0x18080] =	vst v63  }
0x5d: {  	s11 =	rddreg [dreg:$0x12];
	v3 =	vadd.s32 v1, v3  }
0x5e: {  	[tilespmem:s11], [sflag:$0x1] =	stream.indirect_vreg.gather [hbm4b:s4+s3], $0x80, v4, vm0, $0xb8;
	[tilespmem:$0x18080] =	vst v63  }
0x5f: {  	s0 =	rddreg [dreg:$0x13]  }
0x60: {  	[tilespmem:s0], [sflag:$0x1] =	stream.indirect_vreg.gather [hbm4b:s5+s3], $0x80, v4, vm0, $0xb8;
	[tilespmem:$0x18080] =	vst v63  }
0x61: {  	s11 =	rddreg [dreg:$0x14]  }
0x62: {  	[tilespmem:s11], [sflag:$0x1] =	stream.indirect_vreg.gather [hbm4b:s2+s3], $0x80, v3, vm0, $0xb8;
	[tilespmem:$0x18080] =	vst v63  }
0x63: {  	s0 =	rddreg [dreg:$0x15]  }
0x64: {  	[tilespmem:s0], [sflag:$0x1] =	stream.indirect_vreg.gather [hbm4b:s4+s3], $0x80, v3, vm0, $0xb8;
	[tilespmem:$0x18080] =	vst v63  }
0x65: {  	s11 =	rddreg [dreg:$0x16]  }
0x66: {  	[tilespmem:s11], [sflag:$0x1] =	stream.indirect_vreg.gather [hbm4b:s5+s3], $0x80, v3, vm0, $0xb8;
	[tilespmem:$0x18080] =	vst v63  }
0x67: {  	v3 =	vld [tilespmem:$0x30];
	_ =	sdelay $0x4  }
0x68: {  	v59 =	vshrl.u32 v3, $0x3  }
0x69: {  	v4 =	vmul.u32 $0x30, v59  }
0x6a: {  	v3 =	vand.u32 $0x7, v3  }
0x6b: {  	v3 =	vor.u32 v3, v4  }
0x6c: {  	v4 =	vperm.xlane v3, v0;
	_ =	sdelay $0x1  }
0x6d: {  	v4 =	vadd.s32 v1, v4;
	_ =	sdelay $0x3  }
0x6e: {  	s0 =	rddreg [dreg:$0x17];
	v3 =	vperm.xlane v3, v2  }
0x6f: {  	[tilespmem:s0], [sflag:$0x1] =	stream.indirect_vreg.gather [hbm4b:s2+s3], $0x80, v4, vm0, $0xb8;
	[tilespmem:$0x18080] =	vst v63  }
0x70: {  	s11 =	rddreg [dreg:$0x18];
	v3 =	vadd.s32 v1, v3  }
0x71: {  	[tilespmem:s11], [sflag:$0x1] =	stream.indirect_vreg.gather [hbm4b:s4+s3], $0x80, v4, vm0, $0xb8;
	[tilespmem:$0x18080] =	vst v63  }
0x72: {  	s0 =	rddreg [dreg:$0x19]  }
0x73: {  	[tilespmem:s0], [sflag:$0x1] =	stream.indirect_vreg.gather [hbm4b:s5+s3], $0x80, v4, vm0, $0xb8;
	[tilespmem:$0x18080] =	vst v63  }
0x74: {  	s11 =	rddreg [dreg:$0x1a]  }
0x75: {  	[tilespmem:s11], [sflag:$0x1] =	stream.indirect_vreg.gather [hbm4b:s2+s3], $0x80, v3, vm0, $0xb8;
	[tilespmem:$0x18080] =	vst v63  }
0x76: {  	s0 =	rddreg [dreg:$0x1b]  }
0x77: {  	[tilespmem:s0], [sflag:$0x1] =	stream.indirect_vreg.gather [hbm4b:s4+s3], $0x80, v3, vm0, $0xb8;
	[tilespmem:$0x18080] =	vst v63  }
0x78: {  	s11 =	rddreg [dreg:$0x1c]  }
0x79: {  	[tilespmem:s11], [sflag:$0x1] =	stream.indirect_vreg.gather [hbm4b:s5+s3], $0x80, v3, vm0, $0xb8;
	[tilespmem:$0x18080] =	vst v63  }
0x7a: {  	_ =	swait.ge [sflag:s9], $0xC000  }
0x7b: {  	[sflag:s9] =	ssyncset.done $0x0  }
0x7c: {  	[sflag:s9] =	ssyncadd.s32 $0xFFFF4000  }
0x7d: {  	v3 =	vld [tilespmem:$0x40];
	_ =	sdelay $0x4  }
0x7e: {  	v60 =	vshrl.u32 v3, $0x3  }
0x7f: {  	v4 =	vmul.u32 $0x30, v60  }
0x80: {  	v3 =	vand.u32 $0x7, v3  }
0x81: {  	v3 =	vor.u32 v3, v4  }
0x82: {  	v4 =	vperm.xlane v3, v0;
	_ =	sdelay $0x1  }
0x83: {  	v4 =	vadd.s32 v1, v4;
	_ =	sdelay $0x3  }
0x84: {  	s0 =	rddreg [dreg:$0x1d];
	v3 =	vperm.xlane v3, v2  }
0x85: {  	[tilespmem:s10], [sflag:$0x1] =	stream.indirect_vreg.gather [hbm4b:s2+s3], $0x80, v4, vm0, $0xb8;
	[tilespmem:$0x18080] =	vst v63  }
0x86: {  	s11 =	rddreg [dreg:$0x1e];
	v3 =	vadd.s32 v1, v3  }
0x87: {  	[tilespmem:s0], [sflag:$0x1] =	stream.indirect_vreg.gather [hbm4b:s4+s3], $0x80, v4, vm0, $0xb8;
	[tilespmem:$0x18080] =	vst v63  }
0x88: {  	s0 =	rddreg [dreg:$0x1f]  }
0x89: {  	[tilespmem:s11], [sflag:$0x1] =	stream.indirect_vreg.gather [hbm4b:s5+s3], $0x80, v4, vm0, $0xb8;
	[tilespmem:$0x18080] =	vst v63  }
0x8a: {  	s11 =	sld [smem:$0x7FD]  }
0x8b: {  	[tilespmem:s0], [sflag:$0x1] =	stream.indirect_vreg.gather [hbm4b:s2+s3], $0x80, v3, vm0, $0xb8;
	[tilespmem:$0x18080] =	vst v63  }
0x8c: {  	_ = 	snop  }
0x8d: {  	[tilespmem:s11], [sflag:$0x1] =	stream.indirect_vreg.gather [hbm4b:s4+s3], $0x80, v3, vm0, $0xb8;
	[tilespmem:$0x18080] =	vst v63  }
0x8e: {  	s11 =	simm.s32 $0xE880  }
0x8f: {  	[tilespmem:s11], [sflag:$0x1] =	stream.indirect_vreg.gather [hbm4b:s5+s3], $0x80, v3, vm0, $0xb8;
	[tilespmem:$0x18080] =	vst v63  }
0x90: {  	v3 =	vld [tilespmem:$0x50];
	_ =	sdelay $0x4  }
0x91: {  	v61 =	vshrl.u32 v3, $0x3  }
0x92: {  	v4 =	vmul.u32 $0x30, v61  }
0x93: {  	v3 =	vand.u32 $0x7, v3  }
0x94: {  	v3 =	vor.u32 v3, v4  }
0x95: {  	v4 =	vperm.xlane v3, v0;
	_ =	sdelay $0x1  }
0x96: {  	v4 =	vadd.s32 v1, v4;
	_ =	sdelay $0x3  }
0x97: {  	v3 =	vperm.xlane v3, v2  }
0x98: {  	[tilespmem:s12], [sflag:$0x1] =	stream.indirect_vreg.gather [hbm4b:s2+s3], $0x80, v4, vm0, $0xb8;
	[tilespmem:$0x18080] =	vst v63  }
0x99: {  	v3 =	vadd.s32 v1, v3  }
0x9a: {  	[tilespmem:s13], [sflag:$0x1] =	stream.indirect_vreg.gather [hbm4b:s4+s3], $0x80, v4, vm0, $0xb8;
	[tilespmem:$0x18080] =	vst v63  }
0x9b: {  	_ = 	snop  }
0x9c: {  	[tilespmem:s14], [sflag:$0x1] =	stream.indirect_vreg.gather [hbm4b:s5+s3], $0x80, v4, vm0, $0xb8;
	[tilespmem:$0x18080] =	vst v63  }
0x9d: {  	_ = 	snop  }
0x9e: {  	[tilespmem:s15], [sflag:$0x1] =	stream.indirect_vreg.gather [hbm4b:s2+s3], $0x80, v3, vm0, $0xb8;
	[tilespmem:$0x18080] =	vst v63  }
0x9f: {  	_ = 	snop  }
0xa0: {  	[tilespmem:s16], [sflag:$0x1] =	stream.indirect_vreg.gather [hbm4b:s4+s3], $0x80, v3, vm0, $0xb8;
	[tilespmem:$0x18080] =	vst v63  }
0xa1: {  	_ = 	snop  }
0xa2: {  	[tilespmem:s17], [sflag:$0x1] =	stream.indirect_vreg.gather [hbm4b:s5+s3], $0x80, v3, vm0, $0xb8;
	[tilespmem:$0x18080] =	vst v63  }
0xa3: {  	v3 =	vld [tilespmem:$0x60];
	_ =	sdelay $0x4  }
0xa4: {  	v62 =	vshrl.u32 v3, $0x3  }
0xa5: {  	v4 =	vmul.u32 $0x30, v62  }
0xa6: {  	v3 =	vand.u32 $0x7, v3  }
0xa7: {  	v3 =	vor.u32 v3, v4  }
0xa8: {  	v4 =	vperm.xlane v3, v0;
	_ =	sdelay $0x1  }
0xa9: {  	v4 =	vadd.s32 v1, v4;
	_ =	sdelay $0x3  }
0xaa: {  	v3 =	vperm.xlane v3, v2  }
0xab: {  	[tilespmem:s18], [sflag:$0x1] =	stream.indirect_vreg.gather [hbm4b:s2+s3], $0x80, v4, vm0, $0xb8;
	[tilespmem:$0x18080] =	vst v63  }
0xac: {  	v3 =	vadd.s32 v1, v3  }
0xad: {  	[tilespmem:s19], [sflag:$0x1] =	stream.indirect_vreg.gather [hbm4b:s4+s3], $0x80, v4, vm0, $0xb8;
	[tilespmem:$0x18080] =	vst v63  }
0xae: {  	_ = 	snop  }
0xaf: {  	[tilespmem:s20], [sflag:$0x1] =	stream.indirect_vreg.gather [hbm4b:s5+s3], $0x80, v4, vm0, $0xb8;
	[tilespmem:$0x18080] =	vst v63  }
0xb0: {  	_ = 	snop  }
0xb1: {  	[tilespmem:s21], [sflag:$0x1] =	stream.indirect_vreg.gather [hbm4b:s2+s3], $0x80, v3, vm0, $0xb8;
	[tilespmem:$0x18080] =	vst v63  }
0xb2: {  	_ = 	snop  }
0xb3: {  	[tilespmem:s22], [sflag:$0x1] =	stream.indirect_vreg.gather [hbm4b:s4+s3], $0x80, v3, vm0, $0xb8;
	[tilespmem:$0x18080] =	vst v63  }
0xb4: {  	_ = 	snop  }
0xb5: {  	[tilespmem:s23], [sflag:$0x1] =	stream.indirect_vreg.gather [hbm4b:s5+s3], $0x80, v3, vm0, $0xb8;
	[tilespmem:$0x18080] =	vst v63  }
0xb6: {  	v3 =	vld [tilespmem:$0x70];
	_ =	sdelay $0x4  }
0xb7: {  	v63 =	vshrl.u32 v3, $0x3  }
0xb8: {  	v4 =	vmul.u32 $0x30, v63  }
0xb9: {  	v3 =	vand.u32 $0x7, v3  }
0xba: {  	v3 =	vor.u32 v3, v4  }
0xbb: {  	v4 =	vperm.xlane v3, v0;
	_ =	sdelay $0x1  }
0xbc: {  	v4 =	vadd.s32 v1, v4;
	_ =	sdelay $0x3  }
0xbd: {  	v3 =	vperm.xlane v3, v2  }
0xbe: {  	[tilespmem:s24], [sflag:$0x1] =	stream.indirect_vreg.gather [hbm4b:s2+s3], $0x80, v4, vm0, $0xb8;
	[tilespmem:$0x18080] =	vst v63  }
0xbf: {  	v3 =	vadd.s32 v1, v3  }
0xc0: {  	[tilespmem:s25], [sflag:$0x1] =	stream.indirect_vreg.gather [hbm4b:s4+s3], $0x80, v4, vm0, $0xb8;
	[tilespmem:$0x18080] =	vst v63  }
0xc1: {  	_ = 	snop  }
0xc2: {  	[tilespmem:s26], [sflag:$0x1] =	stream.indirect_vreg.gather [hbm4b:s5+s3], $0x80, v4, vm0, $0xb8;
	[tilespmem:$0x18080] =	vst v63  }
0xc3: {  	_ = 	snop  }
0xc4: {  	[tilespmem:s28], [sflag:$0x1] =	stream.indirect_vreg.gather [hbm4b:s2+s3], $0x80, v3, vm0, $0xb8;
	[tilespmem:$0x18080] =	vst v63  }
0xc5: {  	_ = 	snop  }
0xc6: {  	[tilespmem:s29], [sflag:$0x1] =	stream.indirect_vreg.gather [hbm4b:s4+s3], $0x80, v3, vm0, $0xb8;
	[tilespmem:$0x18080] =	vst v63  }
0xc7: {  	_ = 	snop  }
0xc8: {  	[tilespmem:s30], [sflag:$0x1] =	stream.indirect_vreg.gather [hbm4b:s5+s3], $0x80, v3, vm0, $0xb8;
	[tilespmem:$0x18080] =	vst v63  }
0xc9: {  	s11 =	rddreg [dreg:$0x4]  }
0xca: {  	[hbm4b:s11+s3] =	stream.linear.scatter [tilespmem:s8], [sflag:$0x2], $0xC000, $0x38;
	[tilespmem:$0x18080] =	vst v63  }
0xcb: {  	_ =	swait.ge [sflag:s9], $0xC000  }
0xcc: {  	[sflag:s9] =	ssyncset.done $0x0  }
0xcd: {  	s11 =	rddreg [dreg:$0x5];
	[sflag:s9] =	ssyncadd.s32 $0xFFFF4000  }
0xce: {  	[hbm4b:s11+s3] =	stream.linear.scatter [tilespmem:s10], [sflag:$0x3], $0xC000, $0x38;
	[tilespmem:$0x18080] =	vst v63  }
0xcf: {  	p0 =	sne.s32 s6, $0x1;
	_ =	swait.ge [sflag:s31], $0xC000  }
.Ltmp0:
0xd0: {  	[sflag:s31] =	ssyncset.done $0x0;
	(pc) =	sbr.rel @p0 .LBB2_1-.Ltmp0, $4  }
0xd1: {  	[sflag:s31] =	ssyncadd.s32 $0xFFFF4000  }
0xd2: {  	_ =	swait.ge [sflag:s1], $0xC000  }
0xd3: {  	[sflag:s1] =	ssyncset.done $0x0  }
0xd4: {  	s6 =	sadd.s32 $0xFFFFFFFF, s6;
	[sflag:s1] =	ssyncadd.s32 $0xFFFF4000  }
0xd5: {  	_ =	sfence.sel $0x180000  }
0xd6: {  	[bflag:$0x0] =	sbarrier.arrive $0xFFFF  }
0xd7: {  	_ =	strace $0x90000050  }
0xd8: {  	s0 =	stileid.u32;
	[bflag:$0x2] =	sbarrier.arrive $0xFFFF  }
0xd9: {  	p0 =	sne.s32 s0, $0x0;
	s0 =	rddreg [dreg:$0x2]  }
0xda: {  	s0 =	sadd.s32 @!p0 $0x100000, s0  }
0xdb: {  	[sflag:s0] =	ssyncadd.tile.s32 @!p0 $0x1;
	_ =	shalt  }
.Lfunc_end2:
_tile_overlayer_lowered:
.L_overlay_start_2:
0xdc: {  	(tag) =	ssettag $0x2  }
0xdd: {  	s0 =	rddreg [dreg:$0x0];
	s2 =	stileid.u32  }
0xde: {  	s1 =	rddreg [dreg:$0x1];
	p0 =	sne.s32 s2, $0x0  }
0xdf: {  	s3 =	rddreg [dreg:$0x2];
	[bflag:$0x3] =	sbarrier.arrive $0xFFFF;
	s2 =	simm.s32 @!p0 $0x1C04  }
0xe0: {  	[timem:s3], [sflag:s2] =	dma.local @!p0 [hbm:s0], s1  }
0xe1: {  	s0 =	simm.s32 @!p0 $0x4  }
0xe2: {  	_ =	swait.ge @!p0 [sflag:s0], s1  }
0xe3: {  	s1 =	ssub.s32 @!p0 $0x0, s1;
	[sflag:s0] =	ssyncset.done @!p0 $0x0  }
0xe4: {  	[sflag:s0] =	ssyncadd.s32 @!p0 s1  }
0xe5: {  	[bflag:$0x3] =	sbarrier.arrive $0xFFFF  }
0xe6: {  	_ =	shalt  }

</sc_bundles>
